<compile_context>
chip_gen: v7x
topology: tpu7x:2x2x1
jax: 0.10.2.dev20260603
libtpu: 0.0.44.dev20260713+nightly
codegen_flags: <defaults>
</compile_context>

<pallas_src>
import functools

import jax
import jax.numpy as jnp
from jax import lax
from jax.experimental import pallas as pl
from jax.experimental.pallas import tpu as pltpu
from jax.experimental.pallas import tpu_sc as plsc

B, L, D = 4096, 200, 128
V, T, P = 1000, 31, 512
N = B * L
EPS = 1e-12

NC, NS = 2, 16
NW = NC * NS
C = 128
PER_W = N // NW
NCHUNK = PER_W // C


def _rsqrt(x):
    i = lax.bitcast_convert_type(x, jnp.int32)
    i = jnp.int32(0x5F3759DF) - (i >> 1)
    y = lax.bitcast_convert_type(i, jnp.float32)
    for _ in range(3):
        y = y * (1.5 - 0.5 * x * y * y)
    return y


def _tree_sum(xs):
    xs = list(xs)
    while len(xs) > 1:
        nxt = [xs[i] + xs[i + 1] for i in range(0, len(xs) - 1, 2)]
        if len(xs) % 2:
            nxt.append(xs[-1])
        xs = nxt
    return xs[0]


_GATHER_DNUMS = lax.GatherDimensionNumbers(
    offset_dims=(), collapsed_slice_dims=(0,), start_index_map=(0,))


def _shuffle(v, idx):
    return lax.gather(v, idx[:, None], dimension_numbers=_GATHER_DNUMS,
                      slice_sizes=(1,),
                      mode=lax.GatherScatterMode.PROMISE_IN_BOUNDS)


def _hsum(v):
    for sh in (8, 4, 2, 1):
        idx = (lax.iota(jnp.int32, 16) + sh) & 15
        v = v + _shuffle(v, idx)
    return v


def _sc_body(x_hbm, tt_hbm, pp_hbm, tileT, typeT, posT, gamma_hbm, beta_hbm,
             out_hbm, xi, ti, pi, bufA, bufB, bufC, gv, bv,
             semA0, semA1, semB0, semB1, semC0, semC1, semO0, semO1):
    wid = lax.axis_index("s") * NC + lax.axis_index("c")
    w0 = wid * PER_W
    semA = (semA0, semA1)
    semB = (semB0, semB1)
    semC = (semC0, semC1)
    semO = (semO0, semO1)

    pltpu.sync_copy(gamma_hbm, gv)
    pltpu.sync_copy(beta_hbm, bv)

    def fire(gg, b):
        base = w0 + gg * C
        pltpu.sync_copy(x_hbm.at[pl.ds(base, C)], xi.at[b])
        pltpu.sync_copy(tt_hbm.at[pl.ds(base, C)], ti.at[b])
        pltpu.sync_copy(pp_hbm.at[pl.ds(base, C)], pi.at[b])
        pltpu.async_copy(tileT.at[xi.at[b]], bufA.at[b], semA[b])
        pltpu.async_copy(typeT.at[ti.at[b]], bufB.at[b], semB[b])
        pltpu.async_copy(posT.at[pi.at[b]], bufC.at[b], semC[b])

    def wait_gathers(b):
        pltpu.make_async_copy(tileT.at[xi.at[b]], bufA.at[b], semA[b]).wait()
        pltpu.make_async_copy(typeT.at[ti.at[b]], bufB.at[b], semB[b]).wait()
        pltpu.make_async_copy(posT.at[pi.at[b]], bufC.at[b], semC[b]).wait()

    def wait_out(gg, b):
        base = w0 + gg * C
        pltpu.make_async_copy(bufA.at[b], out_hbm.at[pl.ds(base, C)],
                              semO[b]).wait()

    def compute(b):
        def one_token(t):
            vs = []
            for d8 in range(8):
                sl = pl.ds(d8 * 16, 16)
                vs.append(bufA[b, t, sl] + bufB[b, t, sl] + bufC[b, t, sl])
            mean = _hsum(_tree_sum(vs)) * (1.0 / 128.0)
            var = _hsum(_tree_sum([v * v for v in vs])) * (1.0 / 128.0)
            var = var - mean * mean
            rstd = _rsqrt(var + EPS)
            for d8 in range(8):
                sl = pl.ds(d8 * 16, 16)
                bufA[b, t, sl] = (vs[d8] - mean) * rstd * gv[sl] + bv[sl]

        def pair_body(i, _):
            one_token(2 * i)
            one_token(2 * i + 1)
            return 0

        lax.fori_loop(0, C // 2, pair_body, 0)

    fire(0, 0)

    def pair_body(i, _):
        for b in (0, 1):
            gg = 2 * i + b
            wait_gathers(b)
            @pl.when(gg >= 1)
            def _():
                wait_out(gg - 1, 1 - b)

            @pl.when(gg + 1 < NCHUNK)
            def _():
                fire(gg + 1, 1 - b)

            compute(b)
            base = w0 + gg * C
            pltpu.async_copy(bufA.at[b], out_hbm.at[pl.ds(base, C)], semO[b])
        return 0

    lax.fori_loop(0, NCHUNK // 2, pair_body, 0)
    wait_out(NCHUNK - 1, 1)


@jax.jit
def _run(x, tt, pp, tileT, typeT, posT, gamma, beta):
    mesh = plsc.VectorSubcoreMesh(core_axis_name="c", subcore_axis_name="s")
    kfn = pl.kernel(
        _sc_body,
        mesh=mesh,
        out_type=jax.ShapeDtypeStruct((N, D), jnp.float32),
        scratch_types=[
            pltpu.VMEM((2, C), jnp.int32),
            pltpu.VMEM((2, C), jnp.int32),
            pltpu.VMEM((2, C), jnp.int32),
            pltpu.VMEM((2, C, D), jnp.float32),
            pltpu.VMEM((2, C, D), jnp.float32),
            pltpu.VMEM((2, C, D), jnp.float32),
            pltpu.VMEM((D,), jnp.float32),
            pltpu.VMEM((D,), jnp.float32),
            pltpu.SemaphoreType.DMA,
            pltpu.SemaphoreType.DMA,
            pltpu.SemaphoreType.DMA,
            pltpu.SemaphoreType.DMA,
            pltpu.SemaphoreType.DMA,
            pltpu.SemaphoreType.DMA,
            pltpu.SemaphoreType.DMA,
            pltpu.SemaphoreType.DMA,
        ],
    )
    return kfn(x, tt, pp, tileT, typeT, posT, gamma, beta)


def kernel(x, token_type_ids, pos_ids, tile_table, type_table, pos_table,
           gamma, beta):
    xf = x.reshape(N).astype(jnp.int32)
    tf = token_type_ids.reshape(N).astype(jnp.int32)
    pf = pos_ids.reshape(N).astype(jnp.int32)
    out = _run(xf, tf, pf, tile_table, type_table, pos_table, gamma, beta)
    return out.reshape(B, L, D)

# --- scband reference (transcript-rebuilt; emitter-appended) ---
"""Pipeline reference for scband-mahjong-embeddings-9088150798781 (READ-ONLY COPY).

The authoritative reference and input builder live on the scoring server;
editing this copy changes nothing except your own understanding.
"""

import jax, jax.numpy as jnp
import numpy as np

B, L, D = 4096, 200, 128
V, T, P = 1000, 31, 512
EPS = 1e-12


def setup_inputs(seed: int = 0):
    key = jax.random.key(seed)
    ks = jax.random.split(key, 8)
    x = jax.random.randint(ks[0], (B, L), 0, V)
    token_type_ids = jax.random.randint(ks[1], (B, L), 0, T)
    pos_ids = jax.random.randint(ks[2], (B, L), 0, P)
    tile_table = jax.random.normal(ks[3], (V, D), dtype=jnp.float32) * 0.02
    tile_table = tile_table.at[0].set(0.0)  # padding_idx=0
    type_table = jax.random.normal(ks[4], (T, D), dtype=jnp.float32) * 0.02
    type_table = type_table.at[0].set(0.0)  # padding_idx=0
    pos_table = jax.random.normal(ks[5], (P, D), dtype=jnp.float32) * 0.02
    gamma = jnp.ones((D,), dtype=jnp.float32)
    beta = jnp.zeros((D,), dtype=jnp.float32)
    return {
        'x': x,
        'token_type_ids': token_type_ids,
        'pos_ids': pos_ids,
        'tile_table': tile_table,
        'type_table': type_table,
        'pos_table': pos_table,
        'gamma': gamma,
        'beta': beta,
    }


def reference(x, token_type_ids, pos_ids, tile_table, type_table, pos_table, gamma, beta):
    emb = jnp.take(tile_table, x, axis=0)
    emb = emb + jnp.take(type_table, token_type_ids, axis=0)
    emb = emb + jnp.take(pos_table, pos_ids, axis=0)
    mean = jnp.mean(emb, axis=-1, keepdims=True)
    var = jnp.mean(jnp.square(emb - mean), axis=-1, keepdims=True)
    out = (emb - mean) / jnp.sqrt(var + EPS)
    out = out * gamma + beta
    # dropout p=0.0 (eval) -> identity
    return out

if __name__ == "__main__":
    import jax
    _d = setup_inputs()
    print(jax.jit(kernel)(*tuple(_d.values())))

</pallas_src>

<mosaic_0001>
#map = affine_map<(d0, d1) -> (0)>
#map1 = affine_map<(d0, d1) -> (0, 0)>
module attributes {stable_mosaic.version = 14 : i64} {
  func.func @_sc_body(%arg0: i32, %arg1: i32, %arg2: memref<819200xi32, #tpu.memory_space<hbm>>, %arg3: memref<819200xi32, #tpu.memory_space<hbm>>, %arg4: memref<819200xi32, #tpu.memory_space<hbm>>, %arg5: memref<1000x128xf32, #tpu.memory_space<hbm>>, %arg6: memref<31x128xf32, #tpu.memory_space<hbm>>, %arg7: memref<512x128xf32, #tpu.memory_space<hbm>>, %arg8: memref<128xf32, #tpu.memory_space<hbm>>, %arg9: memref<128xf32, #tpu.memory_space<hbm>>, %arg10: memref<819200x128xf32, #tpu.memory_space<hbm>>, %arg11: memref<2x128xi32, #tpu.memory_space<vmem>>, %arg12: memref<2x128xi32, #tpu.memory_space<vmem>>, %arg13: memref<2x128xi32, #tpu.memory_space<vmem>>, %arg14: memref<2x128x128xf32, #tpu.memory_space<vmem>>, %arg15: memref<2x128x128xf32, #tpu.memory_space<vmem>>, %arg16: memref<2x128x128xf32, #tpu.memory_space<vmem>>, %arg17: memref<128xf32, #tpu.memory_space<vmem>>, %arg18: memref<128xf32, #tpu.memory_space<vmem>>, %arg19: memref<!tpu.dma_semaphore, #tpu.memory_space<semaphore_mem>>, %arg20: memref<!tpu.dma_semaphore, #tpu.memory_space<semaphore_mem>>, %arg21: memref<!tpu.dma_semaphore, #tpu.memory_space<semaphore_mem>>, %arg22: memref<!tpu.dma_semaphore, #tpu.memory_space<semaphore_mem>>, %arg23: memref<!tpu.dma_semaphore, #tpu.memory_space<semaphore_mem>>, %arg24: memref<!tpu.dma_semaphore, #tpu.memory_space<semaphore_mem>>, %arg25: memref<!tpu.dma_semaphore, #tpu.memory_space<semaphore_mem>>, %arg26: memref<!tpu.dma_semaphore, #tpu.memory_space<semaphore_mem>>) attributes {dimension_semantics = [#tpu.dimension_semantics<core_parallel>, #tpu.dimension_semantics<subcore_parallel>], iteration_bounds = array<i64: 2, 16>, scalar_prefetch = 0 : i64, scratch_operands = 16 : i64, tpu.core_type = #tpu.core_type<sc_vector_subcore>, window_params = [{transform_indices = #map}, {transform_indices = #map}, {transform_indices = #map}, {transform_indices = #map1}, {transform_indices = #map1}, {transform_indices = #map1}, {transform_indices = #map}, {transform_indices = #map}, {transform_indices = #map1}]} {
    %mul3A = arith.constant 2 : i32
    %mul3A_0 = arith.muli %arg1, %mul3A : i32
    %add3A = arith.addi %mul3A_0, %arg0 : i32
    %mul3A_1 = arith.constant 25600 : i32
    %mul3A_2 = arith.muli %add3A, %mul3A_1 : i32
    "tpu.region"() ({
      %run_scoped3A_62 = tpu.sem_alloc : memref<!tpu.dma_semaphore, #tpu.memory_space<semaphore_mem>>
      tpu.enqueue_dma source(%arg8 : memref<128xf32, #tpu.memory_space<hbm>>) target(%arg17 : memref<128xf32, #tpu.memory_space<vmem>>) target_semaphore(%run_scoped3A_62 : memref<!tpu.dma_semaphore, #tpu.memory_space<semaphore_mem>>)
      tpu.wait_dma2 semaphore(%run_scoped3A_62 : memref<!tpu.dma_semaphore, #tpu.memory_space<semaphore_mem>>) src(%arg8 : memref<128xf32, #tpu.memory_space<hbm>>) dst(%arg17 : memref<128xf32, #tpu.memory_space<vmem>>)
      tpu.yield
    }) : () -> ()
    "tpu.region"() ({
      %run_scoped3A_62 = tpu.sem_alloc : memref<!tpu.dma_semaphore, #tpu.memory_space<semaphore_mem>>
      tpu.enqueue_dma source(%arg9 : memref<128xf32, #tpu.memory_space<hbm>>) target(%arg18 : memref<128xf32, #tpu.memory_space<vmem>>) target_semaphore(%run_scoped3A_62 : memref<!tpu.dma_semaphore, #tpu.memory_space<semaphore_mem>>)
      tpu.wait_dma2 semaphore(%run_scoped3A_62 : memref<!tpu.dma_semaphore, #tpu.memory_space<semaphore_mem>>) src(%arg9 : memref<128xf32, #tpu.memory_space<hbm>>) dst(%arg18 : memref<128xf32, #tpu.memory_space<vmem>>)
      tpu.yield
    }) : () -> ()
    %add3A_3 = arith.constant 0 : i32
    %add3A_4 = arith.addi %mul3A_2, %add3A_3 : i32
    %run_scoped3A = arith.constant 0 : i32
    "tpu.region"() ({
      %run_scoped3A_62 = tpu.sem_alloc : memref<!tpu.dma_semaphore, #tpu.memory_space<semaphore_mem>>
      %dma_start3A_63 = arith.constant 0 : i32
      %dma_start3A_64 = tpu.memref_slice %arg11[%run_scoped3A, %dma_start3A_63] : memref<2x128xi32, #tpu.memory_space<vmem>> -> memref<1x128xi32, #tpu.memory_space<vmem>>
      %dma_start3A_65 = tpu.memref_squeeze %dma_start3A_64 : memref<1x128xi32, #tpu.memory_space<vmem>> -> memref<128xi32, #tpu.memory_space<vmem>>
      %dma_start3A_66 = tpu.memref_slice %arg2[%add3A_4] : memref<819200xi32, #tpu.memory_space<hbm>> -> memref<128xi32, #tpu.memory_space<hbm>>
      %dma_start3A_67 = arith.constant 0 : i32
      %dma_start3A_68 = tpu.memref_slice %arg11[%run_scoped3A, %dma_start3A_67] : memref<2x128xi32, #tpu.memory_space<vmem>> -> memref<1x128xi32, #tpu.memory_space<vmem>>
      %dma_start3A_69 = tpu.memref_squeeze %dma_start3A_68 : memref<1x128xi32, #tpu.memory_space<vmem>> -> memref<128xi32, #tpu.memory_space<vmem>>
      %dma_start3A_70 = tpu.memref_slice %arg2[%add3A_4] : memref<819200xi32, #tpu.memory_space<hbm>> -> memref<128xi32, #tpu.memory_space<hbm>>
      tpu.enqueue_dma source(%dma_start3A_70 : memref<128xi32, #tpu.memory_space<hbm>>) target(%dma_start3A_69 : memref<128xi32, #tpu.memory_space<vmem>>) target_semaphore(%run_scoped3A_62 : memref<!tpu.dma_semaphore, #tpu.memory_space<semaphore_mem>>)
      %dma_wait3A_71 = arith.constant 0 : i32
      %dma_wait3A_72 = tpu.memref_slice %arg11[%run_scoped3A, %dma_wait3A_71] : memref<2x128xi32, #tpu.memory_space<vmem>> -> memref<1x128xi32, #tpu.memory_space<vmem>>
      %dma_wait3A_73 = tpu.memref_squeeze %dma_wait3A_72 : memref<1x128xi32, #tpu.memory_space<vmem>> -> memref<128xi32, #tpu.memory_space<vmem>>
      %dma_wait3A_74 = tpu.memref_slice %arg2[%add3A_4] : memref<819200xi32, #tpu.memory_space<hbm>> -> memref<128xi32, #tpu.memory_space<hbm>>
      %dma_wait3A_75 = arith.constant 0 : i32
      %dma_wait3A_76 = tpu.memref_slice %arg11[%run_scoped3A, %dma_wait3A_75] : memref<2x128xi32, #tpu.memory_space<vmem>> -> memref<1x128xi32, #tpu.memory_space<vmem>>
      %dma_wait3A_77 = tpu.memref_squeeze %dma_wait3A_76 : memref<1x128xi32, #tpu.memory_space<vmem>> -> memref<128xi32, #tpu.memory_space<vmem>>
      %dma_wait3A_78 = tpu.memref_slice %arg2[%add3A_4] : memref<819200xi32, #tpu.memory_space<hbm>> -> memref<128xi32, #tpu.memory_space<hbm>>
      tpu.wait_dma2 semaphore(%run_scoped3A_62 : memref<!tpu.dma_semaphore, #tpu.memory_space<semaphore_mem>>) src(%dma_wait3A_78 : memref<128xi32, #tpu.memory_space<hbm>>) dst(%dma_wait3A_77 : memref<128xi32, #tpu.memory_space<vmem>>)
      tpu.yield
    }) : () -> ()
    %run_scoped3A_5 = arith.constant 0 : i32
    "tpu.region"() ({
      %run_scoped3A_62 = tpu.sem_alloc : memref<!tpu.dma_semaphore, #tpu.memory_space<semaphore_mem>>
      %dma_start3A_63 = arith.constant 0 : i32
      %dma_start3A_64 = tpu.memref_slice %arg12[%run_scoped3A_5, %dma_start3A_63] : memref<2x128xi32, #tpu.memory_space<vmem>> -> memref<1x128xi32, #tpu.memory_space<vmem>>
      %dma_start3A_65 = tpu.memref_squeeze %dma_start3A_64 : memref<1x128xi32, #tpu.memory_space<vmem>> -> memref<128xi32, #tpu.memory_space<vmem>>
      %dma_start3A_66 = tpu.memref_slice %arg3[%add3A_4] : memref<819200xi32, #tpu.memory_space<hbm>> -> memref<128xi32, #tpu.memory_space<hbm>>
      %dma_start3A_67 = arith.constant 0 : i32
      %dma_start3A_68 = tpu.memref_slice %arg12[%run_scoped3A_5, %dma_start3A_67] : memref<2x128xi32, #tpu.memory_space<vmem>> -> memref<1x128xi32, #tpu.memory_space<vmem>>
      %dma_start3A_69 = tpu.memref_squeeze %dma_start3A_68 : memref<1x128xi32, #tpu.memory_space<vmem>> -> memref<128xi32, #tpu.memory_space<vmem>>
      %dma_start3A_70 = tpu.memref_slice %arg3[%add3A_4] : memref<819200xi32, #tpu.memory_space<hbm>> -> memref<128xi32, #tpu.memory_space<hbm>>
      tpu.enqueue_dma source(%dma_start3A_70 : memref<128xi32, #tpu.memory_space<hbm>>) target(%dma_start3A_69 : memref<128xi32, #tpu.memory_space<vmem>>) target_semaphore(%run_scoped3A_62 : memref<!tpu.dma_semaphore, #tpu.memory_space<semaphore_mem>>)
      %dma_wait3A_71 = arith.constant 0 : i32
      %dma_wait3A_72 = tpu.memref_slice %arg12[%run_scoped3A_5, %dma_wait3A_71] : memref<2x128xi32, #tpu.memory_space<vmem>> -> memref<1x128xi32, #tpu.memory_space<vmem>>
      %dma_wait3A_73 = tpu.memref_squeeze %dma_wait3A_72 : memref<1x128xi32, #tpu.memory_space<vmem>> -> memref<128xi32, #tpu.memory_space<vmem>>
      %dma_wait3A_74 = tpu.memref_slice %arg3[%add3A_4] : memref<819200xi32, #tpu.memory_space<hbm>> -> memref<128xi32, #tpu.memory_space<hbm>>
      %dma_wait3A_75 = arith.constant 0 : i32
      %dma_wait3A_76 = tpu.memref_slice %arg12[%run_scoped3A_5, %dma_wait3A_75] : memref<2x128xi32, #tpu.memory_space<vmem>> -> memref<1x128xi32, #tpu.memory_space<vmem>>
      %dma_wait3A_77 = tpu.memref_squeeze %dma_wait3A_76 : memref<1x128xi32, #tpu.memory_space<vmem>> -> memref<128xi32, #tpu.memory_space<vmem>>
      %dma_wait3A_78 = tpu.memref_slice %arg3[%add3A_4] : memref<819200xi32, #tpu.memory_space<hbm>> -> memref<128xi32, #tpu.memory_space<hbm>>
      tpu.wait_dma2 semaphore(%run_scoped3A_62 : memref<!tpu.dma_semaphore, #tpu.memory_space<semaphore_mem>>) src(%dma_wait3A_78 : memref<128xi32, #tpu.memory_space<hbm>>) dst(%dma_wait3A_77 : memref<128xi32, #tpu.memory_space<vmem>>)
      tpu.yield
    }) : () -> ()
    %run_scoped3A_6 = arith.constant 0 : i32
    "tpu.region"() ({
      %run_scoped3A_62 = tpu.sem_alloc : memref<!tpu.dma_semaphore, #tpu.memory_space<semaphore_mem>>
      %dma_start3A_63 = arith.constant 0 : i32
      %dma_start3A_64 = tpu.memref_slice %arg13[%run_scoped3A_6, %dma_start3A_63] : memref<2x128xi32, #tpu.memory_space<vmem>> -> memref<1x128xi32, #tpu.memory_space<vmem>>
      %dma_start3A_65 = tpu.memref_squeeze %dma_start3A_64 : memref<1x128xi32, #tpu.memory_space<vmem>> -> memref<128xi32, #tpu.memory_space<vmem>>
      %dma_start3A_66 = tpu.memref_slice %arg4[%add3A_4] : memref<819200xi32, #tpu.memory_space<hbm>> -> memref<128xi32, #tpu.memory_space<hbm>>
      %dma_start3A_67 = arith.constant 0 : i32
      %dma_start3A_68 = tpu.memref_slice %arg13[%run_scoped3A_6, %dma_start3A_67] : memref<2x128xi32, #tpu.memory_space<vmem>> -> memref<1x128xi32, #tpu.memory_space<vmem>>
      %dma_start3A_69 = tpu.memref_squeeze %dma_start3A_68 : memref<1x128xi32, #tpu.memory_space<vmem>> -> memref<128xi32, #tpu.memory_space<vmem>>
      %dma_start3A_70 = tpu.memref_slice %arg4[%add3A_4] : memref<819200xi32, #tpu.memory_space<hbm>> -> memref<128xi32, #tpu.memory_space<hbm>>
      tpu.enqueue_dma source(%dma_start3A_70 : memref<128xi32, #tpu.memory_space<hbm>>) target(%dma_start3A_69 : memref<128xi32, #tpu.memory_space<vmem>>) target_semaphore(%run_scoped3A_62 : memref<!tpu.dma_semaphore, #tpu.memory_space<semaphore_mem>>)
      %dma_wait3A_71 = arith.constant 0 : i32
      %dma_wait3A_72 = tpu.memref_slice %arg13[%run_scoped3A_6, %dma_wait3A_71] : memref<2x128xi32, #tpu.memory_space<vmem>> -> memref<1x128xi32, #tpu.memory_space<vmem>>
      %dma_wait3A_73 = tpu.memref_squeeze %dma_wait3A_72 : memref<1x128xi32, #tpu.memory_space<vmem>> -> memref<128xi32, #tpu.memory_space<vmem>>
      %dma_wait3A_74 = tpu.memref_slice %arg4[%add3A_4] : memref<819200xi32, #tpu.memory_space<hbm>> -> memref<128xi32, #tpu.memory_space<hbm>>
      %dma_wait3A_75 = arith.constant 0 : i32
      %dma_wait3A_76 = tpu.memref_slice %arg13[%run_scoped3A_6, %dma_wait3A_75] : memref<2x128xi32, #tpu.memory_space<vmem>> -> memref<1x128xi32, #tpu.memory_space<vmem>>
      %dma_wait3A_77 = tpu.memref_squeeze %dma_wait3A_76 : memref<1x128xi32, #tpu.memory_space<vmem>> -> memref<128xi32, #tpu.memory_space<vmem>>
      %dma_wait3A_78 = tpu.memref_slice %arg4[%add3A_4] : memref<819200xi32, #tpu.memory_space<hbm>> -> memref<128xi32, #tpu.memory_space<hbm>>
      tpu.wait_dma2 semaphore(%run_scoped3A_62 : memref<!tpu.dma_semaphore, #tpu.memory_space<semaphore_mem>>) src(%dma_wait3A_78 : memref<128xi32, #tpu.memory_space<hbm>>) dst(%dma_wait3A_77 : memref<128xi32, #tpu.memory_space<vmem>>)
      tpu.yield
    }) : () -> ()
    %dma_start3A = arith.constant 0 : i32
    %dma_start3A_7 = arith.constant 0 : i32
    %dma_start3A_8 = arith.constant 0 : i32
    %dma_start3A_9 = arith.constant 0 : i32
    %dma_start3A_10 = tpu.memref_slice %arg14[%dma_start3A_7, %dma_start3A_8, %dma_start3A_9] : memref<2x128x128xf32, #tpu.memory_space<vmem>> -> memref<1x128x128xf32, #tpu.memory_space<vmem>>
    %dma_start3A_11 = tpu.memref_squeeze %dma_start3A_10 : memref<1x128x128xf32, #tpu.memory_space<vmem>> -> memref<128x128xf32, #tpu.memory_space<vmem>>
    %dma_start3A_12 = arith.constant 0 : i32
    %dma_start3A_13 = tpu.memref_slice %arg11[%dma_start3A, %dma_start3A_12] : memref<2x128xi32, #tpu.memory_space<vmem>> -> memref<1x128xi32, #tpu.memory_space<vmem>>
    %dma_start3A_14 = tpu.memref_squeeze %dma_start3A_13 : memref<1x128xi32, #tpu.memory_space<vmem>> -> memref<128xi32, #tpu.memory_space<vmem>>
    %dma_start3A_15 = arith.constant 0 : i32
    %dma_start3A_16 = arith.constant 0 : i32
    %dma_start3A_17 = tpu.memref_slice %arg5[%dma_start3A_15, %dma_start3A_16] : memref<1000x128xf32, #tpu.memory_space<hbm>> -> memref<1000x128xf32, #tpu.memory_space<hbm>>
    tpu.enqueue_indirect_dma source(%dma_start3A_17 : memref<1000x128xf32, #tpu.memory_space<hbm>>) target(%dma_start3A_11 : memref<128x128xf32, #tpu.memory_space<vmem>>) offsets(%dma_start3A_14 : memref<128xi32, #tpu.memory_space<vmem>>) semaphore(%arg19 : memref<!tpu.dma_semaphore, #tpu.memory_space<semaphore_mem>>)
    %dma_start3A_18 = arith.constant 0 : i32
    %dma_start3A_19 = arith.constant 0 : i32
    %dma_start3A_20 = arith.constant 0 : i32
    %dma_start3A_21 = arith.constant 0 : i32
    %dma_start3A_22 = tpu.memref_slice %arg15[%dma_start3A_19, %dma_start3A_20, %dma_start3A_21] : memref<2x128x128xf32, #tpu.memory_space<vmem>> -> memref<1x128x128xf32, #tpu.memory_space<vmem>>
    %dma_start3A_23 = tpu.memref_squeeze %dma_start3A_22 : memref<1x128x128xf32, #tpu.memory_space<vmem>> -> memref<128x128xf32, #tpu.memory_space<vmem>>
    %dma_start3A_24 = arith.constant 0 : i32
    %dma_start3A_25 = tpu.memref_slice %arg12[%dma_start3A_18, %dma_start3A_24] : memref<2x128xi32, #tpu.memory_space<vmem>> -> memref<1x128xi32, #tpu.memory_space<vmem>>
    %dma_start3A_26 = tpu.memref_squeeze %dma_start3A_25 : memref<1x128xi32, #tpu.memory_space<vmem>> -> memref<128xi32, #tpu.memory_space<vmem>>
    %dma_start3A_27 = arith.constant 0 : i32
    %dma_start3A_28 = arith.constant 0 : i32
    %dma_start3A_29 = tpu.memref_slice %arg6[%dma_start3A_27, %dma_start3A_28] : memref<31x128xf32, #tpu.memory_space<hbm>> -> memref<31x128xf32, #tpu.memory_space<hbm>>
    tpu.enqueue_indirect_dma source(%dma_start3A_29 : memref<31x128xf32, #tpu.memory_space<hbm>>) target(%dma_start3A_23 : memref<128x128xf32, #tpu.memory_space<vmem>>) offsets(%dma_start3A_26 : memref<128xi32, #tpu.memory_space<vmem>>) semaphore(%arg21 : memref<!tpu.dma_semaphore, #tpu.memory_space<semaphore_mem>>)
    %dma_start3A_30 = arith.constant 0 : i32
    %dma_start3A_31 = arith.constant 0 : i32
    %dma_start3A_32 = arith.constant 0 : i32
    %dma_start3A_33 = arith.constant 0 : i32
    %dma_start3A_34 = tpu.memref_slice %arg16[%dma_start3A_31, %dma_start3A_32, %dma_start3A_33] : memref<2x128x128xf32, #tpu.memory_space<vmem>> -> memref<1x128x128xf32, #tpu.memory_space<vmem>>
    %dma_start3A_35 = tpu.memref_squeeze %dma_start3A_34 : memref<1x128x128xf32, #tpu.memory_space<vmem>> -> memref<128x128xf32, #tpu.memory_space<vmem>>
    %dma_start3A_36 = arith.constant 0 : i32
    %dma_start3A_37 = tpu.memref_slice %arg13[%dma_start3A_30, %dma_start3A_36] : memref<2x128xi32, #tpu.memory_space<vmem>> -> memref<1x128xi32, #tpu.memory_space<vmem>>
    %dma_start3A_38 = tpu.memref_squeeze %dma_start3A_37 : memref<1x128xi32, #tpu.memory_space<vmem>> -> memref<128xi32, #tpu.memory_space<vmem>>
    %dma_start3A_39 = arith.constant 0 : i32
    %dma_start3A_40 = arith.constant 0 : i32
    %dma_start3A_41 = tpu.memref_slice %arg7[%dma_start3A_39, %dma_start3A_40] : memref<512x128xf32, #tpu.memory_space<hbm>> -> memref<512x128xf32, #tpu.memory_space<hbm>>
    tpu.enqueue_indirect_dma source(%dma_start3A_41 : memref<512x128xf32, #tpu.memory_space<hbm>>) target(%dma_start3A_35 : memref<128x128xf32, #tpu.memory_space<vmem>>) offsets(%dma_start3A_38 : memref<128xi32, #tpu.memory_space<vmem>>) semaphore(%arg23 : memref<!tpu.dma_semaphore, #tpu.memory_space<semaphore_mem>>)
    %scan3A = arith.constant 0 : i32
    %scan3A_42 = arith.constant 0 : i32
    %scan3A_43 = arith.constant 100 : i32
    %scan3A_44 = arith.addi %scan3A_42, %scan3A_43 : i32
    %scan3A_45 = arith.constant 1 : i32
    %scan3A_46 = scf.for %scan3A_62 = %scan3A_42 to %scan3A_44 step %scan3A_45 iter_args(%scan3A_63 = %scan3A) -> (i32)  : i32 {
      %mul3A_64 = arith.constant 2 : i32
      %mul3A_65 = arith.muli %mul3A_64, %scan3A_62 : i32
      %add3A_66 = arith.constant 0 : i32
      %add3A_67 = arith.addi %mul3A_65, %add3A_66 : i32
      %dma_wait3A_68 = arith.constant 0 : i32
      %dma_wait3A_69 = arith.constant 0 : i32
      %dma_wait3A_70 = arith.constant 0 : i32
      %dma_wait3A_71 = arith.constant 0 : i32
      %dma_wait3A_72 = tpu.memref_slice %arg14[%dma_wait3A_69, %dma_wait3A_70, %dma_wait3A_71] : memref<2x128x128xf32, #tpu.memory_space<vmem>> -> memref<1x128x128xf32, #tpu.memory_space<vmem>>
      %dma_wait3A_73 = tpu.memref_squeeze %dma_wait3A_72 : memref<1x128x128xf32, #tpu.memory_space<vmem>> -> memref<128x128xf32, #tpu.memory_space<vmem>>
      %dma_wait3A_74 = arith.constant 0 : i32
      %dma_wait3A_75 = tpu.memref_slice %arg11[%dma_wait3A_68, %dma_wait3A_74] : memref<2x128xi32, #tpu.memory_space<vmem>> -> memref<1x128xi32, #tpu.memory_space<vmem>>
      %dma_wait3A_76 = tpu.memref_squeeze %dma_wait3A_75 : memref<1x128xi32, #tpu.memory_space<vmem>> -> memref<128xi32, #tpu.memory_space<vmem>>
      %dma_wait3A_77 = arith.constant 0 : i32
      %dma_wait3A_78 = arith.constant 0 : i32
      %dma_wait3A_79 = tpu.memref_slice %arg5[%dma_wait3A_77, %dma_wait3A_78] : memref<1000x128xf32, #tpu.memory_space<hbm>> -> memref<1000x128xf32, #tpu.memory_space<hbm>>
      tpu.wait_indirect_dma semaphore(%arg19 : memref<!tpu.dma_semaphore, #tpu.memory_space<semaphore_mem>>) src(%dma_wait3A_79 : memref<1000x128xf32, #tpu.memory_space<hbm>>) dst(%dma_wait3A_73 : memref<128x128xf32, #tpu.memory_space<vmem>>)
      %dma_wait3A_80 = arith.constant 0 : i32
      %dma_wait3A_81 = arith.constant 0 : i32
      %dma_wait3A_82 = arith.constant 0 : i32
      %dma_wait3A_83 = arith.constant 0 : i32
      %dma_wait3A_84 = tpu.memref_slice %arg15[%dma_wait3A_81, %dma_wait3A_82, %dma_wait3A_83] : memref<2x128x128xf32, #tpu.memory_space<vmem>> -> memref<1x128x128xf32, #tpu.memory_space<vmem>>
      %dma_wait3A_85 = tpu.memref_squeeze %dma_wait3A_84 : memref<1x128x128xf32, #tpu.memory_space<vmem>> -> memref<128x128xf32, #tpu.memory_space<vmem>>
      %dma_wait3A_86 = arith.constant 0 : i32
      %dma_wait3A_87 = tpu.memref_slice %arg12[%dma_wait3A_80, %dma_wait3A_86] : memref<2x128xi32, #tpu.memory_space<vmem>> -> memref<1x128xi32, #tpu.memory_space<vmem>>
      %dma_wait3A_88 = tpu.memref_squeeze %dma_wait3A_87 : memref<1x128xi32, #tpu.memory_space<vmem>> -> memref<128xi32, #tpu.memory_space<vmem>>
      %dma_wait3A_89 = arith.constant 0 : i32
      %dma_wait3A_90 = arith.constant 0 : i32
      %dma_wait3A_91 = tpu.memref_slice %arg6[%dma_wait3A_89, %dma_wait3A_90] : memref<31x128xf32, #tpu.memory_space<hbm>> -> memref<31x128xf32, #tpu.memory_space<hbm>>
      tpu.wait_indirect_dma semaphore(%arg21 : memref<!tpu.dma_semaphore, #tpu.memory_space<semaphore_mem>>) src(%dma_wait3A_91 : memref<31x128xf32, #tpu.memory_space<hbm>>) dst(%dma_wait3A_85 : memref<128x128xf32, #tpu.memory_space<vmem>>)
      %dma_wait3A_92 = arith.constant 0 : i32
      %dma_wait3A_93 = arith.constant 0 : i32
      %dma_wait3A_94 = arith.constant 0 : i32
      %dma_wait3A_95 = arith.constant 0 : i32
      %dma_wait3A_96 = tpu.memref_slice %arg16[%dma_wait3A_93, %dma_wait3A_94, %dma_wait3A_95] : memref<2x128x128xf32, #tpu.memory_space<vmem>> -> memref<1x128x128xf32, #tpu.memory_space<vmem>>
      %dma_wait3A_97 = tpu.memref_squeeze %dma_wait3A_96 : memref<1x128x128xf32, #tpu.memory_space<vmem>> -> memref<128x128xf32, #tpu.memory_space<vmem>>
      %dma_wait3A_98 = arith.constant 0 : i32
      %dma_wait3A_99 = tpu.memref_slice %arg13[%dma_wait3A_92, %dma_wait3A_98] : memref<2x128xi32, #tpu.memory_space<vmem>> -> memref<1x128xi32, #tpu.memory_space<vmem>>
      %dma_wait3A_100 = tpu.memref_squeeze %dma_wait3A_99 : memref<1x128xi32, #tpu.memory_space<vmem>> -> memref<128xi32, #tpu.memory_space<vmem>>
      %dma_wait3A_101 = arith.constant 0 : i32
      %dma_wait3A_102 = arith.constant 0 : i32
      %dma_wait3A_103 = tpu.memref_slice %arg7[%dma_wait3A_101, %dma_wait3A_102] : memref<512x128xf32, #tpu.memory_space<hbm>> -> memref<512x128xf32, #tpu.memory_space<hbm>>
      tpu.wait_indirect_dma semaphore(%arg23 : memref<!tpu.dma_semaphore, #tpu.memory_space<semaphore_mem>>) src(%dma_wait3A_103 : memref<512x128xf32, #tpu.memory_space<hbm>>) dst(%dma_wait3A_97 : memref<128x128xf32, #tpu.memory_space<vmem>>)
      %ge3A = arith.constant 1 : i32
      %ge3A_104 = arith.cmpi sge, %add3A_67, %ge3A : i32
      %convert_element_type3A = arith.extui %ge3A_104 : i1 to i32
      %cond3A = arith.constant 0 : i32
      %cond3A_105 = arith.cmpi ne, %convert_element_type3A, %cond3A : i32
      scf.if %cond3A_105 {
        %sub3A = arith.constant 1 : i32
        %sub3A_211 = arith.subi %add3A_67, %sub3A : i32
        %mul3A_212 = arith.constant 128 : i32
        %mul3A_213 = arith.muli %sub3A_211, %mul3A_212 : i32
        %add3A_214 = arith.addi %mul3A_2, %mul3A_213 : i32
        %dma_wait3A_215 = arith.constant 1 : i32
        %dma_wait3A_216 = arith.constant 0 : i32
        %dma_wait3A_217 = arith.constant 0 : i32
        %dma_wait3A_218 = tpu.memref_slice %arg14[%dma_wait3A_215, %dma_wait3A_216, %dma_wait3A_217] : memref<2x128x128xf32, #tpu.memory_space<vmem>> -> memref<1x128x128xf32, #tpu.memory_space<vmem>>
        %dma_wait3A_219 = tpu.memref_squeeze %dma_wait3A_218 : memref<1x128x128xf32, #tpu.memory_space<vmem>> -> memref<128x128xf32, #tpu.memory_space<vmem>>
        %dma_wait3A_220 = arith.constant 0 : i32
        %dma_wait3A_221 = tpu.memref_slice %arg10[%add3A_214, %dma_wait3A_220] : memref<819200x128xf32, #tpu.memory_space<hbm>> -> memref<128x128xf32, #tpu.memory_space<hbm>>
        %dma_wait3A_222 = arith.constant 0 : i32
        %dma_wait3A_223 = tpu.memref_slice %arg10[%add3A_214, %dma_wait3A_222] : memref<819200x128xf32, #tpu.memory_space<hbm>> -> memref<128x128xf32, #tpu.memory_space<hbm>>
        %dma_wait3A_224 = arith.constant 0 : i32
        %dma_wait3A_225 = arith.constant 0 : i32
        %dma_wait3A_226 = tpu.memref_slice %arg14[%dma_wait3A_215, %dma_wait3A_224, %dma_wait3A_225] : memref<2x128x128xf32, #tpu.memory_space<vmem>> -> memref<1x128x128xf32, #tpu.memory_space<vmem>>
        %dma_wait3A_227 = tpu.memref_squeeze %dma_wait3A_226 : memref<1x128x128xf32, #tpu.memory_space<vmem>> -> memref<128x128xf32, #tpu.memory_space<vmem>>
        tpu.wait_dma2 semaphore(%arg26 : memref<!tpu.dma_semaphore, #tpu.memory_space<semaphore_mem>>) src(%dma_wait3A_227 : memref<128x128xf32, #tpu.memory_space<vmem>>) dst(%dma_wait3A_223 : memref<128x128xf32, #tpu.memory_space<hbm>>)
      } else {
      }
      %add3A_106 = arith.constant 1 : i32
      %add3A_107 = arith.addi %add3A_67, %add3A_106 : i32
      %lt3A = arith.constant 200 : i32
      %lt3A_108 = arith.cmpi slt, %add3A_107, %lt3A : i32
      %convert_element_type3A_109 = arith.extui %lt3A_108 : i1 to i32
      %cond3A_110 = arith.constant 0 : i32
      %cond3A_111 = arith.cmpi ne, %convert_element_type3A_109, %cond3A_110 : i32
      scf.if %cond3A_111 {
        %add3A_211 = arith.constant 1 : i32
        %add3A_212 = arith.addi %add3A_67, %add3A_211 : i32
        %mul3A_213 = arith.constant 128 : i32
        %mul3A_214 = arith.muli %add3A_212, %mul3A_213 : i32
        %add3A_215 = arith.addi %mul3A_2, %mul3A_214 : i32
        %run_scoped3A_216 = arith.constant 1 : i32
        "tpu.region"() ({
          %run_scoped3A_255 = tpu.sem_alloc : memref<!tpu.dma_semaphore, #tpu.memory_space<semaphore_mem>>
          %dma_start3A_256 = arith.constant 0 : i32
          %dma_start3A_257 = tpu.memref_slice %arg11[%run_scoped3A_216, %dma_start3A_256] : memref<2x128xi32, #tpu.memory_space<vmem>> -> memref<1x128xi32, #tpu.memory_space<vmem>>
          %dma_start3A_258 = tpu.memref_squeeze %dma_start3A_257 : memref<1x128xi32, #tpu.memory_space<vmem>> -> memref<128xi32, #tpu.memory_space<vmem>>
          %dma_start3A_259 = tpu.memref_slice %arg2[%add3A_215] : memref<819200xi32, #tpu.memory_space<hbm>> -> memref<128xi32, #tpu.memory_space<hbm>>
          %dma_start3A_260 = arith.constant 0 : i32
          %dma_start3A_261 = tpu.memref_slice %arg11[%run_scoped3A_216, %dma_start3A_260] : memref<2x128xi32, #tpu.memory_space<vmem>> -> memref<1x128xi32, #tpu.memory_space<vmem>>
          %dma_start3A_262 = tpu.memref_squeeze %dma_start3A_261 : memref<1x128xi32, #tpu.memory_space<vmem>> -> memref<128xi32, #tpu.memory_space<vmem>>
          %dma_start3A_263 = tpu.memref_slice %arg2[%add3A_215] : memref<819200xi32, #tpu.memory_space<hbm>> -> memref<128xi32, #tpu.memory_space<hbm>>
          tpu.enqueue_dma source(%dma_start3A_263 : memref<128xi32, #tpu.memory_space<hbm>>) target(%dma_start3A_262 : memref<128xi32, #tpu.memory_space<vmem>>) target_semaphore(%run_scoped3A_255 : memref<!tpu.dma_semaphore, #tpu.memory_space<semaphore_mem>>)
          %dma_wait3A_264 = arith.constant 0 : i32
          %dma_wait3A_265 = tpu.memref_slice %arg11[%run_scoped3A_216, %dma_wait3A_264] : memref<2x128xi32, #tpu.memory_space<vmem>> -> memref<1x128xi32, #tpu.memory_space<vmem>>
          %dma_wait3A_266 = tpu.memref_squeeze %dma_wait3A_265 : memref<1x128xi32, #tpu.memory_space<vmem>> -> memref<128xi32, #tpu.memory_space<vmem>>
          %dma_wait3A_267 = tpu.memref_slice %arg2[%add3A_215] : memref<819200xi32, #tpu.memory_space<hbm>> -> memref<128xi32, #tpu.memory_space<hbm>>
          %dma_wait3A_268 = arith.constant 0 : i32
          %dma_wait3A_269 = tpu.memref_slice %arg11[%run_scoped3A_216, %dma_wait3A_268] : memref<2x128xi32, #tpu.memory_space<vmem>> -> memref<1x128xi32, #tpu.memory_space<vmem>>
          %dma_wait3A_270 = tpu.memref_squeeze %dma_wait3A_269 : memref<1x128xi32, #tpu.memory_space<vmem>> -> memref<128xi32, #tpu.memory_space<vmem>>
          %dma_wait3A_271 = tpu.memref_slice %arg2[%add3A_215] : memref<819200xi32, #tpu.memory_space<hbm>> -> memref<128xi32, #tpu.memory_space<hbm>>
          tpu.wait_dma2 semaphore(%run_scoped3A_255 : memref<!tpu.dma_semaphore, #tpu.memory_space<semaphore_mem>>) src(%dma_wait3A_271 : memref<128xi32, #tpu.memory_space<hbm>>) dst(%dma_wait3A_270 : memref<128xi32, #tpu.memory_space<vmem>>)
          tpu.yield
        }) : () -> ()
        %run_scoped3A_217 = arith.constant 1 : i32
        "tpu.region"() ({
          %run_scoped3A_255 = tpu.sem_alloc : memref<!tpu.dma_semaphore, #tpu.memory_space<semaphore_mem>>
          %dma_start3A_256 = arith.constant 0 : i32
          %dma_start3A_257 = tpu.memref_slice %arg12[%run_scoped3A_217, %dma_start3A_256] : memref<2x128xi32, #tpu.memory_space<vmem>> -> memref<1x128xi32, #tpu.memory_space<vmem>>
          %dma_start3A_258 = tpu.memref_squeeze %dma_start3A_257 : memref<1x128xi32, #tpu.memory_space<vmem>> -> memref<128xi32, #tpu.memory_space<vmem>>
          %dma_start3A_259 = tpu.memref_slice %arg3[%add3A_215] : memref<819200xi32, #tpu.memory_space<hbm>> -> memref<128xi32, #tpu.memory_space<hbm>>
          %dma_start3A_260 = arith.constant 0 : i32
          %dma_start3A_261 = tpu.memref_slice %arg12[%run_scoped3A_217, %dma_start3A_260] : memref<2x128xi32, #tpu.memory_space<vmem>> -> memref<1x128xi32, #tpu.memory_space<vmem>>
          %dma_start3A_262 = tpu.memref_squeeze %dma_start3A_261 : memref<1x128xi32, #tpu.memory_space<vmem>> -> memref<128xi32, #tpu.memory_space<vmem>>
          %dma_start3A_263 = tpu.memref_slice %arg3[%add3A_215] : memref<819200xi32, #tpu.memory_space<hbm>> -> memref<128xi32, #tpu.memory_space<hbm>>
          tpu.enqueue_dma source(%dma_start3A_263 : memref<128xi32, #tpu.memory_space<hbm>>) target(%dma_start3A_262 : memref<128xi32, #tpu.memory_space<vmem>>) target_semaphore(%run_scoped3A_255 : memref<!tpu.dma_semaphore, #tpu.memory_space<semaphore_mem>>)
          %dma_wait3A_264 = arith.constant 0 : i32
          %dma_wait3A_265 = tpu.memref_slice %arg12[%run_scoped3A_217, %dma_wait3A_264] : memref<2x128xi32, #tpu.memory_space<vmem>> -> memref<1x128xi32, #tpu.memory_space<vmem>>
          %dma_wait3A_266 = tpu.memref_squeeze %dma_wait3A_265 : memref<1x128xi32, #tpu.memory_space<vmem>> -> memref<128xi32, #tpu.memory_space<vmem>>
          %dma_wait3A_267 = tpu.memref_slice %arg3[%add3A_215] : memref<819200xi32, #tpu.memory_space<hbm>> -> memref<128xi32, #tpu.memory_space<hbm>>
          %dma_wait3A_268 = arith.constant 0 : i32
          %dma_wait3A_269 = tpu.memref_slice %arg12[%run_scoped3A_217, %dma_wait3A_268] : memref<2x128xi32, #tpu.memory_space<vmem>> -> memref<1x128xi32, #tpu.memory_space<vmem>>
          %dma_wait3A_270 = tpu.memref_squeeze %dma_wait3A_269 : memref<1x128xi32, #tpu.memory_space<vmem>> -> memref<128xi32, #tpu.memory_space<vmem>>
          %dma_wait3A_271 = tpu.memref_slice %arg3[%add3A_215] : memref<819200xi32, #tpu.memory_space<hbm>> -> memref<128xi32, #tpu.memory_space<hbm>>
          tpu.wait_dma2 semaphore(%run_scoped3A_255 : memref<!tpu.dma_semaphore, #tpu.memory_space<semaphore_mem>>) src(%dma_wait3A_271 : memref<128xi32, #tpu.memory_space<hbm>>) dst(%dma_wait3A_270 : memref<128xi32, #tpu.memory_space<vmem>>)
          tpu.yield
        }) : () -> ()
        %run_scoped3A_218 = arith.constant 1 : i32
        "tpu.region"() ({
          %run_scoped3A_255 = tpu.sem_alloc : memref<!tpu.dma_semaphore, #tpu.memory_space<semaphore_mem>>
          %dma_start3A_256 = arith.constant 0 : i32
          %dma_start3A_257 = tpu.memref_slice %arg13[%run_scoped3A_218, %dma_start3A_256] : memref<2x128xi32, #tpu.memory_space<vmem>> -> memref<1x128xi32, #tpu.memory_space<vmem>>
          %dma_start3A_258 = tpu.memref_squeeze %dma_start3A_257 : memref<1x128xi32, #tpu.memory_space<vmem>> -> memref<128xi32, #tpu.memory_space<vmem>>
          %dma_start3A_259 = tpu.memref_slice %arg4[%add3A_215] : memref<819200xi32, #tpu.memory_space<hbm>> -> memref<128xi32, #tpu.memory_space<hbm>>
          %dma_start3A_260 = arith.constant 0 : i32
          %dma_start3A_261 = tpu.memref_slice %arg13[%run_scoped3A_218, %dma_start3A_260] : memref<2x128xi32, #tpu.memory_space<vmem>> -> memref<1x128xi32, #tpu.memory_space<vmem>>
          %dma_start3A_262 = tpu.memref_squeeze %dma_start3A_261 : memref<1x128xi32, #tpu.memory_space<vmem>> -> memref<128xi32, #tpu.memory_space<vmem>>
          %dma_start3A_263 = tpu.memref_slice %arg4[%add3A_215] : memref<819200xi32, #tpu.memory_space<hbm>> -> memref<128xi32, #tpu.memory_space<hbm>>
          tpu.enqueue_dma source(%dma_start3A_263 : memref<128xi32, #tpu.memory_space<hbm>>) target(%dma_start3A_262 : memref<128xi32, #tpu.memory_space<vmem>>) target_semaphore(%run_scoped3A_255 : memref<!tpu.dma_semaphore, #tpu.memory_space<semaphore_mem>>)
          %dma_wait3A_264 = arith.constant 0 : i32
          %dma_wait3A_265 = tpu.memref_slice %arg13[%run_scoped3A_218, %dma_wait3A_264] : memref<2x128xi32, #tpu.memory_space<vmem>> -> memref<1x128xi32, #tpu.memory_space<vmem>>
          %dma_wait3A_266 = tpu.memref_squeeze %dma_wait3A_265 : memref<1x128xi32, #tpu.memory_space<vmem>> -> memref<128xi32, #tpu.memory_space<vmem>>
          %dma_wait3A_267 = tpu.memref_slice %arg4[%add3A_215] : memref<819200xi32, #tpu.memory_space<hbm>> -> memref<128xi32, #tpu.memory_space<hbm>>
          %dma_wait3A_268 = arith.constant 0 : i32
          %dma_wait3A_269 = tpu.memref_slice %arg13[%run_scoped3A_218, %dma_wait3A_268] : memref<2x128xi32, #tpu.memory_space<vmem>> -> memref<1x128xi32, #tpu.memory_space<vmem>>
          %dma_wait3A_270 = tpu.memref_squeeze %dma_wait3A_269 : memref<1x128xi32, #tpu.memory_space<vmem>> -> memref<128xi32, #tpu.memory_space<vmem>>
          %dma_wait3A_271 = tpu.memref_slice %arg4[%add3A_215] : memref<819200xi32, #tpu.memory_space<hbm>> -> memref<128xi32, #tpu.memory_space<hbm>>
          tpu.wait_dma2 semaphore(%run_scoped3A_255 : memref<!tpu.dma_semaphore, #tpu.memory_space<semaphore_mem>>) src(%dma_wait3A_271 : memref<128xi32, #tpu.memory_space<hbm>>) dst(%dma_wait3A_270 : memref<128xi32, #tpu.memory_space<vmem>>)
          tpu.yield
        }) : () -> ()
        %dma_start3A_219 = arith.constant 1 : i32
        %dma_start3A_220 = arith.constant 1 : i32
        %dma_start3A_221 = arith.constant 0 : i32
        %dma_start3A_222 = arith.constant 0 : i32
        %dma_start3A_223 = tpu.memref_slice %arg14[%dma_start3A_220, %dma_start3A_221, %dma_start3A_222] : memref<2x128x128xf32, #tpu.memory_space<vmem>> -> memref<1x128x128xf32, #tpu.memory_space<vmem>>
        %dma_start3A_224 = tpu.memref_squeeze %dma_start3A_223 : memref<1x128x128xf32, #tpu.memory_space<vmem>> -> memref<128x128xf32, #tpu.memory_space<vmem>>
        %dma_start3A_225 = arith.constant 0 : i32
        %dma_start3A_226 = tpu.memref_slice %arg11[%dma_start3A_219, %dma_start3A_225] : memref<2x128xi32, #tpu.memory_space<vmem>> -> memref<1x128xi32, #tpu.memory_space<vmem>>
        %dma_start3A_227 = tpu.memref_squeeze %dma_start3A_226 : memref<1x128xi32, #tpu.memory_space<vmem>> -> memref<128xi32, #tpu.memory_space<vmem>>
        %dma_start3A_228 = arith.constant 0 : i32
        %dma_start3A_229 = arith.constant 0 : i32
        %dma_start3A_230 = tpu.memref_slice %arg5[%dma_start3A_228, %dma_start3A_229] : memref<1000x128xf32, #tpu.memory_space<hbm>> -> memref<1000x128xf32, #tpu.memory_space<hbm>>
        tpu.enqueue_indirect_dma source(%dma_start3A_230 : memref<1000x128xf32, #tpu.memory_space<hbm>>) target(%dma_start3A_224 : memref<128x128xf32, #tpu.memory_space<vmem>>) offsets(%dma_start3A_227 : memref<128xi32, #tpu.memory_space<vmem>>) semaphore(%arg20 : memref<!tpu.dma_semaphore, #tpu.memory_space<semaphore_mem>>)
        %dma_start3A_231 = arith.constant 1 : i32
        %dma_start3A_232 = arith.constant 1 : i32
        %dma_start3A_233 = arith.constant 0 : i32
        %dma_start3A_234 = arith.constant 0 : i32
        %dma_start3A_235 = tpu.memref_slice %arg15[%dma_start3A_232, %dma_start3A_233, %dma_start3A_234] : memref<2x128x128xf32, #tpu.memory_space<vmem>> -> memref<1x128x128xf32, #tpu.memory_space<vmem>>
        %dma_start3A_236 = tpu.memref_squeeze %dma_start3A_235 : memref<1x128x128xf32, #tpu.memory_space<vmem>> -> memref<128x128xf32, #tpu.memory_space<vmem>>
        %dma_start3A_237 = arith.constant 0 : i32
        %dma_start3A_238 = tpu.memref_slice %arg12[%dma_start3A_231, %dma_start3A_237] : memref<2x128xi32, #tpu.memory_space<vmem>> -> memref<1x128xi32, #tpu.memory_space<vmem>>
        %dma_start3A_239 = tpu.memref_squeeze %dma_start3A_238 : memref<1x128xi32, #tpu.memory_space<vmem>> -> memref<128xi32, #tpu.memory_space<vmem>>
        %dma_start3A_240 = arith.constant 0 : i32
        %dma_start3A_241 = arith.constant 0 : i32
        %dma_start3A_242 = tpu.memref_slice %arg6[%dma_start3A_240, %dma_start3A_241] : memref<31x128xf32, #tpu.memory_space<hbm>> -> memref<31x128xf32, #tpu.memory_space<hbm>>
        tpu.enqueue_indirect_dma source(%dma_start3A_242 : memref<31x128xf32, #tpu.memory_space<hbm>>) target(%dma_start3A_236 : memref<128x128xf32, #tpu.memory_space<vmem>>) offsets(%dma_start3A_239 : memref<128xi32, #tpu.memory_space<vmem>>) semaphore(%arg22 : memref<!tpu.dma_semaphore, #tpu.memory_space<semaphore_mem>>)
        %dma_start3A_243 = arith.constant 1 : i32
        %dma_start3A_244 = arith.constant 1 : i32
        %dma_start3A_245 = arith.constant 0 : i32
        %dma_start3A_246 = arith.constant 0 : i32
        %dma_start3A_247 = tpu.memref_slice %arg16[%dma_start3A_244, %dma_start3A_245, %dma_start3A_246] : memref<2x128x128xf32, #tpu.memory_space<vmem>> -> memref<1x128x128xf32, #tpu.memory_space<vmem>>
        %dma_start3A_248 = tpu.memref_squeeze %dma_start3A_247 : memref<1x128x128xf32, #tpu.memory_space<vmem>> -> memref<128x128xf32, #tpu.memory_space<vmem>>
        %dma_start3A_249 = arith.constant 0 : i32
        %dma_start3A_250 = tpu.memref_slice %arg13[%dma_start3A_243, %dma_start3A_249] : memref<2x128xi32, #tpu.memory_space<vmem>> -> memref<1x128xi32, #tpu.memory_space<vmem>>
        %dma_start3A_251 = tpu.memref_squeeze %dma_start3A_250 : memref<1x128xi32, #tpu.memory_space<vmem>> -> memref<128xi32, #tpu.memory_space<vmem>>
        %dma_start3A_252 = arith.constant 0 : i32
        %dma_start3A_253 = arith.constant 0 : i32
        %dma_start3A_254 = tpu.memref_slice %arg7[%dma_start3A_252, %dma_start3A_253] : memref<512x128xf32, #tpu.memory_space<hbm>> -> memref<512x128xf32, #tpu.memory_space<hbm>>
        tpu.enqueue_indirect_dma source(%dma_start3A_254 : memref<512x128xf32, #tpu.memory_space<hbm>>) target(%dma_start3A_248 : memref<128x128xf32, #tpu.memory_space<vmem>>) offsets(%dma_start3A_251 : memref<128xi32, #tpu.memory_space<vmem>>) semaphore(%arg24 : memref<!tpu.dma_semaphore, #tpu.memory_space<semaphore_mem>>)
      } else {
      }
      %scan3A_112 = arith.constant 0 : i32
      %scan3A_113 = arith.constant 0 : i32
      %scan3A_114 = arith.constant 64 : i32
      %scan3A_115 = arith.addi %scan3A_113, %scan3A_114 : i32
      %scan3A_116 = arith.constant 1 : i32
      %scan3A_117 = scf.for %scan3A_211 = %scan3A_113 to %scan3A_115 step %scan3A_116 iter_args(%scan3A_212 = %scan3A_112) -> (i32)  : i32 {
        %mul3A_213 = arith.constant 2 : i32
        %mul3A_214 = arith.muli %mul3A_213, %scan3A_211 : i32
        %get3A = arith.constant 0 : i32
        %get3A_215 = arith.index_cast %get3A : i32 to index
        %get3A_216 = arith.index_cast %mul3A_214 : i32 to index
        %get3A_217 = arith.constant 0 : index
        %get3A_218 = tpu.vector_load %arg14[%get3A_215, %get3A_216, %get3A_217] {strides = array<i32>} : memref<2x128x128xf32, #tpu.memory_space<vmem>>, vector<1x1x16xf32>,
        %get3A_219 = vector.shape_cast %get3A_218 : vector<1x1x16xf32> to vector<16xf32>
        %get3A_220 = arith.constant 0 : i32
        %get3A_221 = arith.index_cast %get3A_220 : i32 to index
        %get3A_222 = arith.index_cast %mul3A_214 : i32 to index
        %get3A_223 = arith.constant 0 : index
        %get3A_224 = tpu.vector_load %arg15[%get3A_221, %get3A_222, %get3A_223] {strides = array<i32>} : memref<2x128x128xf32, #tpu.memory_space<vmem>>, vector<1x1x16xf32>,
        %get3A_225 = vector.shape_cast %get3A_224 : vector<1x1x16xf32> to vector<16xf32>
        %add3A_226 = arith.addf %get3A_219, %get3A_225 : vector<16xf32>
        %get3A_227 = arith.constant 0 : i32
        %get3A_228 = arith.index_cast %get3A_227 : i32 to index
        %get3A_229 = arith.index_cast %mul3A_214 : i32 to index
        %get3A_230 = arith.constant 0 : index
        %get3A_231 = tpu.vector_load %arg16[%get3A_228, %get3A_229, %get3A_230] {strides = array<i32>} : memref<2x128x128xf32, #tpu.memory_space<vmem>>, vector<1x1x16xf32>,
        %get3A_232 = vector.shape_cast %get3A_231 : vector<1x1x16xf32> to vector<16xf32>
        %add3A_233 = arith.addf %add3A_226, %get3A_232 : vector<16xf32>
        %get3A_234 = arith.constant 0 : i32
        %get3A_235 = arith.index_cast %get3A_234 : i32 to index
        %get3A_236 = arith.index_cast %mul3A_214 : i32 to index
        %get3A_237 = arith.constant 16 : index
        %get3A_238 = tpu.vector_load %arg14[%get3A_235, %get3A_236, %get3A_237] {strides = array<i32>} : memref<2x128x128xf32, #tpu.memory_space<vmem>>, vector<1x1x16xf32>,
        %get3A_239 = vector.shape_cast %get3A_238 : vector<1x1x16xf32> to vector<16xf32>
        %get3A_240 = arith.constant 0 : i32
        %get3A_241 = arith.index_cast %get3A_240 : i32 to index
        %get3A_242 = arith.index_cast %mul3A_214 : i32 to index
        %get3A_243 = arith.constant 16 : index
        %get3A_244 = tpu.vector_load %arg15[%get3A_241, %get3A_242, %get3A_243] {strides = array<i32>} : memref<2x128x128xf32, #tpu.memory_space<vmem>>, vector<1x1x16xf32>,
        %get3A_245 = vector.shape_cast %get3A_244 : vector<1x1x16xf32> to vector<16xf32>
        %add3A_246 = arith.addf %get3A_239, %get3A_245 : vector<16xf32>
        %get3A_247 = arith.constant 0 : i32
        %get3A_248 = arith.index_cast %get3A_247 : i32 to index
        %get3A_249 = arith.index_cast %mul3A_214 : i32 to index
        %get3A_250 = arith.constant 16 : index
        %get3A_251 = tpu.vector_load %arg16[%get3A_248, %get3A_249, %get3A_250] {strides = array<i32>} : memref<2x128x128xf32, #tpu.memory_space<vmem>>, vector<1x1x16xf32>,
        %get3A_252 = vector.shape_cast %get3A_251 : vector<1x1x16xf32> to vector<16xf32>
        %add3A_253 = arith.addf %add3A_246, %get3A_252 : vector<16xf32>
        %get3A_254 = arith.constant 0 : i32
        %get3A_255 = arith.index_cast %get3A_254 : i32 to index
        %get3A_256 = arith.index_cast %mul3A_214 : i32 to index
        %get3A_257 = arith.constant 32 : index
        %get3A_258 = tpu.vector_load %arg14[%get3A_255, %get3A_256, %get3A_257] {strides = array<i32>} : memref<2x128x128xf32, #tpu.memory_space<vmem>>, vector<1x1x16xf32>,
        %get3A_259 = vector.shape_cast %get3A_258 : vector<1x1x16xf32> to vector<16xf32>
        %get3A_260 = arith.constant 0 : i32
        %get3A_261 = arith.index_cast %get3A_260 : i32 to index
        %get3A_262 = arith.index_cast %mul3A_214 : i32 to index
        %get3A_263 = arith.constant 32 : index
        %get3A_264 = tpu.vector_load %arg15[%get3A_261, %get3A_262, %get3A_263] {strides = array<i32>} : memref<2x128x128xf32, #tpu.memory_space<vmem>>, vector<1x1x16xf32>,
        %get3A_265 = vector.shape_cast %get3A_264 : vector<1x1x16xf32> to vector<16xf32>
        %add3A_266 = arith.addf %get3A_259, %get3A_265 : vector<16xf32>
        %get3A_267 = arith.constant 0 : i32
        %get3A_268 = arith.index_cast %get3A_267 : i32 to index
        %get3A_269 = arith.index_cast %mul3A_214 : i32 to index
        %get3A_270 = arith.constant 32 : index
        %get3A_271 = tpu.vector_load %arg16[%get3A_268, %get3A_269, %get3A_270] {strides = array<i32>} : memref<2x128x128xf32, #tpu.memory_space<vmem>>, vector<1x1x16xf32>,
        %get3A_272 = vector.shape_cast %get3A_271 : vector<1x1x16xf32> to vector<16xf32>
        %add3A_273 = arith.addf %add3A_266, %get3A_272 : vector<16xf32>
        %get3A_274 = arith.constant 0 : i32
        %get3A_275 = arith.index_cast %get3A_274 : i32 to index
        %get3A_276 = arith.index_cast %mul3A_214 : i32 to index
        %get3A_277 = arith.constant 48 : index
        %get3A_278 = tpu.vector_load %arg14[%get3A_275, %get3A_276, %get3A_277] {strides = array<i32>} : memref<2x128x128xf32, #tpu.memory_space<vmem>>, vector<1x1x16xf32>,
        %get3A_279 = vector.shape_cast %get3A_278 : vector<1x1x16xf32> to vector<16xf32>
        %get3A_280 = arith.constant 0 : i32
        %get3A_281 = arith.index_cast %get3A_280 : i32 to index
        %get3A_282 = arith.index_cast %mul3A_214 : i32 to index
        %get3A_283 = arith.constant 48 : index
        %get3A_284 = tpu.vector_load %arg15[%get3A_281, %get3A_282, %get3A_283] {strides = array<i32>} : memref<2x128x128xf32, #tpu.memory_space<vmem>>, vector<1x1x16xf32>,
        %get3A_285 = vector.shape_cast %get3A_284 : vector<1x1x16xf32> to vector<16xf32>
        %add3A_286 = arith.addf %get3A_279, %get3A_285 : vector<16xf32>
        %get3A_287 = arith.constant 0 : i32
        %get3A_288 = arith.index_cast %get3A_287 : i32 to index
        %get3A_289 = arith.index_cast %mul3A_214 : i32 to index
        %get3A_290 = arith.constant 48 : index
        %get3A_291 = tpu.vector_load %arg16[%get3A_288, %get3A_289, %get3A_290] {strides = array<i32>} : memref<2x128x128xf32, #tpu.memory_space<vmem>>, vector<1x1x16xf32>,
        %get3A_292 = vector.shape_cast %get3A_291 : vector<1x1x16xf32> to vector<16xf32>
        %add3A_293 = arith.addf %add3A_286, %get3A_292 : vector<16xf32>
        %get3A_294 = arith.constant 0 : i32
        %get3A_295 = arith.index_cast %get3A_294 : i32 to index
        %get3A_296 = arith.index_cast %mul3A_214 : i32 to index
        %get3A_297 = arith.constant 64 : index
        %get3A_298 = tpu.vector_load %arg14[%get3A_295, %get3A_296, %get3A_297] {strides = array<i32>} : memref<2x128x128xf32, #tpu.memory_space<vmem>>, vector<1x1x16xf32>,
        %get3A_299 = vector.shape_cast %get3A_298 : vector<1x1x16xf32> to vector<16xf32>
        %get3A_300 = arith.constant 0 : i32
        %get3A_301 = arith.index_cast %get3A_300 : i32 to index
        %get3A_302 = arith.index_cast %mul3A_214 : i32 to index
        %get3A_303 = arith.constant 64 : index
        %get3A_304 = tpu.vector_load %arg15[%get3A_301, %get3A_302, %get3A_303] {strides = array<i32>} : memref<2x128x128xf32, #tpu.memory_space<vmem>>, vector<1x1x16xf32>,
        %get3A_305 = vector.shape_cast %get3A_304 : vector<1x1x16xf32> to vector<16xf32>
        %add3A_306 = arith.addf %get3A_299, %get3A_305 : vector<16xf32>
        %get3A_307 = arith.constant 0 : i32
        %get3A_308 = arith.index_cast %get3A_307 : i32 to index
        %get3A_309 = arith.index_cast %mul3A_214 : i32 to index
        %get3A_310 = arith.constant 64 : index
        %get3A_311 = tpu.vector_load %arg16[%get3A_308, %get3A_309, %get3A_310] {strides = array<i32>} : memref<2x128x128xf32, #tpu.memory_space<vmem>>, vector<1x1x16xf32>,
        %get3A_312 = vector.shape_cast %get3A_311 : vector<1x1x16xf32> to vector<16xf32>
        %add3A_313 = arith.addf %add3A_306, %get3A_312 : vector<16xf32>
        %get3A_314 = arith.constant 0 : i32
        %get3A_315 = arith.index_cast %get3A_314 : i32 to index
        %get3A_316 = arith.index_cast %mul3A_214 : i32 to index
        %get3A_317 = arith.constant 80 : index
        %get3A_318 = tpu.vector_load %arg14[%get3A_315, %get3A_316, %get3A_317] {strides = array<i32>} : memref<2x128x128xf32, #tpu.memory_space<vmem>>, vector<1x1x16xf32>,
        %get3A_319 = vector.shape_cast %get3A_318 : vector<1x1x16xf32> to vector<16xf32>
        %get3A_320 = arith.constant 0 : i32
        %get3A_321 = arith.index_cast %get3A_320 : i32 to index
        %get3A_322 = arith.index_cast %mul3A_214 : i32 to index
        %get3A_323 = arith.constant 80 : index
        %get3A_324 = tpu.vector_load %arg15[%get3A_321, %get3A_322, %get3A_323] {strides = array<i32>} : memref<2x128x128xf32, #tpu.memory_space<vmem>>, vector<1x1x16xf32>,
        %get3A_325 = vector.shape_cast %get3A_324 : vector<1x1x16xf32> to vector<16xf32>
        %add3A_326 = arith.addf %get3A_319, %get3A_325 : vector<16xf32>
        %get3A_327 = arith.constant 0 : i32
        %get3A_328 = arith.index_cast %get3A_327 : i32 to index
        %get3A_329 = arith.index_cast %mul3A_214 : i32 to index
        %get3A_330 = arith.constant 80 : index
        %get3A_331 = tpu.vector_load %arg16[%get3A_328, %get3A_329, %get3A_330] {strides = array<i32>} : memref<2x128x128xf32, #tpu.memory_space<vmem>>, vector<1x1x16xf32>,
        %get3A_332 = vector.shape_cast %get3A_331 : vector<1x1x16xf32> to vector<16xf32>
        %add3A_333 = arith.addf %add3A_326, %get3A_332 : vector<16xf32>
        %get3A_334 = arith.constant 0 : i32
        %get3A_335 = arith.index_cast %get3A_334 : i32 to index
        %get3A_336 = arith.index_cast %mul3A_214 : i32 to index
        %get3A_337 = arith.constant 96 : index
        %get3A_338 = tpu.vector_load %arg14[%get3A_335, %get3A_336, %get3A_337] {strides = array<i32>} : memref<2x128x128xf32, #tpu.memory_space<vmem>>, vector<1x1x16xf32>,
        %get3A_339 = vector.shape_cast %get3A_338 : vector<1x1x16xf32> to vector<16xf32>
        %get3A_340 = arith.constant 0 : i32
        %get3A_341 = arith.index_cast %get3A_340 : i32 to index
        %get3A_342 = arith.index_cast %mul3A_214 : i32 to index
        %get3A_343 = arith.constant 96 : index
        %get3A_344 = tpu.vector_load %arg15[%get3A_341, %get3A_342, %get3A_343] {strides = array<i32>} : memref<2x128x128xf32, #tpu.memory_space<vmem>>, vector<1x1x16xf32>,
        %get3A_345 = vector.shape_cast %get3A_344 : vector<1x1x16xf32> to vector<16xf32>
        %add3A_346 = arith.addf %get3A_339, %get3A_345 : vector<16xf32>
        %get3A_347 = arith.constant 0 : i32
        %get3A_348 = arith.index_cast %get3A_347 : i32 to index
        %get3A_349 = arith.index_cast %mul3A_214 : i32 to index
        %get3A_350 = arith.constant 96 : index
        %get3A_351 = tpu.vector_load %arg16[%get3A_348, %get3A_349, %get3A_350] {strides = array<i32>} : memref<2x128x128xf32, #tpu.memory_space<vmem>>, vector<1x1x16xf32>,
        %get3A_352 = vector.shape_cast %get3A_351 : vector<1x1x16xf32> to vector<16xf32>
        %add3A_353 = arith.addf %add3A_346, %get3A_352 : vector<16xf32>
        %get3A_354 = arith.constant 0 : i32
        %get3A_355 = arith.index_cast %get3A_354 : i32 to index
        %get3A_356 = arith.index_cast %mul3A_214 : i32 to index
        %get3A_357 = arith.constant 112 : index
        %get3A_358 = tpu.vector_load %arg14[%get3A_355, %get3A_356, %get3A_357] {strides = array<i32>} : memref<2x128x128xf32, #tpu.memory_space<vmem>>, vector<1x1x16xf32>,
        %get3A_359 = vector.shape_cast %get3A_358 : vector<1x1x16xf32> to vector<16xf32>
        %get3A_360 = arith.constant 0 : i32
        %get3A_361 = arith.index_cast %get3A_360 : i32 to index
        %get3A_362 = arith.index_cast %mul3A_214 : i32 to index
        %get3A_363 = arith.constant 112 : index
        %get3A_364 = tpu.vector_load %arg15[%get3A_361, %get3A_362, %get3A_363] {strides = array<i32>} : memref<2x128x128xf32, #tpu.memory_space<vmem>>, vector<1x1x16xf32>,
        %get3A_365 = vector.shape_cast %get3A_364 : vector<1x1x16xf32> to vector<16xf32>
        %add3A_366 = arith.addf %get3A_359, %get3A_365 : vector<16xf32>
        %get3A_367 = arith.constant 0 : i32
        %get3A_368 = arith.index_cast %get3A_367 : i32 to index
        %get3A_369 = arith.index_cast %mul3A_214 : i32 to index
        %get3A_370 = arith.constant 112 : index
        %get3A_371 = tpu.vector_load %arg16[%get3A_368, %get3A_369, %get3A_370] {strides = array<i32>} : memref<2x128x128xf32, #tpu.memory_space<vmem>>, vector<1x1x16xf32>,
        %get3A_372 = vector.shape_cast %get3A_371 : vector<1x1x16xf32> to vector<16xf32>
        %add3A_373 = arith.addf %add3A_366, %get3A_372 : vector<16xf32>
        %add3A_374 = arith.addf %add3A_233, %add3A_253 : vector<16xf32>
        %add3A_375 = arith.addf %add3A_273, %add3A_293 : vector<16xf32>
        %add3A_376 = arith.addf %add3A_313, %add3A_333 : vector<16xf32>
        %add3A_377 = arith.addf %add3A_353, %add3A_373 : vector<16xf32>
        %add3A_378 = arith.addf %add3A_374, %add3A_375 : vector<16xf32>
        %add3A_379 = arith.addf %add3A_376, %add3A_377 : vector<16xf32>
        %add3A_380 = arith.addf %add3A_378, %add3A_379 : vector<16xf32>
        %iota3A = tpu.iota {dimensions = array<i32: 0>} : vector<16xi32>
        %add3A_381 = arith.constant 8 : i32
        %add3A_382 = vector.broadcast %add3A_381 : i32 to vector<16xi32>
        %add3A_383 = arith.addi %iota3A, %add3A_382 : vector<16xi32>
        %and3A = arith.constant 15 : i32
        %and3A_384 = vector.broadcast %and3A : i32 to vector<16xi32>
        %and3A_385 = arith.andi %add3A_383, %and3A_384 : vector<16xi32>
        %broadcast_in_dim3A = vector.shape_cast %and3A_385 : vector<16xi32> to vector<16x1xi32>
        %gather3A = vector.shape_cast %broadcast_in_dim3A : vector<16x1xi32> to vector<16xi32>
        %gather3A_386 = tpu.dynamic_gather %add3A_380[%gather3A] in [0] : vector<16xf32>, vector<16xi32> -> vector<16xf32>
        %add3A_387 = arith.addf %add3A_380, %gather3A_386 : vector<16xf32>
        %iota3A_388 = tpu.iota {dimensions = array<i32: 0>} : vector<16xi32>
        %add3A_389 = arith.constant 4 : i32
        %add3A_390 = vector.broadcast %add3A_389 : i32 to vector<16xi32>
        %add3A_391 = arith.addi %iota3A_388, %add3A_390 : vector<16xi32>
        %and3A_392 = arith.constant 15 : i32
        %and3A_393 = vector.broadcast %and3A_392 : i32 to vector<16xi32>
        %and3A_394 = arith.andi %add3A_391, %and3A_393 : vector<16xi32>
        %broadcast_in_dim3A_395 = vector.shape_cast %and3A_394 : vector<16xi32> to vector<16x1xi32>
        %gather3A_396 = vector.shape_cast %broadcast_in_dim3A_395 : vector<16x1xi32> to vector<16xi32>
        %gather3A_397 = tpu.dynamic_gather %add3A_387[%gather3A_396] in [0] : vector<16xf32>, vector<16xi32> -> vector<16xf32>
        %add3A_398 = arith.addf %add3A_387, %gather3A_397 : vector<16xf32>
        %iota3A_399 = tpu.iota {dimensions = array<i32: 0>} : vector<16xi32>
        %add3A_400 = arith.constant 2 : i32
        %add3A_401 = vector.broadcast %add3A_400 : i32 to vector<16xi32>
        %add3A_402 = arith.addi %iota3A_399, %add3A_401 : vector<16xi32>
        %and3A_403 = arith.constant 15 : i32
        %and3A_404 = vector.broadcast %and3A_403 : i32 to vector<16xi32>
        %and3A_405 = arith.andi %add3A_402, %and3A_404 : vector<16xi32>
        %broadcast_in_dim3A_406 = vector.shape_cast %and3A_405 : vector<16xi32> to vector<16x1xi32>
        %gather3A_407 = vector.shape_cast %broadcast_in_dim3A_406 : vector<16x1xi32> to vector<16xi32>
        %gather3A_408 = tpu.dynamic_gather %add3A_398[%gather3A_407] in [0] : vector<16xf32>, vector<16xi32> -> vector<16xf32>
        %add3A_409 = arith.addf %add3A_398, %gather3A_408 : vector<16xf32>
        %iota3A_410 = tpu.iota {dimensions = array<i32: 0>} : vector<16xi32>
        %add3A_411 = arith.constant 1 : i32
        %add3A_412 = vector.broadcast %add3A_411 : i32 to vector<16xi32>
        %add3A_413 = arith.addi %iota3A_410, %add3A_412 : vector<16xi32>
        %and3A_414 = arith.constant 15 : i32
        %and3A_415 = vector.broadcast %and3A_414 : i32 to vector<16xi32>
        %and3A_416 = arith.andi %add3A_413, %and3A_415 : vector<16xi32>
        %broadcast_in_dim3A_417 = vector.shape_cast %and3A_416 : vector<16xi32> to vector<16x1xi32>
        %gather3A_418 = vector.shape_cast %broadcast_in_dim3A_417 : vector<16x1xi32> to vector<16xi32>
        %gather3A_419 = tpu.dynamic_gather %add3A_409[%gather3A_418] in [0] : vector<16xf32>, vector<16xi32> -> vector<16xf32>
        %add3A_420 = arith.addf %add3A_409, %gather3A_419 : vector<16xf32>
        %mul3A_421 = arith.constant 7.812500e-03 : f32
        %mul3A_422 = vector.broadcast %mul3A_421 : f32 to vector<16xf32>
        %mul3A_423 = arith.mulf %add3A_420, %mul3A_422 : vector<16xf32>
        %mul3A_424 = arith.mulf %add3A_233, %add3A_233 : vector<16xf32>
        %mul3A_425 = arith.mulf %add3A_253, %add3A_253 : vector<16xf32>
        %mul3A_426 = arith.mulf %add3A_273, %add3A_273 : vector<16xf32>
        %mul3A_427 = arith.mulf %add3A_293, %add3A_293 : vector<16xf32>
        %mul3A_428 = arith.mulf %add3A_313, %add3A_313 : vector<16xf32>
        %mul3A_429 = arith.mulf %add3A_333, %add3A_333 : vector<16xf32>
        %mul3A_430 = arith.mulf %add3A_353, %add3A_353 : vector<16xf32>
        %mul3A_431 = arith.mulf %add3A_373, %add3A_373 : vector<16xf32>
        %add3A_432 = arith.addf %mul3A_424, %mul3A_425 : vector<16xf32>
        %add3A_433 = arith.addf %mul3A_426, %mul3A_427 : vector<16xf32>
        %add3A_434 = arith.addf %mul3A_428, %mul3A_429 : vector<16xf32>
        %add3A_435 = arith.addf %mul3A_430, %mul3A_431 : vector<16xf32>
        %add3A_436 = arith.addf %add3A_432, %add3A_433 : vector<16xf32>
        %add3A_437 = arith.addf %add3A_434, %add3A_435 : vector<16xf32>
        %add3A_438 = arith.addf %add3A_436, %add3A_437 : vector<16xf32>
        %iota3A_439 = tpu.iota {dimensions = array<i32: 0>} : vector<16xi32>
        %add3A_440 = arith.constant 8 : i32
        %add3A_441 = vector.broadcast %add3A_440 : i32 to vector<16xi32>
        %add3A_442 = arith.addi %iota3A_439, %add3A_441 : vector<16xi32>
        %and3A_443 = arith.constant 15 : i32
        %and3A_444 = vector.broadcast %and3A_443 : i32 to vector<16xi32>
        %and3A_445 = arith.andi %add3A_442, %and3A_444 : vector<16xi32>
        %broadcast_in_dim3A_446 = vector.shape_cast %and3A_445 : vector<16xi32> to vector<16x1xi32>
        %gather3A_447 = vector.shape_cast %broadcast_in_dim3A_446 : vector<16x1xi32> to vector<16xi32>
        %gather3A_448 = tpu.dynamic_gather %add3A_438[%gather3A_447] in [0] : vector<16xf32>, vector<16xi32> -> vector<16xf32>
        %add3A_449 = arith.addf %add3A_438, %gather3A_448 : vector<16xf32>
        %iota3A_450 = tpu.iota {dimensions = array<i32: 0>} : vector<16xi32>
        %add3A_451 = arith.constant 4 : i32
        %add3A_452 = vector.broadcast %add3A_451 : i32 to vector<16xi32>
        %add3A_453 = arith.addi %iota3A_450, %add3A_452 : vector<16xi32>
        %and3A_454 = arith.constant 15 : i32
        %and3A_455 = vector.broadcast %and3A_454 : i32 to vector<16xi32>
        %and3A_456 = arith.andi %add3A_453, %and3A_455 : vector<16xi32>
        %broadcast_in_dim3A_457 = vector.shape_cast %and3A_456 : vector<16xi32> to vector<16x1xi32>
        %gather3A_458 = vector.shape_cast %broadcast_in_dim3A_457 : vector<16x1xi32> to vector<16xi32>
        %gather3A_459 = tpu.dynamic_gather %add3A_449[%gather3A_458] in [0] : vector<16xf32>, vector<16xi32> -> vector<16xf32>
        %add3A_460 = arith.addf %add3A_449, %gather3A_459 : vector<16xf32>
        %iota3A_461 = tpu.iota {dimensions = array<i32: 0>} : vector<16xi32>
        %add3A_462 = arith.constant 2 : i32
        %add3A_463 = vector.broadcast %add3A_462 : i32 to vector<16xi32>
        %add3A_464 = arith.addi %iota3A_461, %add3A_463 : vector<16xi32>
        %and3A_465 = arith.constant 15 : i32
        %and3A_466 = vector.broadcast %and3A_465 : i32 to vector<16xi32>
        %and3A_467 = arith.andi %add3A_464, %and3A_466 : vector<16xi32>
        %broadcast_in_dim3A_468 = vector.shape_cast %and3A_467 : vector<16xi32> to vector<16x1xi32>
        %gather3A_469 = vector.shape_cast %broadcast_in_dim3A_468 : vector<16x1xi32> to vector<16xi32>
        %gather3A_470 = tpu.dynamic_gather %add3A_460[%gather3A_469] in [0] : vector<16xf32>, vector<16xi32> -> vector<16xf32>
        %add3A_471 = arith.addf %add3A_460, %gather3A_470 : vector<16xf32>
        %iota3A_472 = tpu.iota {dimensions = array<i32: 0>} : vector<16xi32>
        %add3A_473 = arith.constant 1 : i32
        %add3A_474 = vector.broadcast %add3A_473 : i32 to vector<16xi32>
        %add3A_475 = arith.addi %iota3A_472, %add3A_474 : vector<16xi32>
        %and3A_476 = arith.constant 15 : i32
        %and3A_477 = vector.broadcast %and3A_476 : i32 to vector<16xi32>
        %and3A_478 = arith.andi %add3A_475, %and3A_477 : vector<16xi32>
        %broadcast_in_dim3A_479 = vector.shape_cast %and3A_478 : vector<16xi32> to vector<16x1xi32>
        %gather3A_480 = vector.shape_cast %broadcast_in_dim3A_479 : vector<16x1xi32> to vector<16xi32>
        %gather3A_481 = tpu.dynamic_gather %add3A_471[%gather3A_480] in [0] : vector<16xf32>, vector<16xi32> -> vector<16xf32>
        %add3A_482 = arith.addf %add3A_471, %gather3A_481 : vector<16xf32>
        %mul3A_483 = arith.constant 7.812500e-03 : f32
        %mul3A_484 = vector.broadcast %mul3A_483 : f32 to vector<16xf32>
        %mul3A_485 = arith.mulf %add3A_482, %mul3A_484 : vector<16xf32>
        %mul3A_486 = arith.mulf %mul3A_423, %mul3A_423 : vector<16xf32>
        %sub3A = arith.subf %mul3A_485, %mul3A_486 : vector<16xf32>
        %add3A_487 = arith.constant 9.99999996E-13 : f32
        %add3A_488 = vector.broadcast %add3A_487 : f32 to vector<16xf32>
        %add3A_489 = arith.addf %sub3A, %add3A_488 : vector<16xf32>
        %bitcast_convert_type3A = tpu.bitcast %add3A_489 : vector<16xf32> -> vector<16xi32>
        %shift_right_arithmetic3A = arith.constant 1 : i32
        %shift_right_arithmetic3A_490 = vector.broadcast %shift_right_arithmetic3A : i32 to vector<16xi32>
        %shift_right_arithmetic3A_491 = arith.shrsi %bitcast_convert_type3A, %shift_right_arithmetic3A_490 : vector<16xi32>
        %sub3A_492 = arith.constant 1597463007 : i32
        %sub3A_493 = vector.broadcast %sub3A_492 : i32 to vector<16xi32>
        %sub3A_494 = arith.subi %sub3A_493, %shift_right_arithmetic3A_491 : vector<16xi32>
        %bitcast_convert_type3A_495 = tpu.bitcast %sub3A_494 : vector<16xi32> -> vector<16xf32>
        %mul3A_496 = arith.constant 5.000000e-01 : f32
        %mul3A_497 = vector.broadcast %mul3A_496 : f32 to vector<16xf32>
        %mul3A_498 = arith.mulf %mul3A_497, %add3A_489 : vector<16xf32>
        %mul3A_499 = arith.mulf %mul3A_498, %bitcast_convert_type3A_495 : vector<16xf32>
        %mul3A_500 = arith.mulf %mul3A_499, %bitcast_convert_type3A_495 : vector<16xf32>
        %sub3A_501 = arith.constant 1.500000e+00 : f32
        %sub3A_502 = vector.broadcast %sub3A_501 : f32 to vector<16xf32>
        %sub3A_503 = arith.subf %sub3A_502, %mul3A_500 : vector<16xf32>
        %mul3A_504 = arith.mulf %bitcast_convert_type3A_495, %sub3A_503 : vector<16xf32>
        %mul3A_505 = arith.constant 5.000000e-01 : f32
        %mul3A_506 = vector.broadcast %mul3A_505 : f32 to vector<16xf32>
        %mul3A_507 = arith.mulf %mul3A_506, %add3A_489 : vector<16xf32>
        %mul3A_508 = arith.mulf %mul3A_507, %mul3A_504 : vector<16xf32>
        %mul3A_509 = arith.mulf %mul3A_508, %mul3A_504 : vector<16xf32>
        %sub3A_510 = arith.constant 1.500000e+00 : f32
        %sub3A_511 = vector.broadcast %sub3A_510 : f32 to vector<16xf32>
        %sub3A_512 = arith.subf %sub3A_511, %mul3A_509 : vector<16xf32>
        %mul3A_513 = arith.mulf %mul3A_504, %sub3A_512 : vector<16xf32>
        %mul3A_514 = arith.constant 5.000000e-01 : f32
        %mul3A_515 = vector.broadcast %mul3A_514 : f32 to vector<16xf32>
        %mul3A_516 = arith.mulf %mul3A_515, %add3A_489 : vector<16xf32>
        %mul3A_517 = arith.mulf %mul3A_516, %mul3A_513 : vector<16xf32>
        %mul3A_518 = arith.mulf %mul3A_517, %mul3A_513 : vector<16xf32>
        %sub3A_519 = arith.constant 1.500000e+00 : f32
        %sub3A_520 = vector.broadcast %sub3A_519 : f32 to vector<16xf32>
        %sub3A_521 = arith.subf %sub3A_520, %mul3A_518 : vector<16xf32>
        %mul3A_522 = arith.mulf %mul3A_513, %sub3A_521 : vector<16xf32>
        %sub3A_523 = arith.subf %add3A_233, %mul3A_423 : vector<16xf32>
        %mul3A_524 = arith.mulf %sub3A_523, %mul3A_522 : vector<16xf32>
        %get3A_525 = arith.constant 0 : index
        %get3A_526 = tpu.vector_load %arg17[%get3A_525] {strides = array<i32>} : memref<128xf32, #tpu.memory_space<vmem>>, vector<16xf32>,
        %get3A_527 = vector.shape_cast %get3A_526 : vector<16xf32> to vector<16xf32>
        %mul3A_528 = arith.mulf %mul3A_524, %get3A_527 : vector<16xf32>
        %get3A_529 = arith.constant 0 : index
        %get3A_530 = tpu.vector_load %arg18[%get3A_529] {strides = array<i32>} : memref<128xf32, #tpu.memory_space<vmem>>, vector<16xf32>,
        %get3A_531 = vector.shape_cast %get3A_530 : vector<16xf32> to vector<16xf32>
        %add3A_532 = arith.addf %mul3A_528, %get3A_531 : vector<16xf32>
        %swap3A = arith.constant 0 : i32
        %swap3A_533 = arith.index_cast %swap3A : i32 to index
        %swap3A_534 = arith.index_cast %mul3A_214 : i32 to index
        %swap3A_535 = arith.constant 0 : index
        %swap3A_536 = tpu.vector_load %arg14[%swap3A_533, %swap3A_534, %swap3A_535] {strides = array<i32>} : memref<2x128x128xf32, #tpu.memory_space<vmem>>, vector<1x1x16xf32>,
        %swap3A_537 = vector.shape_cast %swap3A_536 : vector<1x1x16xf32> to vector<16xf32>
        %swap3A_538 = vector.shape_cast %add3A_532 : vector<16xf32> to vector<1x1x16xf32>
        tpu.vector_store %arg14[%swap3A_533, %swap3A_534, %swap3A_535], %swap3A_538 {strides = array<i32>} : memref<2x128x128xf32, #tpu.memory_space<vmem>>, vector<1x1x16xf32>,
        %sub3A_539 = arith.subf %add3A_253, %mul3A_423 : vector<16xf32>
        %mul3A_540 = arith.mulf %sub3A_539, %mul3A_522 : vector<16xf32>
        %get3A_541 = arith.constant 16 : index
        %get3A_542 = tpu.vector_load %arg17[%get3A_541] {strides = array<i32>} : memref<128xf32, #tpu.memory_space<vmem>>, vector<16xf32>,
        %get3A_543 = vector.shape_cast %get3A_542 : vector<16xf32> to vector<16xf32>
        %mul3A_544 = arith.mulf %mul3A_540, %get3A_543 : vector<16xf32>
        %get3A_545 = arith.constant 16 : index
        %get3A_546 = tpu.vector_load %arg18[%get3A_545] {strides = array<i32>} : memref<128xf32, #tpu.memory_space<vmem>>, vector<16xf32>,
        %get3A_547 = vector.shape_cast %get3A_546 : vector<16xf32> to vector<16xf32>
        %add3A_548 = arith.addf %mul3A_544, %get3A_547 : vector<16xf32>
        %swap3A_549 = arith.constant 0 : i32
        %swap3A_550 = arith.index_cast %swap3A_549 : i32 to index
        %swap3A_551 = arith.index_cast %mul3A_214 : i32 to index
        %swap3A_552 = arith.constant 16 : index
        %swap3A_553 = tpu.vector_load %arg14[%swap3A_550, %swap3A_551, %swap3A_552] {strides = array<i32>} : memref<2x128x128xf32, #tpu.memory_space<vmem>>, vector<1x1x16xf32>,
        %swap3A_554 = vector.shape_cast %swap3A_553 : vector<1x1x16xf32> to vector<16xf32>
        %swap3A_555 = vector.shape_cast %add3A_548 : vector<16xf32> to vector<1x1x16xf32>
        tpu.vector_store %arg14[%swap3A_550, %swap3A_551, %swap3A_552], %swap3A_555 {strides = array<i32>} : memref<2x128x128xf32, #tpu.memory_space<vmem>>, vector<1x1x16xf32>,
        %sub3A_556 = arith.subf %add3A_273, %mul3A_423 : vector<16xf32>
        %mul3A_557 = arith.mulf %sub3A_556, %mul3A_522 : vector<16xf32>
        %get3A_558 = arith.constant 32 : index
        %get3A_559 = tpu.vector_load %arg17[%get3A_558] {strides = array<i32>} : memref<128xf32, #tpu.memory_space<vmem>>, vector<16xf32>,
        %get3A_560 = vector.shape_cast %get3A_559 : vector<16xf32> to vector<16xf32>
        %mul3A_561 = arith.mulf %mul3A_557, %get3A_560 : vector<16xf32>
        %get3A_562 = arith.constant 32 : index
        %get3A_563 = tpu.vector_load %arg18[%get3A_562] {strides = array<i32>} : memref<128xf32, #tpu.memory_space<vmem>>, vector<16xf32>,
        %get3A_564 = vector.shape_cast %get3A_563 : vector<16xf32> to vector<16xf32>
        %add3A_565 = arith.addf %mul3A_561, %get3A_564 : vector<16xf32>
        %swap3A_566 = arith.constant 0 : i32
        %swap3A_567 = arith.index_cast %swap3A_566 : i32 to index
        %swap3A_568 = arith.index_cast %mul3A_214 : i32 to index
        %swap3A_569 = arith.constant 32 : index
        %swap3A_570 = tpu.vector_load %arg14[%swap3A_567, %swap3A_568, %swap3A_569] {strides = array<i32>} : memref<2x128x128xf32, #tpu.memory_space<vmem>>, vector<1x1x16xf32>,
        %swap3A_571 = vector.shape_cast %swap3A_570 : vector<1x1x16xf32> to vector<16xf32>
        %swap3A_572 = vector.shape_cast %add3A_565 : vector<16xf32> to vector<1x1x16xf32>
        tpu.vector_store %arg14[%swap3A_567, %swap3A_568, %swap3A_569], %swap3A_572 {strides = array<i32>} : memref<2x128x128xf32, #tpu.memory_space<vmem>>, vector<1x1x16xf32>,
        %sub3A_573 = arith.subf %add3A_293, %mul3A_423 : vector<16xf32>
        %mul3A_574 = arith.mulf %sub3A_573, %mul3A_522 : vector<16xf32>
        %get3A_575 = arith.constant 48 : index
        %get3A_576 = tpu.vector_load %arg17[%get3A_575] {strides = array<i32>} : memref<128xf32, #tpu.memory_space<vmem>>, vector<16xf32>,
        %get3A_577 = vector.shape_cast %get3A_576 : vector<16xf32> to vector<16xf32>
        %mul3A_578 = arith.mulf %mul3A_574, %get3A_577 : vector<16xf32>
        %get3A_579 = arith.constant 48 : index
        %get3A_580 = tpu.vector_load %arg18[%get3A_579] {strides = array<i32>} : memref<128xf32, #tpu.memory_space<vmem>>, vector<16xf32>,
        %get3A_581 = vector.shape_cast %get3A_580 : vector<16xf32> to vector<16xf32>
        %add3A_582 = arith.addf %mul3A_578, %get3A_581 : vector<16xf32>
        %swap3A_583 = arith.constant 0 : i32
        %swap3A_584 = arith.index_cast %swap3A_583 : i32 to index
        %swap3A_585 = arith.index_cast %mul3A_214 : i32 to index
        %swap3A_586 = arith.constant 48 : index
        %swap3A_587 = tpu.vector_load %arg14[%swap3A_584, %swap3A_585, %swap3A_586] {strides = array<i32>} : memref<2x128x128xf32, #tpu.memory_space<vmem>>, vector<1x1x16xf32>,
        %swap3A_588 = vector.shape_cast %swap3A_587 : vector<1x1x16xf32> to vector<16xf32>
        %swap3A_589 = vector.shape_cast %add3A_582 : vector<16xf32> to vector<1x1x16xf32>
        tpu.vector_store %arg14[%swap3A_584, %swap3A_585, %swap3A_586], %swap3A_589 {strides = array<i32>} : memref<2x128x128xf32, #tpu.memory_space<vmem>>, vector<1x1x16xf32>,
        %sub3A_590 = arith.subf %add3A_313, %mul3A_423 : vector<16xf32>
        %mul3A_591 = arith.mulf %sub3A_590, %mul3A_522 : vector<16xf32>
        %get3A_592 = arith.constant 64 : index
        %get3A_593 = tpu.vector_load %arg17[%get3A_592] {strides = array<i32>} : memref<128xf32, #tpu.memory_space<vmem>>, vector<16xf32>,
        %get3A_594 = vector.shape_cast %get3A_593 : vector<16xf32> to vector<16xf32>
        %mul3A_595 = arith.mulf %mul3A_591, %get3A_594 : vector<16xf32>
        %get3A_596 = arith.constant 64 : index
        %get3A_597 = tpu.vector_load %arg18[%get3A_596] {strides = array<i32>} : memref<128xf32, #tpu.memory_space<vmem>>, vector<16xf32>,
        %get3A_598 = vector.shape_cast %get3A_597 : vector<16xf32> to vector<16xf32>
        %add3A_599 = arith.addf %mul3A_595, %get3A_598 : vector<16xf32>
        %swap3A_600 = arith.constant 0 : i32
        %swap3A_601 = arith.index_cast %swap3A_600 : i32 to index
        %swap3A_602 = arith.index_cast %mul3A_214 : i32 to index
        %swap3A_603 = arith.constant 64 : index
        %swap3A_604 = tpu.vector_load %arg14[%swap3A_601, %swap3A_602, %swap3A_603] {strides = array<i32>} : memref<2x128x128xf32, #tpu.memory_space<vmem>>, vector<1x1x16xf32>,
        %swap3A_605 = vector.shape_cast %swap3A_604 : vector<1x1x16xf32> to vector<16xf32>
        %swap3A_606 = vector.shape_cast %add3A_599 : vector<16xf32> to vector<1x1x16xf32>
        tpu.vector_store %arg14[%swap3A_601, %swap3A_602, %swap3A_603], %swap3A_606 {strides = array<i32>} : memref<2x128x128xf32, #tpu.memory_space<vmem>>, vector<1x1x16xf32>,
        %sub3A_607 = arith.subf %add3A_333, %mul3A_423 : vector<16xf32>
        %mul3A_608 = arith.mulf %sub3A_607, %mul3A_522 : vector<16xf32>
        %get3A_609 = arith.constant 80 : index
        %get3A_610 = tpu.vector_load %arg17[%get3A_609] {strides = array<i32>} : memref<128xf32, #tpu.memory_space<vmem>>, vector<16xf32>,
        %get3A_611 = vector.shape_cast %get3A_610 : vector<16xf32> to vector<16xf32>
        %mul3A_612 = arith.mulf %mul3A_608, %get3A_611 : vector<16xf32>
        %get3A_613 = arith.constant 80 : index
        %get3A_614 = tpu.vector_load %arg18[%get3A_613] {strides = array<i32>} : memref<128xf32, #tpu.memory_space<vmem>>, vector<16xf32>,
        %get3A_615 = vector.shape_cast %get3A_614 : vector<16xf32> to vector<16xf32>
        %add3A_616 = arith.addf %mul3A_612, %get3A_615 : vector<16xf32>
        %swap3A_617 = arith.constant 0 : i32
        %swap3A_618 = arith.index_cast %swap3A_617 : i32 to index
        %swap3A_619 = arith.index_cast %mul3A_214 : i32 to index
        %swap3A_620 = arith.constant 80 : index
        %swap3A_621 = tpu.vector_load %arg14[%swap3A_618, %swap3A_619, %swap3A_620] {strides = array<i32>} : memref<2x128x128xf32, #tpu.memory_space<vmem>>, vector<1x1x16xf32>,
        %swap3A_622 = vector.shape_cast %swap3A_621 : vector<1x1x16xf32> to vector<16xf32>
        %swap3A_623 = vector.shape_cast %add3A_616 : vector<16xf32> to vector<1x1x16xf32>
        tpu.vector_store %arg14[%swap3A_618, %swap3A_619, %swap3A_620], %swap3A_623 {strides = array<i32>} : memref<2x128x128xf32, #tpu.memory_space<vmem>>, vector<1x1x16xf32>,
        %sub3A_624 = arith.subf %add3A_353, %mul3A_423 : vector<16xf32>
        %mul3A_625 = arith.mulf %sub3A_624, %mul3A_522 : vector<16xf32>
        %get3A_626 = arith.constant 96 : index
        %get3A_627 = tpu.vector_load %arg17[%get3A_626] {strides = array<i32>} : memref<128xf32, #tpu.memory_space<vmem>>, vector<16xf32>,
        %get3A_628 = vector.shape_cast %get3A_627 : vector<16xf32> to vector<16xf32>
        %mul3A_629 = arith.mulf %mul3A_625, %get3A_628 : vector<16xf32>
        %get3A_630 = arith.constant 96 : index
        %get3A_631 = tpu.vector_load %arg18[%get3A_630] {strides = array<i32>} : memref<128xf32, #tpu.memory_space<vmem>>, vector<16xf32>,
        %get3A_632 = vector.shape_cast %get3A_631 : vector<16xf32> to vector<16xf32>
        %add3A_633 = arith.addf %mul3A_629, %get3A_632 : vector<16xf32>
        %swap3A_634 = arith.constant 0 : i32
        %swap3A_635 = arith.index_cast %swap3A_634 : i32 to index
        %swap3A_636 = arith.index_cast %mul3A_214 : i32 to index
        %swap3A_637 = arith.constant 96 : index
        %swap3A_638 = tpu.vector_load %arg14[%swap3A_635, %swap3A_636, %swap3A_637] {strides = array<i32>} : memref<2x128x128xf32, #tpu.memory_space<vmem>>, vector<1x1x16xf32>,
        %swap3A_639 = vector.shape_cast %swap3A_638 : vector<1x1x16xf32> to vector<16xf32>
        %swap3A_640 = vector.shape_cast %add3A_633 : vector<16xf32> to vector<1x1x16xf32>
        tpu.vector_store %arg14[%swap3A_635, %swap3A_636, %swap3A_637], %swap3A_640 {strides = array<i32>} : memref<2x128x128xf32, #tpu.memory_space<vmem>>, vector<1x1x16xf32>,
        %sub3A_641 = arith.subf %add3A_373, %mul3A_423 : vector<16xf32>
        %mul3A_642 = arith.mulf %sub3A_641, %mul3A_522 : vector<16xf32>
        %get3A_643 = arith.constant 112 : index
        %get3A_644 = tpu.vector_load %arg17[%get3A_643] {strides = array<i32>} : memref<128xf32, #tpu.memory_space<vmem>>, vector<16xf32>,
        %get3A_645 = vector.shape_cast %get3A_644 : vector<16xf32> to vector<16xf32>
        %mul3A_646 = arith.mulf %mul3A_642, %get3A_645 : vector<16xf32>
        %get3A_647 = arith.constant 112 : index
        %get3A_648 = tpu.vector_load %arg18[%get3A_647] {strides = array<i32>} : memref<128xf32, #tpu.memory_space<vmem>>, vector<16xf32>,
        %get3A_649 = vector.shape_cast %get3A_648 : vector<16xf32> to vector<16xf32>
        %add3A_650 = arith.addf %mul3A_646, %get3A_649 : vector<16xf32>
        %swap3A_651 = arith.constant 0 : i32
        %swap3A_652 = arith.index_cast %swap3A_651 : i32 to index
        %swap3A_653 = arith.index_cast %mul3A_214 : i32 to index
        %swap3A_654 = arith.constant 112 : index
        %swap3A_655 = tpu.vector_load %arg14[%swap3A_652, %swap3A_653, %swap3A_654] {strides = array<i32>} : memref<2x128x128xf32, #tpu.memory_space<vmem>>, vector<1x1x16xf32>,
        %swap3A_656 = vector.shape_cast %swap3A_655 : vector<1x1x16xf32> to vector<16xf32>
        %swap3A_657 = vector.shape_cast %add3A_650 : vector<16xf32> to vector<1x1x16xf32>
        tpu.vector_store %arg14[%swap3A_652, %swap3A_653, %swap3A_654], %swap3A_657 {strides = array<i32>} : memref<2x128x128xf32, #tpu.memory_space<vmem>>, vector<1x1x16xf32>,
        %mul3A_658 = arith.constant 2 : i32
        %mul3A_659 = arith.muli %mul3A_658, %scan3A_211 : i32
        %add3A_660 = arith.constant 1 : i32
        %add3A_661 = arith.addi %mul3A_659, %add3A_660 : i32
        %get3A_662 = arith.constant 0 : i32
        %get3A_663 = arith.index_cast %get3A_662 : i32 to index
        %get3A_664 = arith.index_cast %add3A_661 : i32 to index
        %get3A_665 = arith.constant 0 : index
        %get3A_666 = tpu.vector_load %arg14[%get3A_663, %get3A_664, %get3A_665] {strides = array<i32>} : memref<2x128x128xf32, #tpu.memory_space<vmem>>, vector<1x1x16xf32>,
        %get3A_667 = vector.shape_cast %get3A_666 : vector<1x1x16xf32> to vector<16xf32>
        %get3A_668 = arith.constant 0 : i32
        %get3A_669 = arith.index_cast %get3A_668 : i32 to index
        %get3A_670 = arith.index_cast %add3A_661 : i32 to index
        %get3A_671 = arith.constant 0 : index
        %get3A_672 = tpu.vector_load %arg15[%get3A_669, %get3A_670, %get3A_671] {strides = array<i32>} : memref<2x128x128xf32, #tpu.memory_space<vmem>>, vector<1x1x16xf32>,
        %get3A_673 = vector.shape_cast %get3A_672 : vector<1x1x16xf32> to vector<16xf32>
        %add3A_674 = arith.addf %get3A_667, %get3A_673 : vector<16xf32>
        %get3A_675 = arith.constant 0 : i32
        %get3A_676 = arith.index_cast %get3A_675 : i32 to index
        %get3A_677 = arith.index_cast %add3A_661 : i32 to index
        %get3A_678 = arith.constant 0 : index
        %get3A_679 = tpu.vector_load %arg16[%get3A_676, %get3A_677, %get3A_678] {strides = array<i32>} : memref<2x128x128xf32, #tpu.memory_space<vmem>>, vector<1x1x16xf32>,
        %get3A_680 = vector.shape_cast %get3A_679 : vector<1x1x16xf32> to vector<16xf32>
        %add3A_681 = arith.addf %add3A_674, %get3A_680 : vector<16xf32>
        %get3A_682 = arith.constant 0 : i32
        %get3A_683 = arith.index_cast %get3A_682 : i32 to index
        %get3A_684 = arith.index_cast %add3A_661 : i32 to index
        %get3A_685 = arith.constant 16 : index
        %get3A_686 = tpu.vector_load %arg14[%get3A_683, %get3A_684, %get3A_685] {strides = array<i32>} : memref<2x128x128xf32, #tpu.memory_space<vmem>>, vector<1x1x16xf32>,
        %get3A_687 = vector.shape_cast %get3A_686 : vector<1x1x16xf32> to vector<16xf32>
        %get3A_688 = arith.constant 0 : i32
        %get3A_689 = arith.index_cast %get3A_688 : i32 to index
        %get3A_690 = arith.index_cast %add3A_661 : i32 to index
        %get3A_691 = arith.constant 16 : index
        %get3A_692 = tpu.vector_load %arg15[%get3A_689, %get3A_690, %get3A_691] {strides = array<i32>} : memref<2x128x128xf32, #tpu.memory_space<vmem>>, vector<1x1x16xf32>,
        %get3A_693 = vector.shape_cast %get3A_692 : vector<1x1x16xf32> to vector<16xf32>
        %add3A_694 = arith.addf %get3A_687, %get3A_693 : vector<16xf32>
        %get3A_695 = arith.constant 0 : i32
        %get3A_696 = arith.index_cast %get3A_695 : i32 to index
        %get3A_697 = arith.index_cast %add3A_661 : i32 to index
        %get3A_698 = arith.constant 16 : index
        %get3A_699 = tpu.vector_load %arg16[%get3A_696, %get3A_697, %get3A_698] {strides = array<i32>} : memref<2x128x128xf32, #tpu.memory_space<vmem>>, vector<1x1x16xf32>,
        %get3A_700 = vector.shape_cast %get3A_699 : vector<1x1x16xf32> to vector<16xf32>
        %add3A_701 = arith.addf %add3A_694, %get3A_700 : vector<16xf32>
        %get3A_702 = arith.constant 0 : i32
        %get3A_703 = arith.index_cast %get3A_702 : i32 to index
        %get3A_704 = arith.index_cast %add3A_661 : i32 to index
        %get3A_705 = arith.constant 32 : index
        %get3A_706 = tpu.vector_load %arg14[%get3A_703, %get3A_704, %get3A_705] {strides = array<i32>} : memref<2x128x128xf32, #tpu.memory_space<vmem>>, vector<1x1x16xf32>,
        %get3A_707 = vector.shape_cast %get3A_706 : vector<1x1x16xf32> to vector<16xf32>
        %get3A_708 = arith.constant 0 : i32
        %get3A_709 = arith.index_cast %get3A_708 : i32 to index
        %get3A_710 = arith.index_cast %add3A_661 : i32 to index
        %get3A_711 = arith.constant 32 : index
        %get3A_712 = tpu.vector_load %arg15[%get3A_709, %get3A_710, %get3A_711] {strides = array<i32>} : memref<2x128x128xf32, #tpu.memory_space<vmem>>, vector<1x1x16xf32>,
        %get3A_713 = vector.shape_cast %get3A_712 : vector<1x1x16xf32> to vector<16xf32>
        %add3A_714 = arith.addf %get3A_707, %get3A_713 : vector<16xf32>
        %get3A_715 = arith.constant 0 : i32
        %get3A_716 = arith.index_cast %get3A_715 : i32 to index
        %get3A_717 = arith.index_cast %add3A_661 : i32 to index
        %get3A_718 = arith.constant 32 : index
        %get3A_719 = tpu.vector_load %arg16[%get3A_716, %get3A_717, %get3A_718] {strides = array<i32>} : memref<2x128x128xf32, #tpu.memory_space<vmem>>, vector<1x1x16xf32>,
        %get3A_720 = vector.shape_cast %get3A_719 : vector<1x1x16xf32> to vector<16xf32>
        %add3A_721 = arith.addf %add3A_714, %get3A_720 : vector<16xf32>
        %get3A_722 = arith.constant 0 : i32
        %get3A_723 = arith.index_cast %get3A_722 : i32 to index
        %get3A_724 = arith.index_cast %add3A_661 : i32 to index
        %get3A_725 = arith.constant 48 : index
        %get3A_726 = tpu.vector_load %arg14[%get3A_723, %get3A_724, %get3A_725] {strides = array<i32>} : memref<2x128x128xf32, #tpu.memory_space<vmem>>, vector<1x1x16xf32>,
        %get3A_727 = vector.shape_cast %get3A_726 : vector<1x1x16xf32> to vector<16xf32>
        %get3A_728 = arith.constant 0 : i32
        %get3A_729 = arith.index_cast %get3A_728 : i32 to index
        %get3A_730 = arith.index_cast %add3A_661 : i32 to index
        %get3A_731 = arith.constant 48 : index
        %get3A_732 = tpu.vector_load %arg15[%get3A_729, %get3A_730, %get3A_731] {strides = array<i32>} : memref<2x128x128xf32, #tpu.memory_space<vmem>>, vector<1x1x16xf32>,
        %get3A_733 = vector.shape_cast %get3A_732 : vector<1x1x16xf32> to vector<16xf32>
        %add3A_734 = arith.addf %get3A_727, %get3A_733 : vector<16xf32>
        %get3A_735 = arith.constant 0 : i32
        %get3A_736 = arith.index_cast %get3A_735 : i32 to index
        %get3A_737 = arith.index_cast %add3A_661 : i32 to index
        %get3A_738 = arith.constant 48 : index
        %get3A_739 = tpu.vector_load %arg16[%get3A_736, %get3A_737, %get3A_738] {strides = array<i32>} : memref<2x128x128xf32, #tpu.memory_space<vmem>>, vector<1x1x16xf32>,
        %get3A_740 = vector.shape_cast %get3A_739 : vector<1x1x16xf32> to vector<16xf32>
        %add3A_741 = arith.addf %add3A_734, %get3A_740 : vector<16xf32>
        %get3A_742 = arith.constant 0 : i32
        %get3A_743 = arith.index_cast %get3A_742 : i32 to index
        %get3A_744 = arith.index_cast %add3A_661 : i32 to index
        %get3A_745 = arith.constant 64 : index
        %get3A_746 = tpu.vector_load %arg14[%get3A_743, %get3A_744, %get3A_745] {strides = array<i32>} : memref<2x128x128xf32, #tpu.memory_space<vmem>>, vector<1x1x16xf32>,
        %get3A_747 = vector.shape_cast %get3A_746 : vector<1x1x16xf32> to vector<16xf32>
        %get3A_748 = arith.constant 0 : i32
        %get3A_749 = arith.index_cast %get3A_748 : i32 to index
        %get3A_750 = arith.index_cast %add3A_661 : i32 to index
        %get3A_751 = arith.constant 64 : index
        %get3A_752 = tpu.vector_load %arg15[%get3A_749, %get3A_750, %get3A_751] {strides = array<i32>} : memref<2x128x128xf32, #tpu.memory_space<vmem>>, vector<1x1x16xf32>,
        %get3A_753 = vector.shape_cast %get3A_752 : vector<1x1x16xf32> to vector<16xf32>
        %add3A_754 = arith.addf %get3A_747, %get3A_753 : vector<16xf32>
        %get3A_755 = arith.constant 0 : i32
        %get3A_756 = arith.index_cast %get3A_755 : i32 to index
        %get3A_757 = arith.index_cast %add3A_661 : i32 to index
        %get3A_758 = arith.constant 64 : index
        %get3A_759 = tpu.vector_load %arg16[%get3A_756, %get3A_757, %get3A_758] {strides = array<i32>} : memref<2x128x128xf32, #tpu.memory_space<vmem>>, vector<1x1x16xf32>,
        %get3A_760 = vector.shape_cast %get3A_759 : vector<1x1x16xf32> to vector<16xf32>
        %add3A_761 = arith.addf %add3A_754, %get3A_760 : vector<16xf32>
        %get3A_762 = arith.constant 0 : i32
        %get3A_763 = arith.index_cast %get3A_762 : i32 to index
        %get3A_764 = arith.index_cast %add3A_661 : i32 to index
        %get3A_765 = arith.constant 80 : index
        %get3A_766 = tpu.vector_load %arg14[%get3A_763, %get3A_764, %get3A_765] {strides = array<i32>} : memref<2x128x128xf32, #tpu.memory_space<vmem>>, vector<1x1x16xf32>,
        %get3A_767 = vector.shape_cast %get3A_766 : vector<1x1x16xf32> to vector<16xf32>
        %get3A_768 = arith.constant 0 : i32
        %get3A_769 = arith.index_cast %get3A_768 : i32 to index
        %get3A_770 = arith.index_cast %add3A_661 : i32 to index
        %get3A_771 = arith.constant 80 : index
        %get3A_772 = tpu.vector_load %arg15[%get3A_769, %get3A_770, %get3A_771] {strides = array<i32>} : memref<2x128x128xf32, #tpu.memory_space<vmem>>, vector<1x1x16xf32>,
        %get3A_773 = vector.shape_cast %get3A_772 : vector<1x1x16xf32> to vector<16xf32>
        %add3A_774 = arith.addf %get3A_767, %get3A_773 : vector<16xf32>
        %get3A_775 = arith.constant 0 : i32
        %get3A_776 = arith.index_cast %get3A_775 : i32 to index
        %get3A_777 = arith.index_cast %add3A_661 : i32 to index
        %get3A_778 = arith.constant 80 : index
        %get3A_779 = tpu.vector_load %arg16[%get3A_776, %get3A_777, %get3A_778] {strides = array<i32>} : memref<2x128x128xf32, #tpu.memory_space<vmem>>, vector<1x1x16xf32>,
        %get3A_780 = vector.shape_cast %get3A_779 : vector<1x1x16xf32> to vector<16xf32>
        %add3A_781 = arith.addf %add3A_774, %get3A_780 : vector<16xf32>
        %get3A_782 = arith.constant 0 : i32
        %get3A_783 = arith.index_cast %get3A_782 : i32 to index
        %get3A_784 = arith.index_cast %add3A_661 : i32 to index
        %get3A_785 = arith.constant 96 : index
        %get3A_786 = tpu.vector_load %arg14[%get3A_783, %get3A_784, %get3A_785] {strides = array<i32>} : memref<2x128x128xf32, #tpu.memory_space<vmem>>, vector<1x1x16xf32>,
        %get3A_787 = vector.shape_cast %get3A_786 : vector<1x1x16xf32> to vector<16xf32>
        %get3A_788 = arith.constant 0 : i32
        %get3A_789 = arith.index_cast %get3A_788 : i32 to index
        %get3A_790 = arith.index_cast %add3A_661 : i32 to index
        %get3A_791 = arith.constant 96 : index
        %get3A_792 = tpu.vector_load %arg15[%get3A_789, %get3A_790, %get3A_791] {strides = array<i32>} : memref<2x128x128xf32, #tpu.memory_space<vmem>>, vector<1x1x16xf32>,
        %get3A_793 = vector.shape_cast %get3A_792 : vector<1x1x16xf32> to vector<16xf32>
        %add3A_794 = arith.addf %get3A_787, %get3A_793 : vector<16xf32>
        %get3A_795 = arith.constant 0 : i32
        %get3A_796 = arith.index_cast %get3A_795 : i32 to index
        %get3A_797 = arith.index_cast %add3A_661 : i32 to index
        %get3A_798 = arith.constant 96 : index
        %get3A_799 = tpu.vector_load %arg16[%get3A_796, %get3A_797, %get3A_798] {strides = array<i32>} : memref<2x128x128xf32, #tpu.memory_space<vmem>>, vector<1x1x16xf32>,
        %get3A_800 = vector.shape_cast %get3A_799 : vector<1x1x16xf32> to vector<16xf32>
        %add3A_801 = arith.addf %add3A_794, %get3A_800 : vector<16xf32>
        %get3A_802 = arith.constant 0 : i32
        %get3A_803 = arith.index_cast %get3A_802 : i32 to index
        %get3A_804 = arith.index_cast %add3A_661 : i32 to index
        %get3A_805 = arith.constant 112 : index
        %get3A_806 = tpu.vector_load %arg14[%get3A_803, %get3A_804, %get3A_805] {strides = array<i32>} : memref<2x128x128xf32, #tpu.memory_space<vmem>>, vector<1x1x16xf32>,
        %get3A_807 = vector.shape_cast %get3A_806 : vector<1x1x16xf32> to vector<16xf32>
        %get3A_808 = arith.constant 0 : i32
        %get3A_809 = arith.index_cast %get3A_808 : i32 to index
        %get3A_810 = arith.index_cast %add3A_661 : i32 to index
        %get3A_811 = arith.constant 112 : index
        %get3A_812 = tpu.vector_load %arg15[%get3A_809, %get3A_810, %get3A_811] {strides = array<i32>} : memref<2x128x128xf32, #tpu.memory_space<vmem>>, vector<1x1x16xf32>,
        %get3A_813 = vector.shape_cast %get3A_812 : vector<1x1x16xf32> to vector<16xf32>
        %add3A_814 = arith.addf %get3A_807, %get3A_813 : vector<16xf32>
        %get3A_815 = arith.constant 0 : i32
        %get3A_816 = arith.index_cast %get3A_815 : i32 to index
        %get3A_817 = arith.index_cast %add3A_661 : i32 to index
        %get3A_818 = arith.constant 112 : index
        %get3A_819 = tpu.vector_load %arg16[%get3A_816, %get3A_817, %get3A_818] {strides = array<i32>} : memref<2x128x128xf32, #tpu.memory_space<vmem>>, vector<1x1x16xf32>,
        %get3A_820 = vector.shape_cast %get3A_819 : vector<1x1x16xf32> to vector<16xf32>
        %add3A_821 = arith.addf %add3A_814, %get3A_820 : vector<16xf32>
        %add3A_822 = arith.addf %add3A_681, %add3A_701 : vector<16xf32>
        %add3A_823 = arith.addf %add3A_721, %add3A_741 : vector<16xf32>
        %add3A_824 = arith.addf %add3A_761, %add3A_781 : vector<16xf32>
        %add3A_825 = arith.addf %add3A_801, %add3A_821 : vector<16xf32>
        %add3A_826 = arith.addf %add3A_822, %add3A_823 : vector<16xf32>
        %add3A_827 = arith.addf %add3A_824, %add3A_825 : vector<16xf32>
        %add3A_828 = arith.addf %add3A_826, %add3A_827 : vector<16xf32>
        %iota3A_829 = tpu.iota {dimensions = array<i32: 0>} : vector<16xi32>
        %add3A_830 = arith.constant 8 : i32
        %add3A_831 = vector.broadcast %add3A_830 : i32 to vector<16xi32>
        %add3A_832 = arith.addi %iota3A_829, %add3A_831 : vector<16xi32>
        %and3A_833 = arith.constant 15 : i32
        %and3A_834 = vector.broadcast %and3A_833 : i32 to vector<16xi32>
        %and3A_835 = arith.andi %add3A_832, %and3A_834 : vector<16xi32>
        %broadcast_in_dim3A_836 = vector.shape_cast %and3A_835 : vector<16xi32> to vector<16x1xi32>
        %gather3A_837 = vector.shape_cast %broadcast_in_dim3A_836 : vector<16x1xi32> to vector<16xi32>
        %gather3A_838 = tpu.dynamic_gather %add3A_828[%gather3A_837] in [0] : vector<16xf32>, vector<16xi32> -> vector<16xf32>
        %add3A_839 = arith.addf %add3A_828, %gather3A_838 : vector<16xf32>
        %iota3A_840 = tpu.iota {dimensions = array<i32: 0>} : vector<16xi32>
        %add3A_841 = arith.constant 4 : i32
        %add3A_842 = vector.broadcast %add3A_841 : i32 to vector<16xi32>
        %add3A_843 = arith.addi %iota3A_840, %add3A_842 : vector<16xi32>
        %and3A_844 = arith.constant 15 : i32
        %and3A_845 = vector.broadcast %and3A_844 : i32 to vector<16xi32>
        %and3A_846 = arith.andi %add3A_843, %and3A_845 : vector<16xi32>
        %broadcast_in_dim3A_847 = vector.shape_cast %and3A_846 : vector<16xi32> to vector<16x1xi32>
        %gather3A_848 = vector.shape_cast %broadcast_in_dim3A_847 : vector<16x1xi32> to vector<16xi32>
        %gather3A_849 = tpu.dynamic_gather %add3A_839[%gather3A_848] in [0] : vector<16xf32>, vector<16xi32> -> vector<16xf32>
        %add3A_850 = arith.addf %add3A_839, %gather3A_849 : vector<16xf32>
        %iota3A_851 = tpu.iota {dimensions = array<i32: 0>} : vector<16xi32>
        %add3A_852 = arith.constant 2 : i32
        %add3A_853 = vector.broadcast %add3A_852 : i32 to vector<16xi32>
        %add3A_854 = arith.addi %iota3A_851, %add3A_853 : vector<16xi32>
        %and3A_855 = arith.constant 15 : i32
        %and3A_856 = vector.broadcast %and3A_855 : i32 to vector<16xi32>
        %and3A_857 = arith.andi %add3A_854, %and3A_856 : vector<16xi32>
        %broadcast_in_dim3A_858 = vector.shape_cast %and3A_857 : vector<16xi32> to vector<16x1xi32>
        %gather3A_859 = vector.shape_cast %broadcast_in_dim3A_858 : vector<16x1xi32> to vector<16xi32>
        %gather3A_860 = tpu.dynamic_gather %add3A_850[%gather3A_859] in [0] : vector<16xf32>, vector<16xi32> -> vector<16xf32>
        %add3A_861 = arith.addf %add3A_850, %gather3A_860 : vector<16xf32>
        %iota3A_862 = tpu.iota {dimensions = array<i32: 0>} : vector<16xi32>
        %add3A_863 = arith.constant 1 : i32
        %add3A_864 = vector.broadcast %add3A_863 : i32 to vector<16xi32>
        %add3A_865 = arith.addi %iota3A_862, %add3A_864 : vector<16xi32>
        %and3A_866 = arith.constant 15 : i32
        %and3A_867 = vector.broadcast %and3A_866 : i32 to vector<16xi32>
        %and3A_868 = arith.andi %add3A_865, %and3A_867 : vector<16xi32>
        %broadcast_in_dim3A_869 = vector.shape_cast %and3A_868 : vector<16xi32> to vector<16x1xi32>
        %gather3A_870 = vector.shape_cast %broadcast_in_dim3A_869 : vector<16x1xi32> to vector<16xi32>
        %gather3A_871 = tpu.dynamic_gather %add3A_861[%gather3A_870] in [0] : vector<16xf32>, vector<16xi32> -> vector<16xf32>
        %add3A_872 = arith.addf %add3A_861, %gather3A_871 : vector<16xf32>
        %mul3A_873 = arith.constant 7.812500e-03 : f32
        %mul3A_874 = vector.broadcast %mul3A_873 : f32 to vector<16xf32>
        %mul3A_875 = arith.mulf %add3A_872, %mul3A_874 : vector<16xf32>
        %mul3A_876 = arith.mulf %add3A_681, %add3A_681 : vector<16xf32>
        %mul3A_877 = arith.mulf %add3A_701, %add3A_701 : vector<16xf32>
        %mul3A_878 = arith.mulf %add3A_721, %add3A_721 : vector<16xf32>
        %mul3A_879 = arith.mulf %add3A_741, %add3A_741 : vector<16xf32>
        %mul3A_880 = arith.mulf %add3A_761, %add3A_761 : vector<16xf32>
        %mul3A_881 = arith.mulf %add3A_781, %add3A_781 : vector<16xf32>
        %mul3A_882 = arith.mulf %add3A_801, %add3A_801 : vector<16xf32>
        %mul3A_883 = arith.mulf %add3A_821, %add3A_821 : vector<16xf32>
        %add3A_884 = arith.addf %mul3A_876, %mul3A_877 : vector<16xf32>
        %add3A_885 = arith.addf %mul3A_878, %mul3A_879 : vector<16xf32>
        %add3A_886 = arith.addf %mul3A_880, %mul3A_881 : vector<16xf32>
        %add3A_887 = arith.addf %mul3A_882, %mul3A_883 : vector<16xf32>
        %add3A_888 = arith.addf %add3A_884, %add3A_885 : vector<16xf32>
        %add3A_889 = arith.addf %add3A_886, %add3A_887 : vector<16xf32>
        %add3A_890 = arith.addf %add3A_888, %add3A_889 : vector<16xf32>
        %iota3A_891 = tpu.iota {dimensions = array<i32: 0>} : vector<16xi32>
        %add3A_892 = arith.constant 8 : i32
        %add3A_893 = vector.broadcast %add3A_892 : i32 to vector<16xi32>
        %add3A_894 = arith.addi %iota3A_891, %add3A_893 : vector<16xi32>
        %and3A_895 = arith.constant 15 : i32
        %and3A_896 = vector.broadcast %and3A_895 : i32 to vector<16xi32>
        %and3A_897 = arith.andi %add3A_894, %and3A_896 : vector<16xi32>
        %broadcast_in_dim3A_898 = vector.shape_cast %and3A_897 : vector<16xi32> to vector<16x1xi32>
        %gather3A_899 = vector.shape_cast %broadcast_in_dim3A_898 : vector<16x1xi32> to vector<16xi32>
        %gather3A_900 = tpu.dynamic_gather %add3A_890[%gather3A_899] in [0] : vector<16xf32>, vector<16xi32> -> vector<16xf32>
        %add3A_901 = arith.addf %add3A_890, %gather3A_900 : vector<16xf32>
        %iota3A_902 = tpu.iota {dimensions = array<i32: 0>} : vector<16xi32>
        %add3A_903 = arith.constant 4 : i32
        %add3A_904 = vector.broadcast %add3A_903 : i32 to vector<16xi32>
        %add3A_905 = arith.addi %iota3A_902, %add3A_904 : vector<16xi32>
        %and3A_906 = arith.constant 15 : i32
        %and3A_907 = vector.broadcast %and3A_906 : i32 to vector<16xi32>
        %and3A_908 = arith.andi %add3A_905, %and3A_907 : vector<16xi32>
        %broadcast_in_dim3A_909 = vector.shape_cast %and3A_908 : vector<16xi32> to vector<16x1xi32>
        %gather3A_910 = vector.shape_cast %broadcast_in_dim3A_909 : vector<16x1xi32> to vector<16xi32>
        %gather3A_911 = tpu.dynamic_gather %add3A_901[%gather3A_910] in [0] : vector<16xf32>, vector<16xi32> -> vector<16xf32>
        %add3A_912 = arith.addf %add3A_901, %gather3A_911 : vector<16xf32>
        %iota3A_913 = tpu.iota {dimensions = array<i32: 0>} : vector<16xi32>
        %add3A_914 = arith.constant 2 : i32
        %add3A_915 = vector.broadcast %add3A_914 : i32 to vector<16xi32>
        %add3A_916 = arith.addi %iota3A_913, %add3A_915 : vector<16xi32>
        %and3A_917 = arith.constant 15 : i32
        %and3A_918 = vector.broadcast %and3A_917 : i32 to vector<16xi32>
        %and3A_919 = arith.andi %add3A_916, %and3A_918 : vector<16xi32>
        %broadcast_in_dim3A_920 = vector.shape_cast %and3A_919 : vector<16xi32> to vector<16x1xi32>
        %gather3A_921 = vector.shape_cast %broadcast_in_dim3A_920 : vector<16x1xi32> to vector<16xi32>
        %gather3A_922 = tpu.dynamic_gather %add3A_912[%gather3A_921] in [0] : vector<16xf32>, vector<16xi32> -> vector<16xf32>
        %add3A_923 = arith.addf %add3A_912, %gather3A_922 : vector<16xf32>
        %iota3A_924 = tpu.iota {dimensions = array<i32: 0>} : vector<16xi32>
        %add3A_925 = arith.constant 1 : i32
        %add3A_926 = vector.broadcast %add3A_925 : i32 to vector<16xi32>
        %add3A_927 = arith.addi %iota3A_924, %add3A_926 : vector<16xi32>
        %and3A_928 = arith.constant 15 : i32
        %and3A_929 = vector.broadcast %and3A_928 : i32 to vector<16xi32>
        %and3A_930 = arith.andi %add3A_927, %and3A_929 : vector<16xi32>
        %broadcast_in_dim3A_931 = vector.shape_cast %and3A_930 : vector<16xi32> to vector<16x1xi32>
        %gather3A_932 = vector.shape_cast %broadcast_in_dim3A_931 : vector<16x1xi32> to vector<16xi32>
        %gather3A_933 = tpu.dynamic_gather %add3A_923[%gather3A_932] in [0] : vector<16xf32>, vector<16xi32> -> vector<16xf32>
        %add3A_934 = arith.addf %add3A_923, %gather3A_933 : vector<16xf32>
        %mul3A_935 = arith.constant 7.812500e-03 : f32
        %mul3A_936 = vector.broadcast %mul3A_935 : f32 to vector<16xf32>
        %mul3A_937 = arith.mulf %add3A_934, %mul3A_936 : vector<16xf32>
        %mul3A_938 = arith.mulf %mul3A_875, %mul3A_875 : vector<16xf32>
        %sub3A_939 = arith.subf %mul3A_937, %mul3A_938 : vector<16xf32>
        %add3A_940 = arith.constant 9.99999996E-13 : f32
        %add3A_941 = vector.broadcast %add3A_940 : f32 to vector<16xf32>
        %add3A_942 = arith.addf %sub3A_939, %add3A_941 : vector<16xf32>
        %bitcast_convert_type3A_943 = tpu.bitcast %add3A_942 : vector<16xf32> -> vector<16xi32>
        %shift_right_arithmetic3A_944 = arith.constant 1 : i32
        %shift_right_arithmetic3A_945 = vector.broadcast %shift_right_arithmetic3A_944 : i32 to vector<16xi32>
        %shift_right_arithmetic3A_946 = arith.shrsi %bitcast_convert_type3A_943, %shift_right_arithmetic3A_945 : vector<16xi32>
        %sub3A_947 = arith.constant 1597463007 : i32
        %sub3A_948 = vector.broadcast %sub3A_947 : i32 to vector<16xi32>
        %sub3A_949 = arith.subi %sub3A_948, %shift_right_arithmetic3A_946 : vector<16xi32>
        %bitcast_convert_type3A_950 = tpu.bitcast %sub3A_949 : vector<16xi32> -> vector<16xf32>
        %mul3A_951 = arith.constant 5.000000e-01 : f32
        %mul3A_952 = vector.broadcast %mul3A_951 : f32 to vector<16xf32>
        %mul3A_953 = arith.mulf %mul3A_952, %add3A_942 : vector<16xf32>
        %mul3A_954 = arith.mulf %mul3A_953, %bitcast_convert_type3A_950 : vector<16xf32>
        %mul3A_955 = arith.mulf %mul3A_954, %bitcast_convert_type3A_950 : vector<16xf32>
        %sub3A_956 = arith.constant 1.500000e+00 : f32
        %sub3A_957 = vector.broadcast %sub3A_956 : f32 to vector<16xf32>
        %sub3A_958 = arith.subf %sub3A_957, %mul3A_955 : vector<16xf32>
        %mul3A_959 = arith.mulf %bitcast_convert_type3A_950, %sub3A_958 : vector<16xf32>
        %mul3A_960 = arith.constant 5.000000e-01 : f32
        %mul3A_961 = vector.broadcast %mul3A_960 : f32 to vector<16xf32>
        %mul3A_962 = arith.mulf %mul3A_961, %add3A_942 : vector<16xf32>
        %mul3A_963 = arith.mulf %mul3A_962, %mul3A_959 : vector<16xf32>
        %mul3A_964 = arith.mulf %mul3A_963, %mul3A_959 : vector<16xf32>
        %sub3A_965 = arith.constant 1.500000e+00 : f32
        %sub3A_966 = vector.broadcast %sub3A_965 : f32 to vector<16xf32>
        %sub3A_967 = arith.subf %sub3A_966, %mul3A_964 : vector<16xf32>
        %mul3A_968 = arith.mulf %mul3A_959, %sub3A_967 : vector<16xf32>
        %mul3A_969 = arith.constant 5.000000e-01 : f32
        %mul3A_970 = vector.broadcast %mul3A_969 : f32 to vector<16xf32>
        %mul3A_971 = arith.mulf %mul3A_970, %add3A_942 : vector<16xf32>
        %mul3A_972 = arith.mulf %mul3A_971, %mul3A_968 : vector<16xf32>
        %mul3A_973 = arith.mulf %mul3A_972, %mul3A_968 : vector<16xf32>
        %sub3A_974 = arith.constant 1.500000e+00 : f32
        %sub3A_975 = vector.broadcast %sub3A_974 : f32 to vector<16xf32>
        %sub3A_976 = arith.subf %sub3A_975, %mul3A_973 : vector<16xf32>
        %mul3A_977 = arith.mulf %mul3A_968, %sub3A_976 : vector<16xf32>
        %sub3A_978 = arith.subf %add3A_681, %mul3A_875 : vector<16xf32>
        %mul3A_979 = arith.mulf %sub3A_978, %mul3A_977 : vector<16xf32>
        %get3A_980 = arith.constant 0 : index
        %get3A_981 = tpu.vector_load %arg17[%get3A_980] {strides = array<i32>} : memref<128xf32, #tpu.memory_space<vmem>>, vector<16xf32>,
        %get3A_982 = vector.shape_cast %get3A_981 : vector<16xf32> to vector<16xf32>
        %mul3A_983 = arith.mulf %mul3A_979, %get3A_982 : vector<16xf32>
        %get3A_984 = arith.constant 0 : index
        %get3A_985 = tpu.vector_load %arg18[%get3A_984] {strides = array<i32>} : memref<128xf32, #tpu.memory_space<vmem>>, vector<16xf32>,
        %get3A_986 = vector.shape_cast %get3A_985 : vector<16xf32> to vector<16xf32>
        %add3A_987 = arith.addf %mul3A_983, %get3A_986 : vector<16xf32>
        %swap3A_988 = arith.constant 0 : i32
        %swap3A_989 = arith.index_cast %swap3A_988 : i32 to index
        %swap3A_990 = arith.index_cast %add3A_661 : i32 to index
        %swap3A_991 = arith.constant 0 : index
        %swap3A_992 = tpu.vector_load %arg14[%swap3A_989, %swap3A_990, %swap3A_991] {strides = array<i32>} : memref<2x128x128xf32, #tpu.memory_space<vmem>>, vector<1x1x16xf32>,
        %swap3A_993 = vector.shape_cast %swap3A_992 : vector<1x1x16xf32> to vector<16xf32>
        %swap3A_994 = vector.shape_cast %add3A_987 : vector<16xf32> to vector<1x1x16xf32>
        tpu.vector_store %arg14[%swap3A_989, %swap3A_990, %swap3A_991], %swap3A_994 {strides = array<i32>} : memref<2x128x128xf32, #tpu.memory_space<vmem>>, vector<1x1x16xf32>,
        %sub3A_995 = arith.subf %add3A_701, %mul3A_875 : vector<16xf32>
        %mul3A_996 = arith.mulf %sub3A_995, %mul3A_977 : vector<16xf32>
        %get3A_997 = arith.constant 16 : index
        %get3A_998 = tpu.vector_load %arg17[%get3A_997] {strides = array<i32>} : memref<128xf32, #tpu.memory_space<vmem>>, vector<16xf32>,
        %get3A_999 = vector.shape_cast %get3A_998 : vector<16xf32> to vector<16xf32>
        %mul3A_1000 = arith.mulf %mul3A_996, %get3A_999 : vector<16xf32>
        %get3A_1001 = arith.constant 16 : index
        %get3A_1002 = tpu.vector_load %arg18[%get3A_1001] {strides = array<i32>} : memref<128xf32, #tpu.memory_space<vmem>>, vector<16xf32>,
        %get3A_1003 = vector.shape_cast %get3A_1002 : vector<16xf32> to vector<16xf32>
        %add3A_1004 = arith.addf %mul3A_1000, %get3A_1003 : vector<16xf32>
        %swap3A_1005 = arith.constant 0 : i32
        %swap3A_1006 = arith.index_cast %swap3A_1005 : i32 to index
        %swap3A_1007 = arith.index_cast %add3A_661 : i32 to index
        %swap3A_1008 = arith.constant 16 : index
        %swap3A_1009 = tpu.vector_load %arg14[%swap3A_1006, %swap3A_1007, %swap3A_1008] {strides = array<i32>} : memref<2x128x128xf32, #tpu.memory_space<vmem>>, vector<1x1x16xf32>,
        %swap3A_1010 = vector.shape_cast %swap3A_1009 : vector<1x1x16xf32> to vector<16xf32>
        %swap3A_1011 = vector.shape_cast %add3A_1004 : vector<16xf32> to vector<1x1x16xf32>
        tpu.vector_store %arg14[%swap3A_1006, %swap3A_1007, %swap3A_1008], %swap3A_1011 {strides = array<i32>} : memref<2x128x128xf32, #tpu.memory_space<vmem>>, vector<1x1x16xf32>,
        %sub3A_1012 = arith.subf %add3A_721, %mul3A_875 : vector<16xf32>
        %mul3A_1013 = arith.mulf %sub3A_1012, %mul3A_977 : vector<16xf32>
        %get3A_1014 = arith.constant 32 : index
        %get3A_1015 = tpu.vector_load %arg17[%get3A_1014] {strides = array<i32>} : memref<128xf32, #tpu.memory_space<vmem>>, vector<16xf32>,
        %get3A_1016 = vector.shape_cast %get3A_1015 : vector<16xf32> to vector<16xf32>
        %mul3A_1017 = arith.mulf %mul3A_1013, %get3A_1016 : vector<16xf32>
        %get3A_1018 = arith.constant 32 : index
        %get3A_1019 = tpu.vector_load %arg18[%get3A_1018] {strides = array<i32>} : memref<128xf32, #tpu.memory_space<vmem>>, vector<16xf32>,
        %get3A_1020 = vector.shape_cast %get3A_1019 : vector<16xf32> to vector<16xf32>
        %add3A_1021 = arith.addf %mul3A_1017, %get3A_1020 : vector<16xf32>
        %swap3A_1022 = arith.constant 0 : i32
        %swap3A_1023 = arith.index_cast %swap3A_1022 : i32 to index
        %swap3A_1024 = arith.index_cast %add3A_661 : i32 to index
        %swap3A_1025 = arith.constant 32 : index
        %swap3A_1026 = tpu.vector_load %arg14[%swap3A_1023, %swap3A_1024, %swap3A_1025] {strides = array<i32>} : memref<2x128x128xf32, #tpu.memory_space<vmem>>, vector<1x1x16xf32>,
        %swap3A_1027 = vector.shape_cast %swap3A_1026 : vector<1x1x16xf32> to vector<16xf32>
        %swap3A_1028 = vector.shape_cast %add3A_1021 : vector<16xf32> to vector<1x1x16xf32>
        tpu.vector_store %arg14[%swap3A_1023, %swap3A_1024, %swap3A_1025], %swap3A_1028 {strides = array<i32>} : memref<2x128x128xf32, #tpu.memory_space<vmem>>, vector<1x1x16xf32>,
        %sub3A_1029 = arith.subf %add3A_741, %mul3A_875 : vector<16xf32>
        %mul3A_1030 = arith.mulf %sub3A_1029, %mul3A_977 : vector<16xf32>
        %get3A_1031 = arith.constant 48 : index
        %get3A_1032 = tpu.vector_load %arg17[%get3A_1031] {strides = array<i32>} : memref<128xf32, #tpu.memory_space<vmem>>, vector<16xf32>,
        %get3A_1033 = vector.shape_cast %get3A_1032 : vector<16xf32> to vector<16xf32>
        %mul3A_1034 = arith.mulf %mul3A_1030, %get3A_1033 : vector<16xf32>
        %get3A_1035 = arith.constant 48 : index
        %get3A_1036 = tpu.vector_load %arg18[%get3A_1035] {strides = array<i32>} : memref<128xf32, #tpu.memory_space<vmem>>, vector<16xf32>,
        %get3A_1037 = vector.shape_cast %get3A_1036 : vector<16xf32> to vector<16xf32>
        %add3A_1038 = arith.addf %mul3A_1034, %get3A_1037 : vector<16xf32>
        %swap3A_1039 = arith.constant 0 : i32
        %swap3A_1040 = arith.index_cast %swap3A_1039 : i32 to index
        %swap3A_1041 = arith.index_cast %add3A_661 : i32 to index
        %swap3A_1042 = arith.constant 48 : index
        %swap3A_1043 = tpu.vector_load %arg14[%swap3A_1040, %swap3A_1041, %swap3A_1042] {strides = array<i32>} : memref<2x128x128xf32, #tpu.memory_space<vmem>>, vector<1x1x16xf32>,
        %swap3A_1044 = vector.shape_cast %swap3A_1043 : vector<1x1x16xf32> to vector<16xf32>
        %swap3A_1045 = vector.shape_cast %add3A_1038 : vector<16xf32> to vector<1x1x16xf32>
        tpu.vector_store %arg14[%swap3A_1040, %swap3A_1041, %swap3A_1042], %swap3A_1045 {strides = array<i32>} : memref<2x128x128xf32, #tpu.memory_space<vmem>>, vector<1x1x16xf32>,
        %sub3A_1046 = arith.subf %add3A_761, %mul3A_875 : vector<16xf32>
        %mul3A_1047 = arith.mulf %sub3A_1046, %mul3A_977 : vector<16xf32>
        %get3A_1048 = arith.constant 64 : index
        %get3A_1049 = tpu.vector_load %arg17[%get3A_1048] {strides = array<i32>} : memref<128xf32, #tpu.memory_space<vmem>>, vector<16xf32>,
        %get3A_1050 = vector.shape_cast %get3A_1049 : vector<16xf32> to vector<16xf32>
        %mul3A_1051 = arith.mulf %mul3A_1047, %get3A_1050 : vector<16xf32>
        %get3A_1052 = arith.constant 64 : index
        %get3A_1053 = tpu.vector_load %arg18[%get3A_1052] {strides = array<i32>} : memref<128xf32, #tpu.memory_space<vmem>>, vector<16xf32>,
        %get3A_1054 = vector.shape_cast %get3A_1053 : vector<16xf32> to vector<16xf32>
        %add3A_1055 = arith.addf %mul3A_1051, %get3A_1054 : vector<16xf32>
        %swap3A_1056 = arith.constant 0 : i32
        %swap3A_1057 = arith.index_cast %swap3A_1056 : i32 to index
        %swap3A_1058 = arith.index_cast %add3A_661 : i32 to index
        %swap3A_1059 = arith.constant 64 : index
        %swap3A_1060 = tpu.vector_load %arg14[%swap3A_1057, %swap3A_1058, %swap3A_1059] {strides = array<i32>} : memref<2x128x128xf32, #tpu.memory_space<vmem>>, vector<1x1x16xf32>,
        %swap3A_1061 = vector.shape_cast %swap3A_1060 : vector<1x1x16xf32> to vector<16xf32>
        %swap3A_1062 = vector.shape_cast %add3A_1055 : vector<16xf32> to vector<1x1x16xf32>
        tpu.vector_store %arg14[%swap3A_1057, %swap3A_1058, %swap3A_1059], %swap3A_1062 {strides = array<i32>} : memref<2x128x128xf32, #tpu.memory_space<vmem>>, vector<1x1x16xf32>,
        %sub3A_1063 = arith.subf %add3A_781, %mul3A_875 : vector<16xf32>
        %mul3A_1064 = arith.mulf %sub3A_1063, %mul3A_977 : vector<16xf32>
        %get3A_1065 = arith.constant 80 : index
        %get3A_1066 = tpu.vector_load %arg17[%get3A_1065] {strides = array<i32>} : memref<128xf32, #tpu.memory_space<vmem>>, vector<16xf32>,
        %get3A_1067 = vector.shape_cast %get3A_1066 : vector<16xf32> to vector<16xf32>
        %mul3A_1068 = arith.mulf %mul3A_1064, %get3A_1067 : vector<16xf32>
        %get3A_1069 = arith.constant 80 : index
        %get3A_1070 = tpu.vector_load %arg18[%get3A_1069] {strides = array<i32>} : memref<128xf32, #tpu.memory_space<vmem>>, vector<16xf32>,
        %get3A_1071 = vector.shape_cast %get3A_1070 : vector<16xf32> to vector<16xf32>
        %add3A_1072 = arith.addf %mul3A_1068, %get3A_1071 : vector<16xf32>
        %swap3A_1073 = arith.constant 0 : i32
        %swap3A_1074 = arith.index_cast %swap3A_1073 : i32 to index
        %swap3A_1075 = arith.index_cast %add3A_661 : i32 to index
        %swap3A_1076 = arith.constant 80 : index
        %swap3A_1077 = tpu.vector_load %arg14[%swap3A_1074, %swap3A_1075, %swap3A_1076] {strides = array<i32>} : memref<2x128x128xf32, #tpu.memory_space<vmem>>, vector<1x1x16xf32>,
        %swap3A_1078 = vector.shape_cast %swap3A_1077 : vector<1x1x16xf32> to vector<16xf32>
        %swap3A_1079 = vector.shape_cast %add3A_1072 : vector<16xf32> to vector<1x1x16xf32>
        tpu.vector_store %arg14[%swap3A_1074, %swap3A_1075, %swap3A_1076], %swap3A_1079 {strides = array<i32>} : memref<2x128x128xf32, #tpu.memory_space<vmem>>, vector<1x1x16xf32>,
        %sub3A_1080 = arith.subf %add3A_801, %mul3A_875 : vector<16xf32>
        %mul3A_1081 = arith.mulf %sub3A_1080, %mul3A_977 : vector<16xf32>
        %get3A_1082 = arith.constant 96 : index
        %get3A_1083 = tpu.vector_load %arg17[%get3A_1082] {strides = array<i32>} : memref<128xf32, #tpu.memory_space<vmem>>, vector<16xf32>,
        %get3A_1084 = vector.shape_cast %get3A_1083 : vector<16xf32> to vector<16xf32>
        %mul3A_1085 = arith.mulf %mul3A_1081, %get3A_1084 : vector<16xf32>
        %get3A_1086 = arith.constant 96 : index
        %get3A_1087 = tpu.vector_load %arg18[%get3A_1086] {strides = array<i32>} : memref<128xf32, #tpu.memory_space<vmem>>, vector<16xf32>,
        %get3A_1088 = vector.shape_cast %get3A_1087 : vector<16xf32> to vector<16xf32>
        %add3A_1089 = arith.addf %mul3A_1085, %get3A_1088 : vector<16xf32>
        %swap3A_1090 = arith.constant 0 : i32
        %swap3A_1091 = arith.index_cast %swap3A_1090 : i32 to index
        %swap3A_1092 = arith.index_cast %add3A_661 : i32 to index
        %swap3A_1093 = arith.constant 96 : index
        %swap3A_1094 = tpu.vector_load %arg14[%swap3A_1091, %swap3A_1092, %swap3A_1093] {strides = array<i32>} : memref<2x128x128xf32, #tpu.memory_space<vmem>>, vector<1x1x16xf32>,
        %swap3A_1095 = vector.shape_cast %swap3A_1094 : vector<1x1x16xf32> to vector<16xf32>
        %swap3A_1096 = vector.shape_cast %add3A_1089 : vector<16xf32> to vector<1x1x16xf32>
        tpu.vector_store %arg14[%swap3A_1091, %swap3A_1092, %swap3A_1093], %swap3A_1096 {strides = array<i32>} : memref<2x128x128xf32, #tpu.memory_space<vmem>>, vector<1x1x16xf32>,
        %sub3A_1097 = arith.subf %add3A_821, %mul3A_875 : vector<16xf32>
        %mul3A_1098 = arith.mulf %sub3A_1097, %mul3A_977 : vector<16xf32>
        %get3A_1099 = arith.constant 112 : index
        %get3A_1100 = tpu.vector_load %arg17[%get3A_1099] {strides = array<i32>} : memref<128xf32, #tpu.memory_space<vmem>>, vector<16xf32>,
        %get3A_1101 = vector.shape_cast %get3A_1100 : vector<16xf32> to vector<16xf32>
        %mul3A_1102 = arith.mulf %mul3A_1098, %get3A_1101 : vector<16xf32>
        %get3A_1103 = arith.constant 112 : index
        %get3A_1104 = tpu.vector_load %arg18[%get3A_1103] {strides = array<i32>} : memref<128xf32, #tpu.memory_space<vmem>>, vector<16xf32>,
        %get3A_1105 = vector.shape_cast %get3A_1104 : vector<16xf32> to vector<16xf32>
        %add3A_1106 = arith.addf %mul3A_1102, %get3A_1105 : vector<16xf32>
        %swap3A_1107 = arith.constant 0 : i32
        %swap3A_1108 = arith.index_cast %swap3A_1107 : i32 to index
        %swap3A_1109 = arith.index_cast %add3A_661 : i32 to index
        %swap3A_1110 = arith.constant 112 : index
        %swap3A_1111 = tpu.vector_load %arg14[%swap3A_1108, %swap3A_1109, %swap3A_1110] {strides = array<i32>} : memref<2x128x128xf32, #tpu.memory_space<vmem>>, vector<1x1x16xf32>,
        %swap3A_1112 = vector.shape_cast %swap3A_1111 : vector<1x1x16xf32> to vector<16xf32>
        %swap3A_1113 = vector.shape_cast %add3A_1106 : vector<16xf32> to vector<1x1x16xf32>
        tpu.vector_store %arg14[%swap3A_1108, %swap3A_1109, %swap3A_1110], %swap3A_1113 {strides = array<i32>} : memref<2x128x128xf32, #tpu.memory_space<vmem>>, vector<1x1x16xf32>,
        %scan3A_1114 = arith.constant 0 : i32
        scf.yield %scan3A_1114 : i32
      }
      %scan3A_118 = arith.constant 64 : i32
      %mul3A_119 = arith.constant 128 : i32
      %mul3A_120 = arith.muli %add3A_67, %mul3A_119 : i32
      %add3A_121 = arith.addi %mul3A_2, %mul3A_120 : i32
      %dma_start3A_122 = arith.constant 0 : i32
      %dma_start3A_123 = arith.constant 0 : i32
      %dma_start3A_124 = arith.constant 0 : i32
      %dma_start3A_125 = tpu.memref_slice %arg14[%dma_start3A_122, %dma_start3A_123, %dma_start3A_124] : memref<2x128x128xf32, #tpu.memory_space<vmem>> -> memref<1x128x128xf32, #tpu.memory_space<vmem>>
      %dma_start3A_126 = tpu.memref_squeeze %dma_start3A_125 : memref<1x128x128xf32, #tpu.memory_space<vmem>> -> memref<128x128xf32, #tpu.memory_space<vmem>>
      %dma_start3A_127 = arith.constant 0 : i32
      %dma_start3A_128 = tpu.memref_slice %arg10[%add3A_121, %dma_start3A_127] : memref<819200x128xf32, #tpu.memory_space<hbm>> -> memref<128x128xf32, #tpu.memory_space<hbm>>
      %dma_start3A_129 = arith.constant 0 : i32
      %dma_start3A_130 = tpu.memref_slice %arg10[%add3A_121, %dma_start3A_129] : memref<819200x128xf32, #tpu.memory_space<hbm>> -> memref<128x128xf32, #tpu.memory_space<hbm>>
      %dma_start3A_131 = arith.constant 0 : i32
      %dma_start3A_132 = arith.constant 0 : i32
      %dma_start3A_133 = tpu.memref_slice %arg14[%dma_start3A_122, %dma_start3A_131, %dma_start3A_132] : memref<2x128x128xf32, #tpu.memory_space<vmem>> -> memref<1x128x128xf32, #tpu.memory_space<vmem>>
      %dma_start3A_134 = tpu.memref_squeeze %dma_start3A_133 : memref<1x128x128xf32, #tpu.memory_space<vmem>> -> memref<128x128xf32, #tpu.memory_space<vmem>>
      tpu.enqueue_dma source(%dma_start3A_134 : memref<128x128xf32, #tpu.memory_space<vmem>>) target(%dma_start3A_130 : memref<128x128xf32, #tpu.memory_space<hbm>>) target_semaphore(%arg25 : memref<!tpu.dma_semaphore, #tpu.memory_space<semaphore_mem>>)
      %mul3A_135 = arith.constant 2 : i32
      %mul3A_136 = arith.muli %mul3A_135, %scan3A_62 : i32
      %add3A_137 = arith.constant 1 : i32
      %add3A_138 = arith.addi %mul3A_136, %add3A_137 : i32
      %dma_wait3A_139 = arith.constant 1 : i32
      %dma_wait3A_140 = arith.constant 1 : i32
      %dma_wait3A_141 = arith.constant 0 : i32
      %dma_wait3A_142 = arith.constant 0 : i32
      %dma_wait3A_143 = tpu.memref_slice %arg14[%dma_wait3A_140, %dma_wait3A_141, %dma_wait3A_142] : memref<2x128x128xf32, #tpu.memory_space<vmem>> -> memref<1x128x128xf32, #tpu.memory_space<vmem>>
      %dma_wait3A_144 = tpu.memref_squeeze %dma_wait3A_143 : memref<1x128x128xf32, #tpu.memory_space<vmem>> -> memref<128x128xf32, #tpu.memory_space<vmem>>
      %dma_wait3A_145 = arith.constant 0 : i32
      %dma_wait3A_146 = tpu.memref_slice %arg11[%dma_wait3A_139, %dma_wait3A_145] : memref<2x128xi32, #tpu.memory_space<vmem>> -> memref<1x128xi32, #tpu.memory_space<vmem>>
      %dma_wait3A_147 = tpu.memref_squeeze %dma_wait3A_146 : memref<1x128xi32, #tpu.memory_space<vmem>> -> memref<128xi32, #tpu.memory_space<vmem>>
      %dma_wait3A_148 = arith.constant 0 : i32
      %dma_wait3A_149 = arith.constant 0 : i32
      %dma_wait3A_150 = tpu.memref_slice %arg5[%dma_wait3A_148, %dma_wait3A_149] : memref<1000x128xf32, #tpu.memory_space<hbm>> -> memref<1000x128xf32, #tpu.memory_space<hbm>>
      tpu.wait_indirect_dma semaphore(%arg20 : memref<!tpu.dma_semaphore, #tpu.memory_space<semaphore_mem>>) src(%dma_wait3A_150 : memref<1000x128xf32, #tpu.memory_space<hbm>>) dst(%dma_wait3A_144 : memref<128x128xf32, #tpu.memory_space<vmem>>)
      %dma_wait3A_151 = arith.constant 1 : i32
      %dma_wait3A_152 = arith.constant 1 : i32
      %dma_wait3A_153 = arith.constant 0 : i32
      %dma_wait3A_154 = arith.constant 0 : i32
      %dma_wait3A_155 = tpu.memref_slice %arg15[%dma_wait3A_152, %dma_wait3A_153, %dma_wait3A_154] : memref<2x128x128xf32, #tpu.memory_space<vmem>> -> memref<1x128x128xf32, #tpu.memory_space<vmem>>
      %dma_wait3A_156 = tpu.memref_squeeze %dma_wait3A_155 : memref<1x128x128xf32, #tpu.memory_space<vmem>> -> memref<128x128xf32, #tpu.memory_space<vmem>>
      %dma_wait3A_157 = arith.constant 0 : i32
      %dma_wait3A_158 = tpu.memref_slice %arg12[%dma_wait3A_151, %dma_wait3A_157] : memref<2x128xi32, #tpu.memory_space<vmem>> -> memref<1x128xi32, #tpu.memory_space<vmem>>
      %dma_wait3A_159 = tpu.memref_squeeze %dma_wait3A_158 : memref<1x128xi32, #tpu.memory_space<vmem>> -> memref<128xi32, #tpu.memory_space<vmem>>
      %dma_wait3A_160 = arith.constant 0 : i32
      %dma_wait3A_161 = arith.constant 0 : i32
      %dma_wait3A_162 = tpu.memref_slice %arg6[%dma_wait3A_160, %dma_wait3A_161] : memref<31x128xf32, #tpu.memory_space<hbm>> -> memref<31x128xf32, #tpu.memory_space<hbm>>
      tpu.wait_indirect_dma semaphore(%arg22 : memref<!tpu.dma_semaphore, #tpu.memory_space<semaphore_mem>>) src(%dma_wait3A_162 : memref<31x128xf32, #tpu.memory_space<hbm>>) dst(%dma_wait3A_156 : memref<128x128xf32, #tpu.memory_space<vmem>>)
      %dma_wait3A_163 = arith.constant 1 : i32
      %dma_wait3A_164 = arith.constant 1 : i32
      %dma_wait3A_165 = arith.constant 0 : i32
      %dma_wait3A_166 = arith.constant 0 : i32
      %dma_wait3A_167 = tpu.memref_slice %arg16[%dma_wait3A_164, %dma_wait3A_165, %dma_wait3A_166] : memref<2x128x128xf32, #tpu.memory_space<vmem>> -> memref<1x128x128xf32, #tpu.memory_space<vmem>>
      %dma_wait3A_168 = tpu.memref_squeeze %dma_wait3A_167 : memref<1x128x128xf32, #tpu.memory_space<vmem>> -> memref<128x128xf32, #tpu.memory_space<vmem>>
      %dma_wait3A_169 = arith.constant 0 : i32
      %dma_wait3A_170 = tpu.memref_slice %arg13[%dma_wait3A_163, %dma_wait3A_169] : memref<2x128xi32, #tpu.memory_space<vmem>> -> memref<1x128xi32, #tpu.memory_space<vmem>>
      %dma_wait3A_171 = tpu.memref_squeeze %dma_wait3A_170 : memref<1x128xi32, #tpu.memory_space<vmem>> -> memref<128xi32, #tpu.memory_space<vmem>>
      %dma_wait3A_172 = arith.constant 0 : i32
      %dma_wait3A_173 = arith.constant 0 : i32
      %dma_wait3A_174 = tpu.memref_slice %arg7[%dma_wait3A_172, %dma_wait3A_173] : memref<512x128xf32, #tpu.memory_space<hbm>> -> memref<512x128xf32, #tpu.memory_space<hbm>>
      tpu.wait_indirect_dma semaphore(%arg24 : memref<!tpu.dma_semaphore, #tpu.memory_space<semaphore_mem>>) src(%dma_wait3A_174 : memref<512x128xf32, #tpu.memory_space<hbm>>) dst(%dma_wait3A_168 : memref<128x128xf32, #tpu.memory_space<vmem>>)
      %ge3A_175 = arith.constant 1 : i32
      %ge3A_176 = arith.cmpi sge, %add3A_138, %ge3A_175 : i32
      %convert_element_type3A_177 = arith.extui %ge3A_176 : i1 to i32
      %cond3A_178 = arith.constant 0 : i32
      %cond3A_179 = arith.cmpi ne, %convert_element_type3A_177, %cond3A_178 : i32
      scf.if %cond3A_179 {
        %sub3A = arith.constant 1 : i32
        %sub3A_211 = arith.subi %add3A_138, %sub3A : i32
        %mul3A_212 = arith.constant 128 : i32
        %mul3A_213 = arith.muli %sub3A_211, %mul3A_212 : i32
        %add3A_214 = arith.addi %mul3A_2, %mul3A_213 : i32
        %dma_wait3A_215 = arith.constant 0 : i32
        %dma_wait3A_216 = arith.constant 0 : i32
        %dma_wait3A_217 = arith.constant 0 : i32
        %dma_wait3A_218 = tpu.memref_slice %arg14[%dma_wait3A_215, %dma_wait3A_216, %dma_wait3A_217] : memref<2x128x128xf32, #tpu.memory_space<vmem>> -> memref<1x128x128xf32, #tpu.memory_space<vmem>>
        %dma_wait3A_219 = tpu.memref_squeeze %dma_wait3A_218 : memref<1x128x128xf32, #tpu.memory_space<vmem>> -> memref<128x128xf32, #tpu.memory_space<vmem>>
        %dma_wait3A_220 = arith.constant 0 : i32
        %dma_wait3A_221 = tpu.memref_slice %arg10[%add3A_214, %dma_wait3A_220] : memref<819200x128xf32, #tpu.memory_space<hbm>> -> memref<128x128xf32, #tpu.memory_space<hbm>>
        %dma_wait3A_222 = arith.constant 0 : i32
        %dma_wait3A_223 = tpu.memref_slice %arg10[%add3A_214, %dma_wait3A_222] : memref<819200x128xf32, #tpu.memory_space<hbm>> -> memref<128x128xf32, #tpu.memory_space<hbm>>
        %dma_wait3A_224 = arith.constant 0 : i32
        %dma_wait3A_225 = arith.constant 0 : i32
        %dma_wait3A_226 = tpu.memref_slice %arg14[%dma_wait3A_215, %dma_wait3A_224, %dma_wait3A_225] : memref<2x128x128xf32, #tpu.memory_space<vmem>> -> memref<1x128x128xf32, #tpu.memory_space<vmem>>
        %dma_wait3A_227 = tpu.memref_squeeze %dma_wait3A_226 : memref<1x128x128xf32, #tpu.memory_space<vmem>> -> memref<128x128xf32, #tpu.memory_space<vmem>>
        tpu.wait_dma2 semaphore(%arg25 : memref<!tpu.dma_semaphore, #tpu.memory_space<semaphore_mem>>) src(%dma_wait3A_227 : memref<128x128xf32, #tpu.memory_space<vmem>>) dst(%dma_wait3A_223 : memref<128x128xf32, #tpu.memory_space<hbm>>)
      } else {
      }
      %add3A_180 = arith.constant 1 : i32
      %add3A_181 = arith.addi %add3A_138, %add3A_180 : i32
      %lt3A_182 = arith.constant 200 : i32
      %lt3A_183 = arith.cmpi slt, %add3A_181, %lt3A_182 : i32
      %convert_element_type3A_184 = arith.extui %lt3A_183 : i1 to i32
      %cond3A_185 = arith.constant 0 : i32
      %cond3A_186 = arith.cmpi ne, %convert_element_type3A_184, %cond3A_185 : i32
      scf.if %cond3A_186 {
        %add3A_211 = arith.constant 1 : i32
        %add3A_212 = arith.addi %add3A_138, %add3A_211 : i32
        %mul3A_213 = arith.constant 128 : i32
        %mul3A_214 = arith.muli %add3A_212, %mul3A_213 : i32
        %add3A_215 = arith.addi %mul3A_2, %mul3A_214 : i32
        %run_scoped3A_216 = arith.constant 0 : i32
        "tpu.region"() ({
          %run_scoped3A_255 = tpu.sem_alloc : memref<!tpu.dma_semaphore, #tpu.memory_space<semaphore_mem>>
          %dma_start3A_256 = arith.constant 0 : i32
          %dma_start3A_257 = tpu.memref_slice %arg11[%run_scoped3A_216, %dma_start3A_256] : memref<2x128xi32, #tpu.memory_space<vmem>> -> memref<1x128xi32, #tpu.memory_space<vmem>>
          %dma_start3A_258 = tpu.memref_squeeze %dma_start3A_257 : memref<1x128xi32, #tpu.memory_space<vmem>> -> memref<128xi32, #tpu.memory_space<vmem>>
          %dma_start3A_259 = tpu.memref_slice %arg2[%add3A_215] : memref<819200xi32, #tpu.memory_space<hbm>> -> memref<128xi32, #tpu.memory_space<hbm>>
          %dma_start3A_260 = arith.constant 0 : i32
          %dma_start3A_261 = tpu.memref_slice %arg11[%run_scoped3A_216, %dma_start3A_260] : memref<2x128xi32, #tpu.memory_space<vmem>> -> memref<1x128xi32, #tpu.memory_space<vmem>>
          %dma_start3A_262 = tpu.memref_squeeze %dma_start3A_261 : memref<1x128xi32, #tpu.memory_space<vmem>> -> memref<128xi32, #tpu.memory_space<vmem>>
          %dma_start3A_263 = tpu.memref_slice %arg2[%add3A_215] : memref<819200xi32, #tpu.memory_space<hbm>> -> memref<128xi32, #tpu.memory_space<hbm>>
          tpu.enqueue_dma source(%dma_start3A_263 : memref<128xi32, #tpu.memory_space<hbm>>) target(%dma_start3A_262 : memref<128xi32, #tpu.memory_space<vmem>>) target_semaphore(%run_scoped3A_255 : memref<!tpu.dma_semaphore, #tpu.memory_space<semaphore_mem>>)
          %dma_wait3A_264 = arith.constant 0 : i32
          %dma_wait3A_265 = tpu.memref_slice %arg11[%run_scoped3A_216, %dma_wait3A_264] : memref<2x128xi32, #tpu.memory_space<vmem>> -> memref<1x128xi32, #tpu.memory_space<vmem>>
          %dma_wait3A_266 = tpu.memref_squeeze %dma_wait3A_265 : memref<1x128xi32, #tpu.memory_space<vmem>> -> memref<128xi32, #tpu.memory_space<vmem>>
          %dma_wait3A_267 = tpu.memref_slice %arg2[%add3A_215] : memref<819200xi32, #tpu.memory_space<hbm>> -> memref<128xi32, #tpu.memory_space<hbm>>
          %dma_wait3A_268 = arith.constant 0 : i32
          %dma_wait3A_269 = tpu.memref_slice %arg11[%run_scoped3A_216, %dma_wait3A_268] : memref<2x128xi32, #tpu.memory_space<vmem>> -> memref<1x128xi32, #tpu.memory_space<vmem>>
          %dma_wait3A_270 = tpu.memref_squeeze %dma_wait3A_269 : memref<1x128xi32, #tpu.memory_space<vmem>> -> memref<128xi32, #tpu.memory_space<vmem>>
          %dma_wait3A_271 = tpu.memref_slice %arg2[%add3A_215] : memref<819200xi32, #tpu.memory_space<hbm>> -> memref<128xi32, #tpu.memory_space<hbm>>
          tpu.wait_dma2 semaphore(%run_scoped3A_255 : memref<!tpu.dma_semaphore, #tpu.memory_space<semaphore_mem>>) src(%dma_wait3A_271 : memref<128xi32, #tpu.memory_space<hbm>>) dst(%dma_wait3A_270 : memref<128xi32, #tpu.memory_space<vmem>>)
          tpu.yield
        }) : () -> ()
        %run_scoped3A_217 = arith.constant 0 : i32
        "tpu.region"() ({
          %run_scoped3A_255 = tpu.sem_alloc : memref<!tpu.dma_semaphore, #tpu.memory_space<semaphore_mem>>
          %dma_start3A_256 = arith.constant 0 : i32
          %dma_start3A_257 = tpu.memref_slice %arg12[%run_scoped3A_217, %dma_start3A_256] : memref<2x128xi32, #tpu.memory_space<vmem>> -> memref<1x128xi32, #tpu.memory_space<vmem>>
          %dma_start3A_258 = tpu.memref_squeeze %dma_start3A_257 : memref<1x128xi32, #tpu.memory_space<vmem>> -> memref<128xi32, #tpu.memory_space<vmem>>
          %dma_start3A_259 = tpu.memref_slice %arg3[%add3A_215] : memref<819200xi32, #tpu.memory_space<hbm>> -> memref<128xi32, #tpu.memory_space<hbm>>
          %dma_start3A_260 = arith.constant 0 : i32
          %dma_start3A_261 = tpu.memref_slice %arg12[%run_scoped3A_217, %dma_start3A_260] : memref<2x128xi32, #tpu.memory_space<vmem>> -> memref<1x128xi32, #tpu.memory_space<vmem>>
          %dma_start3A_262 = tpu.memref_squeeze %dma_start3A_261 : memref<1x128xi32, #tpu.memory_space<vmem>> -> memref<128xi32, #tpu.memory_space<vmem>>
          %dma_start3A_263 = tpu.memref_slice %arg3[%add3A_215] : memref<819200xi32, #tpu.memory_space<hbm>> -> memref<128xi32, #tpu.memory_space<hbm>>
          tpu.enqueue_dma source(%dma_start3A_263 : memref<128xi32, #tpu.memory_space<hbm>>) target(%dma_start3A_262 : memref<128xi32, #tpu.memory_space<vmem>>) target_semaphore(%run_scoped3A_255 : memref<!tpu.dma_semaphore, #tpu.memory_space<semaphore_mem>>)
          %dma_wait3A_264 = arith.constant 0 : i32
          %dma_wait3A_265 = tpu.memref_slice %arg12[%run_scoped3A_217, %dma_wait3A_264] : memref<2x128xi32, #tpu.memory_space<vmem>> -> memref<1x128xi32, #tpu.memory_space<vmem>>
          %dma_wait3A_266 = tpu.memref_squeeze %dma_wait3A_265 : memref<1x128xi32, #tpu.memory_space<vmem>> -> memref<128xi32, #tpu.memory_space<vmem>>
          %dma_wait3A_267 = tpu.memref_slice %arg3[%add3A_215] : memref<819200xi32, #tpu.memory_space<hbm>> -> memref<128xi32, #tpu.memory_space<hbm>>
          %dma_wait3A_268 = arith.constant 0 : i32
          %dma_wait3A_269 = tpu.memref_slice %arg12[%run_scoped3A_217, %dma_wait3A_268] : memref<2x128xi32, #tpu.memory_space<vmem>> -> memref<1x128xi32, #tpu.memory_space<vmem>>
          %dma_wait3A_270 = tpu.memref_squeeze %dma_wait3A_269 : memref<1x128xi32, #tpu.memory_space<vmem>> -> memref<128xi32, #tpu.memory_space<vmem>>
          %dma_wait3A_271 = tpu.memref_slice %arg3[%add3A_215] : memref<819200xi32, #tpu.memory_space<hbm>> -> memref<128xi32, #tpu.memory_space<hbm>>
          tpu.wait_dma2 semaphore(%run_scoped3A_255 : memref<!tpu.dma_semaphore, #tpu.memory_space<semaphore_mem>>) src(%dma_wait3A_271 : memref<128xi32, #tpu.memory_space<hbm>>) dst(%dma_wait3A_270 : memref<128xi32, #tpu.memory_space<vmem>>)
          tpu.yield
        }) : () -> ()
        %run_scoped3A_218 = arith.constant 0 : i32
        "tpu.region"() ({
          %run_scoped3A_255 = tpu.sem_alloc : memref<!tpu.dma_semaphore, #tpu.memory_space<semaphore_mem>>
          %dma_start3A_256 = arith.constant 0 : i32
          %dma_start3A_257 = tpu.memref_slice %arg13[%run_scoped3A_218, %dma_start3A_256] : memref<2x128xi32, #tpu.memory_space<vmem>> -> memref<1x128xi32, #tpu.memory_space<vmem>>
          %dma_start3A_258 = tpu.memref_squeeze %dma_start3A_257 : memref<1x128xi32, #tpu.memory_space<vmem>> -> memref<128xi32, #tpu.memory_space<vmem>>
          %dma_start3A_259 = tpu.memref_slice %arg4[%add3A_215] : memref<819200xi32, #tpu.memory_space<hbm>> -> memref<128xi32, #tpu.memory_space<hbm>>
          %dma_start3A_260 = arith.constant 0 : i32
          %dma_start3A_261 = tpu.memref_slice %arg13[%run_scoped3A_218, %dma_start3A_260] : memref<2x128xi32, #tpu.memory_space<vmem>> -> memref<1x128xi32, #tpu.memory_space<vmem>>
          %dma_start3A_262 = tpu.memref_squeeze %dma_start3A_261 : memref<1x128xi32, #tpu.memory_space<vmem>> -> memref<128xi32, #tpu.memory_space<vmem>>
          %dma_start3A_263 = tpu.memref_slice %arg4[%add3A_215] : memref<819200xi32, #tpu.memory_space<hbm>> -> memref<128xi32, #tpu.memory_space<hbm>>
          tpu.enqueue_dma source(%dma_start3A_263 : memref<128xi32, #tpu.memory_space<hbm>>) target(%dma_start3A_262 : memref<128xi32, #tpu.memory_space<vmem>>) target_semaphore(%run_scoped3A_255 : memref<!tpu.dma_semaphore, #tpu.memory_space<semaphore_mem>>)
          %dma_wait3A_264 = arith.constant 0 : i32
          %dma_wait3A_265 = tpu.memref_slice %arg13[%run_scoped3A_218, %dma_wait3A_264] : memref<2x128xi32, #tpu.memory_space<vmem>> -> memref<1x128xi32, #tpu.memory_space<vmem>>
          %dma_wait3A_266 = tpu.memref_squeeze %dma_wait3A_265 : memref<1x128xi32, #tpu.memory_space<vmem>> -> memref<128xi32, #tpu.memory_space<vmem>>
          %dma_wait3A_267 = tpu.memref_slice %arg4[%add3A_215] : memref<819200xi32, #tpu.memory_space<hbm>> -> memref<128xi32, #tpu.memory_space<hbm>>
          %dma_wait3A_268 = arith.constant 0 : i32
          %dma_wait3A_269 = tpu.memref_slice %arg13[%run_scoped3A_218, %dma_wait3A_268] : memref<2x128xi32, #tpu.memory_space<vmem>> -> memref<1x128xi32, #tpu.memory_space<vmem>>
          %dma_wait3A_270 = tpu.memref_squeeze %dma_wait3A_269 : memref<1x128xi32, #tpu.memory_space<vmem>> -> memref<128xi32, #tpu.memory_space<vmem>>
          %dma_wait3A_271 = tpu.memref_slice %arg4[%add3A_215] : memref<819200xi32, #tpu.memory_space<hbm>> -> memref<128xi32, #tpu.memory_space<hbm>>
          tpu.wait_dma2 semaphore(%run_scoped3A_255 : memref<!tpu.dma_semaphore, #tpu.memory_space<semaphore_mem>>) src(%dma_wait3A_271 : memref<128xi32, #tpu.memory_space<hbm>>) dst(%dma_wait3A_270 : memref<128xi32, #tpu.memory_space<vmem>>)
          tpu.yield
        }) : () -> ()
        %dma_start3A_219 = arith.constant 0 : i32
        %dma_start3A_220 = arith.constant 0 : i32
        %dma_start3A_221 = arith.constant 0 : i32
        %dma_start3A_222 = arith.constant 0 : i32
        %dma_start3A_223 = tpu.memref_slice %arg14[%dma_start3A_220, %dma_start3A_221, %dma_start3A_222] : memref<2x128x128xf32, #tpu.memory_space<vmem>> -> memref<1x128x128xf32, #tpu.memory_space<vmem>>
        %dma_start3A_224 = tpu.memref_squeeze %dma_start3A_223 : memref<1x128x128xf32, #tpu.memory_space<vmem>> -> memref<128x128xf32, #tpu.memory_space<vmem>>
        %dma_start3A_225 = arith.constant 0 : i32
        %dma_start3A_226 = tpu.memref_slice %arg11[%dma_start3A_219, %dma_start3A_225] : memref<2x128xi32, #tpu.memory_space<vmem>> -> memref<1x128xi32, #tpu.memory_space<vmem>>
        %dma_start3A_227 = tpu.memref_squeeze %dma_start3A_226 : memref<1x128xi32, #tpu.memory_space<vmem>> -> memref<128xi32, #tpu.memory_space<vmem>>
        %dma_start3A_228 = arith.constant 0 : i32
        %dma_start3A_229 = arith.constant 0 : i32
        %dma_start3A_230 = tpu.memref_slice %arg5[%dma_start3A_228, %dma_start3A_229] : memref<1000x128xf32, #tpu.memory_space<hbm>> -> memref<1000x128xf32, #tpu.memory_space<hbm>>
        tpu.enqueue_indirect_dma source(%dma_start3A_230 : memref<1000x128xf32, #tpu.memory_space<hbm>>) target(%dma_start3A_224 : memref<128x128xf32, #tpu.memory_space<vmem>>) offsets(%dma_start3A_227 : memref<128xi32, #tpu.memory_space<vmem>>) semaphore(%arg19 : memref<!tpu.dma_semaphore, #tpu.memory_space<semaphore_mem>>)
        %dma_start3A_231 = arith.constant 0 : i32
        %dma_start3A_232 = arith.constant 0 : i32
        %dma_start3A_233 = arith.constant 0 : i32
        %dma_start3A_234 = arith.constant 0 : i32
        %dma_start3A_235 = tpu.memref_slice %arg15[%dma_start3A_232, %dma_start3A_233, %dma_start3A_234] : memref<2x128x128xf32, #tpu.memory_space<vmem>> -> memref<1x128x128xf32, #tpu.memory_space<vmem>>
        %dma_start3A_236 = tpu.memref_squeeze %dma_start3A_235 : memref<1x128x128xf32, #tpu.memory_space<vmem>> -> memref<128x128xf32, #tpu.memory_space<vmem>>
        %dma_start3A_237 = arith.constant 0 : i32
        %dma_start3A_238 = tpu.memref_slice %arg12[%dma_start3A_231, %dma_start3A_237] : memref<2x128xi32, #tpu.memory_space<vmem>> -> memref<1x128xi32, #tpu.memory_space<vmem>>
        %dma_start3A_239 = tpu.memref_squeeze %dma_start3A_238 : memref<1x128xi32, #tpu.memory_space<vmem>> -> memref<128xi32, #tpu.memory_space<vmem>>
        %dma_start3A_240 = arith.constant 0 : i32
        %dma_start3A_241 = arith.constant 0 : i32
        %dma_start3A_242 = tpu.memref_slice %arg6[%dma_start3A_240, %dma_start3A_241] : memref<31x128xf32, #tpu.memory_space<hbm>> -> memref<31x128xf32, #tpu.memory_space<hbm>>
        tpu.enqueue_indirect_dma source(%dma_start3A_242 : memref<31x128xf32, #tpu.memory_space<hbm>>) target(%dma_start3A_236 : memref<128x128xf32, #tpu.memory_space<vmem>>) offsets(%dma_start3A_239 : memref<128xi32, #tpu.memory_space<vmem>>) semaphore(%arg21 : memref<!tpu.dma_semaphore, #tpu.memory_space<semaphore_mem>>)
        %dma_start3A_243 = arith.constant 0 : i32
        %dma_start3A_244 = arith.constant 0 : i32
        %dma_start3A_245 = arith.constant 0 : i32
        %dma_start3A_246 = arith.constant 0 : i32
        %dma_start3A_247 = tpu.memref_slice %arg16[%dma_start3A_244, %dma_start3A_245, %dma_start3A_246] : memref<2x128x128xf32, #tpu.memory_space<vmem>> -> memref<1x128x128xf32, #tpu.memory_space<vmem>>
        %dma_start3A_248 = tpu.memref_squeeze %dma_start3A_247 : memref<1x128x128xf32, #tpu.memory_space<vmem>> -> memref<128x128xf32, #tpu.memory_space<vmem>>
        %dma_start3A_249 = arith.constant 0 : i32
        %dma_start3A_250 = tpu.memref_slice %arg13[%dma_start3A_243, %dma_start3A_249] : memref<2x128xi32, #tpu.memory_space<vmem>> -> memref<1x128xi32, #tpu.memory_space<vmem>>
        %dma_start3A_251 = tpu.memref_squeeze %dma_start3A_250 : memref<1x128xi32, #tpu.memory_space<vmem>> -> memref<128xi32, #tpu.memory_space<vmem>>
        %dma_start3A_252 = arith.constant 0 : i32
        %dma_start3A_253 = arith.constant 0 : i32
        %dma_start3A_254 = tpu.memref_slice %arg7[%dma_start3A_252, %dma_start3A_253] : memref<512x128xf32, #tpu.memory_space<hbm>> -> memref<512x128xf32, #tpu.memory_space<hbm>>
        tpu.enqueue_indirect_dma source(%dma_start3A_254 : memref<512x128xf32, #tpu.memory_space<hbm>>) target(%dma_start3A_248 : memref<128x128xf32, #tpu.memory_space<vmem>>) offsets(%dma_start3A_251 : memref<128xi32, #tpu.memory_space<vmem>>) semaphore(%arg23 : memref<!tpu.dma_semaphore, #tpu.memory_space<semaphore_mem>>)
      } else {
      }
      %scan3A_187 = arith.constant 0 : i32
      %scan3A_188 = arith.constant 0 : i32
      %scan3A_189 = arith.constant 64 : i32
      %scan3A_190 = arith.addi %scan3A_188, %scan3A_189 : i32
      %scan3A_191 = arith.constant 1 : i32
      %scan3A_192 = scf.for %scan3A_211 = %scan3A_188 to %scan3A_190 step %scan3A_191 iter_args(%scan3A_212 = %scan3A_187) -> (i32)  : i32 {
        %mul3A_213 = arith.constant 2 : i32
        %mul3A_214 = arith.muli %mul3A_213, %scan3A_211 : i32
        %get3A = arith.constant 1 : i32
        %get3A_215 = arith.index_cast %get3A : i32 to index
        %get3A_216 = arith.index_cast %mul3A_214 : i32 to index
        %get3A_217 = arith.constant 0 : index
        %get3A_218 = tpu.vector_load %arg14[%get3A_215, %get3A_216, %get3A_217] {strides = array<i32>} : memref<2x128x128xf32, #tpu.memory_space<vmem>>, vector<1x1x16xf32>,
        %get3A_219 = vector.shape_cast %get3A_218 : vector<1x1x16xf32> to vector<16xf32>
        %get3A_220 = arith.constant 1 : i32
        %get3A_221 = arith.index_cast %get3A_220 : i32 to index
        %get3A_222 = arith.index_cast %mul3A_214 : i32 to index
        %get3A_223 = arith.constant 0 : index
        %get3A_224 = tpu.vector_load %arg15[%get3A_221, %get3A_222, %get3A_223] {strides = array<i32>} : memref<2x128x128xf32, #tpu.memory_space<vmem>>, vector<1x1x16xf32>,
        %get3A_225 = vector.shape_cast %get3A_224 : vector<1x1x16xf32> to vector<16xf32>
        %add3A_226 = arith.addf %get3A_219, %get3A_225 : vector<16xf32>
        %get3A_227 = arith.constant 1 : i32
        %get3A_228 = arith.index_cast %get3A_227 : i32 to index
        %get3A_229 = arith.index_cast %mul3A_214 : i32 to index
        %get3A_230 = arith.constant 0 : index
        %get3A_231 = tpu.vector_load %arg16[%get3A_228, %get3A_229, %get3A_230] {strides = array<i32>} : memref<2x128x128xf32, #tpu.memory_space<vmem>>, vector<1x1x16xf32>,
        %get3A_232 = vector.shape_cast %get3A_231 : vector<1x1x16xf32> to vector<16xf32>
        %add3A_233 = arith.addf %add3A_226, %get3A_232 : vector<16xf32>
        %get3A_234 = arith.constant 1 : i32
        %get3A_235 = arith.index_cast %get3A_234 : i32 to index
        %get3A_236 = arith.index_cast %mul3A_214 : i32 to index
        %get3A_237 = arith.constant 16 : index
        %get3A_238 = tpu.vector_load %arg14[%get3A_235, %get3A_236, %get3A_237] {strides = array<i32>} : memref<2x128x128xf32, #tpu.memory_space<vmem>>, vector<1x1x16xf32>,
        %get3A_239 = vector.shape_cast %get3A_238 : vector<1x1x16xf32> to vector<16xf32>
        %get3A_240 = arith.constant 1 : i32
        %get3A_241 = arith.index_cast %get3A_240 : i32 to index
        %get3A_242 = arith.index_cast %mul3A_214 : i32 to index
        %get3A_243 = arith.constant 16 : index
        %get3A_244 = tpu.vector_load %arg15[%get3A_241, %get3A_242, %get3A_243] {strides = array<i32>} : memref<2x128x128xf32, #tpu.memory_space<vmem>>, vector<1x1x16xf32>,
        %get3A_245 = vector.shape_cast %get3A_244 : vector<1x1x16xf32> to vector<16xf32>
        %add3A_246 = arith.addf %get3A_239, %get3A_245 : vector<16xf32>
        %get3A_247 = arith.constant 1 : i32
        %get3A_248 = arith.index_cast %get3A_247 : i32 to index
        %get3A_249 = arith.index_cast %mul3A_214 : i32 to index
        %get3A_250 = arith.constant 16 : index
        %get3A_251 = tpu.vector_load %arg16[%get3A_248, %get3A_249, %get3A_250] {strides = array<i32>} : memref<2x128x128xf32, #tpu.memory_space<vmem>>, vector<1x1x16xf32>,
        %get3A_252 = vector.shape_cast %get3A_251 : vector<1x1x16xf32> to vector<16xf32>
        %add3A_253 = arith.addf %add3A_246, %get3A_252 : vector<16xf32>
        %get3A_254 = arith.constant 1 : i32
        %get3A_255 = arith.index_cast %get3A_254 : i32 to index
        %get3A_256 = arith.index_cast %mul3A_214 : i32 to index
        %get3A_257 = arith.constant 32 : index
        %get3A_258 = tpu.vector_load %arg14[%get3A_255, %get3A_256, %get3A_257] {strides = array<i32>} : memref<2x128x128xf32, #tpu.memory_space<vmem>>, vector<1x1x16xf32>,
        %get3A_259 = vector.shape_cast %get3A_258 : vector<1x1x16xf32> to vector<16xf32>
        %get3A_260 = arith.constant 1 : i32
        %get3A_261 = arith.index_cast %get3A_260 : i32 to index
        %get3A_262 = arith.index_cast %mul3A_214 : i32 to index
        %get3A_263 = arith.constant 32 : index
        %get3A_264 = tpu.vector_load %arg15[%get3A_261, %get3A_262, %get3A_263] {strides = array<i32>} : memref<2x128x128xf32, #tpu.memory_space<vmem>>, vector<1x1x16xf32>,
        %get3A_265 = vector.shape_cast %get3A_264 : vector<1x1x16xf32> to vector<16xf32>
        %add3A_266 = arith.addf %get3A_259, %get3A_265 : vector<16xf32>
        %get3A_267 = arith.constant 1 : i32
        %get3A_268 = arith.index_cast %get3A_267 : i32 to index
        %get3A_269 = arith.index_cast %mul3A_214 : i32 to index
        %get3A_270 = arith.constant 32 : index
        %get3A_271 = tpu.vector_load %arg16[%get3A_268, %get3A_269, %get3A_270] {strides = array<i32>} : memref<2x128x128xf32, #tpu.memory_space<vmem>>, vector<1x1x16xf32>,
        %get3A_272 = vector.shape_cast %get3A_271 : vector<1x1x16xf32> to vector<16xf32>
        %add3A_273 = arith.addf %add3A_266, %get3A_272 : vector<16xf32>
        %get3A_274 = arith.constant 1 : i32
        %get3A_275 = arith.index_cast %get3A_274 : i32 to index
        %get3A_276 = arith.index_cast %mul3A_214 : i32 to index
        %get3A_277 = arith.constant 48 : index
        %get3A_278 = tpu.vector_load %arg14[%get3A_275, %get3A_276, %get3A_277] {strides = array<i32>} : memref<2x128x128xf32, #tpu.memory_space<vmem>>, vector<1x1x16xf32>,
        %get3A_279 = vector.shape_cast %get3A_278 : vector<1x1x16xf32> to vector<16xf32>
        %get3A_280 = arith.constant 1 : i32
        %get3A_281 = arith.index_cast %get3A_280 : i32 to index
        %get3A_282 = arith.index_cast %mul3A_214 : i32 to index
        %get3A_283 = arith.constant 48 : index
        %get3A_284 = tpu.vector_load %arg15[%get3A_281, %get3A_282, %get3A_283] {strides = array<i32>} : memref<2x128x128xf32, #tpu.memory_space<vmem>>, vector<1x1x16xf32>,
        %get3A_285 = vector.shape_cast %get3A_284 : vector<1x1x16xf32> to vector<16xf32>
        %add3A_286 = arith.addf %get3A_279, %get3A_285 : vector<16xf32>
        %get3A_287 = arith.constant 1 : i32
        %get3A_288 = arith.index_cast %get3A_287 : i32 to index
        %get3A_289 = arith.index_cast %mul3A_214 : i32 to index
        %get3A_290 = arith.constant 48 : index
        %get3A_291 = tpu.vector_load %arg16[%get3A_288, %get3A_289, %get3A_290] {strides = array<i32>} : memref<2x128x128xf32, #tpu.memory_space<vmem>>, vector<1x1x16xf32>,
        %get3A_292 = vector.shape_cast %get3A_291 : vector<1x1x16xf32> to vector<16xf32>
        %add3A_293 = arith.addf %add3A_286, %get3A_292 : vector<16xf32>
        %get3A_294 = arith.constant 1 : i32
        %get3A_295 = arith.index_cast %get3A_294 : i32 to index
        %get3A_296 = arith.index_cast %mul3A_214 : i32 to index
        %get3A_297 = arith.constant 64 : index
        %get3A_298 = tpu.vector_load %arg14[%get3A_295, %get3A_296, %get3A_297] {strides = array<i32>} : memref<2x128x128xf32, #tpu.memory_space<vmem>>, vector<1x1x16xf32>,
        %get3A_299 = vector.shape_cast %get3A_298 : vector<1x1x16xf32> to vector<16xf32>
        %get3A_300 = arith.constant 1 : i32
        %get3A_301 = arith.index_cast %get3A_300 : i32 to index
        %get3A_302 = arith.index_cast %mul3A_214 : i32 to index
        %get3A_303 = arith.constant 64 : index
        %get3A_304 = tpu.vector_load %arg15[%get3A_301, %get3A_302, %get3A_303] {strides = array<i32>} : memref<2x128x128xf32, #tpu.memory_space<vmem>>, vector<1x1x16xf32>,
        %get3A_305 = vector.shape_cast %get3A_304 : vector<1x1x16xf32> to vector<16xf32>
        %add3A_306 = arith.addf %get3A_299, %get3A_305 : vector<16xf32>
        %get3A_307 = arith.constant 1 : i32
        %get3A_308 = arith.index_cast %get3A_307 : i32 to index
        %get3A_309 = arith.index_cast %mul3A_214 : i32 to index
        %get3A_310 = arith.constant 64 : index
        %get3A_311 = tpu.vector_load %arg16[%get3A_308, %get3A_309, %get3A_310] {strides = array<i32>} : memref<2x128x128xf32, #tpu.memory_space<vmem>>, vector<1x1x16xf32>,
        %get3A_312 = vector.shape_cast %get3A_311 : vector<1x1x16xf32> to vector<16xf32>
        %add3A_313 = arith.addf %add3A_306, %get3A_312 : vector<16xf32>
        %get3A_314 = arith.constant 1 : i32
        %get3A_315 = arith.index_cast %get3A_314 : i32 to index
        %get3A_316 = arith.index_cast %mul3A_214 : i32 to index
        %get3A_317 = arith.constant 80 : index
        %get3A_318 = tpu.vector_load %arg14[%get3A_315, %get3A_316, %get3A_317] {strides = array<i32>} : memref<2x128x128xf32, #tpu.memory_space<vmem>>, vector<1x1x16xf32>,
        %get3A_319 = vector.shape_cast %get3A_318 : vector<1x1x16xf32> to vector<16xf32>
        %get3A_320 = arith.constant 1 : i32
        %get3A_321 = arith.index_cast %get3A_320 : i32 to index
        %get3A_322 = arith.index_cast %mul3A_214 : i32 to index
        %get3A_323 = arith.constant 80 : index
        %get3A_324 = tpu.vector_load %arg15[%get3A_321, %get3A_322, %get3A_323] {strides = array<i32>} : memref<2x128x128xf32, #tpu.memory_space<vmem>>, vector<1x1x16xf32>,
        %get3A_325 = vector.shape_cast %get3A_324 : vector<1x1x16xf32> to vector<16xf32>
        %add3A_326 = arith.addf %get3A_319, %get3A_325 : vector<16xf32>
        %get3A_327 = arith.constant 1 : i32
        %get3A_328 = arith.index_cast %get3A_327 : i32 to index
        %get3A_329 = arith.index_cast %mul3A_214 : i32 to index
        %get3A_330 = arith.constant 80 : index
        %get3A_331 = tpu.vector_load %arg16[%get3A_328, %get3A_329, %get3A_330] {strides = array<i32>} : memref<2x128x128xf32, #tpu.memory_space<vmem>>, vector<1x1x16xf32>,
        %get3A_332 = vector.shape_cast %get3A_331 : vector<1x1x16xf32> to vector<16xf32>
        %add3A_333 = arith.addf %add3A_326, %get3A_332 : vector<16xf32>
        %get3A_334 = arith.constant 1 : i32
        %get3A_335 = arith.index_cast %get3A_334 : i32 to index
        %get3A_336 = arith.index_cast %mul3A_214 : i32 to index
        %get3A_337 = arith.constant 96 : index
        %get3A_338 = tpu.vector_load %arg14[%get3A_335, %get3A_336, %get3A_337] {strides = array<i32>} : memref<2x128x128xf32, #tpu.memory_space<vmem>>, vector<1x1x16xf32>,
        %get3A_339 = vector.shape_cast %get3A_338 : vector<1x1x16xf32> to vector<16xf32>
        %get3A_340 = arith.constant 1 : i32
        %get3A_341 = arith.index_cast %get3A_340 : i32 to index
        %get3A_342 = arith.index_cast %mul3A_214 : i32 to index
        %get3A_343 = arith.constant 96 : index
        %get3A_344 = tpu.vector_load %arg15[%get3A_341, %get3A_342, %get3A_343] {strides = array<i32>} : memref<2x128x128xf32, #tpu.memory_space<vmem>>, vector<1x1x16xf32>,
        %get3A_345 = vector.shape_cast %get3A_344 : vector<1x1x16xf32> to vector<16xf32>
        %add3A_346 = arith.addf %get3A_339, %get3A_345 : vector<16xf32>
        %get3A_347 = arith.constant 1 : i32
        %get3A_348 = arith.index_cast %get3A_347 : i32 to index
        %get3A_349 = arith.index_cast %mul3A_214 : i32 to index
        %get3A_350 = arith.constant 96 : index
        %get3A_351 = tpu.vector_load %arg16[%get3A_348, %get3A_349, %get3A_350] {strides = array<i32>} : memref<2x128x128xf32, #tpu.memory_space<vmem>>, vector<1x1x16xf32>,
        %get3A_352 = vector.shape_cast %get3A_351 : vector<1x1x16xf32> to vector<16xf32>
        %add3A_353 = arith.addf %add3A_346, %get3A_352 : vector<16xf32>
        %get3A_354 = arith.constant 1 : i32
        %get3A_355 = arith.index_cast %get3A_354 : i32 to index
        %get3A_356 = arith.index_cast %mul3A_214 : i32 to index
        %get3A_357 = arith.constant 112 : index
        %get3A_358 = tpu.vector_load %arg14[%get3A_355, %get3A_356, %get3A_357] {strides = array<i32>} : memref<2x128x128xf32, #tpu.memory_space<vmem>>, vector<1x1x16xf32>,
        %get3A_359 = vector.shape_cast %get3A_358 : vector<1x1x16xf32> to vector<16xf32>
        %get3A_360 = arith.constant 1 : i32
        %get3A_361 = arith.index_cast %get3A_360 : i32 to index
        %get3A_362 = arith.index_cast %mul3A_214 : i32 to index
        %get3A_363 = arith.constant 112 : index
        %get3A_364 = tpu.vector_load %arg15[%get3A_361, %get3A_362, %get3A_363] {strides = array<i32>} : memref<2x128x128xf32, #tpu.memory_space<vmem>>, vector<1x1x16xf32>,
        %get3A_365 = vector.shape_cast %get3A_364 : vector<1x1x16xf32> to vector<16xf32>
        %add3A_366 = arith.addf %get3A_359, %get3A_365 : vector<16xf32>
        %get3A_367 = arith.constant 1 : i32
        %get3A_368 = arith.index_cast %get3A_367 : i32 to index
        %get3A_369 = arith.index_cast %mul3A_214 : i32 to index
        %get3A_370 = arith.constant 112 : index
        %get3A_371 = tpu.vector_load %arg16[%get3A_368, %get3A_369, %get3A_370] {strides = array<i32>} : memref<2x128x128xf32, #tpu.memory_space<vmem>>, vector<1x1x16xf32>,
        %get3A_372 = vector.shape_cast %get3A_371 : vector<1x1x16xf32> to vector<16xf32>
        %add3A_373 = arith.addf %add3A_366, %get3A_372 : vector<16xf32>
        %add3A_374 = arith.addf %add3A_233, %add3A_253 : vector<16xf32>
        %add3A_375 = arith.addf %add3A_273, %add3A_293 : vector<16xf32>
        %add3A_376 = arith.addf %add3A_313, %add3A_333 : vector<16xf32>
        %add3A_377 = arith.addf %add3A_353, %add3A_373 : vector<16xf32>
        %add3A_378 = arith.addf %add3A_374, %add3A_375 : vector<16xf32>
        %add3A_379 = arith.addf %add3A_376, %add3A_377 : vector<16xf32>
        %add3A_380 = arith.addf %add3A_378, %add3A_379 : vector<16xf32>
        %iota3A = tpu.iota {dimensions = array<i32: 0>} : vector<16xi32>
        %add3A_381 = arith.constant 8 : i32
        %add3A_382 = vector.broadcast %add3A_381 : i32 to vector<16xi32>
        %add3A_383 = arith.addi %iota3A, %add3A_382 : vector<16xi32>
        %and3A = arith.constant 15 : i32
        %and3A_384 = vector.broadcast %and3A : i32 to vector<16xi32>
        %and3A_385 = arith.andi %add3A_383, %and3A_384 : vector<16xi32>
        %broadcast_in_dim3A = vector.shape_cast %and3A_385 : vector<16xi32> to vector<16x1xi32>
        %gather3A = vector.shape_cast %broadcast_in_dim3A : vector<16x1xi32> to vector<16xi32>
        %gather3A_386 = tpu.dynamic_gather %add3A_380[%gather3A] in [0] : vector<16xf32>, vector<16xi32> -> vector<16xf32>
        %add3A_387 = arith.addf %add3A_380, %gather3A_386 : vector<16xf32>
        %iota3A_388 = tpu.iota {dimensions = array<i32: 0>} : vector<16xi32>
        %add3A_389 = arith.constant 4 : i32
        %add3A_390 = vector.broadcast %add3A_389 : i32 to vector<16xi32>
        %add3A_391 = arith.addi %iota3A_388, %add3A_390 : vector<16xi32>
        %and3A_392 = arith.constant 15 : i32
        %and3A_393 = vector.broadcast %and3A_392 : i32 to vector<16xi32>
        %and3A_394 = arith.andi %add3A_391, %and3A_393 : vector<16xi32>
        %broadcast_in_dim3A_395 = vector.shape_cast %and3A_394 : vector<16xi32> to vector<16x1xi32>
        %gather3A_396 = vector.shape_cast %broadcast_in_dim3A_395 : vector<16x1xi32> to vector<16xi32>
        %gather3A_397 = tpu.dynamic_gather %add3A_387[%gather3A_396] in [0] : vector<16xf32>, vector<16xi32> -> vector<16xf32>
        %add3A_398 = arith.addf %add3A_387, %gather3A_397 : vector<16xf32>
        %iota3A_399 = tpu.iota {dimensions = array<i32: 0>} : vector<16xi32>
        %add3A_400 = arith.constant 2 : i32
        %add3A_401 = vector.broadcast %add3A_400 : i32 to vector<16xi32>
        %add3A_402 = arith.addi %iota3A_399, %add3A_401 : vector<16xi32>
        %and3A_403 = arith.constant 15 : i32
        %and3A_404 = vector.broadcast %and3A_403 : i32 to vector<16xi32>
        %and3A_405 = arith.andi %add3A_402, %and3A_404 : vector<16xi32>
        %broadcast_in_dim3A_406 = vector.shape_cast %and3A_405 : vector<16xi32> to vector<16x1xi32>
        %gather3A_407 = vector.shape_cast %broadcast_in_dim3A_406 : vector<16x1xi32> to vector<16xi32>
        %gather3A_408 = tpu.dynamic_gather %add3A_398[%gather3A_407] in [0] : vector<16xf32>, vector<16xi32> -> vector<16xf32>
        %add3A_409 = arith.addf %add3A_398, %gather3A_408 : vector<16xf32>
        %iota3A_410 = tpu.iota {dimensions = array<i32: 0>} : vector<16xi32>
        %add3A_411 = arith.constant 1 : i32
        %add3A_412 = vector.broadcast %add3A_411 : i32 to vector<16xi32>
        %add3A_413 = arith.addi %iota3A_410, %add3A_412 : vector<16xi32>
        %and3A_414 = arith.constant 15 : i32
        %and3A_415 = vector.broadcast %and3A_414 : i32 to vector<16xi32>
        %and3A_416 = arith.andi %add3A_413, %and3A_415 : vector<16xi32>
        %broadcast_in_dim3A_417 = vector.shape_cast %and3A_416 : vector<16xi32> to vector<16x1xi32>
        %gather3A_418 = vector.shape_cast %broadcast_in_dim3A_417 : vector<16x1xi32> to vector<16xi32>
        %gather3A_419 = tpu.dynamic_gather %add3A_409[%gather3A_418] in [0] : vector<16xf32>, vector<16xi32> -> vector<16xf32>
        %add3A_420 = arith.addf %add3A_409, %gather3A_419 : vector<16xf32>
        %mul3A_421 = arith.constant 7.812500e-03 : f32
        %mul3A_422 = vector.broadcast %mul3A_421 : f32 to vector<16xf32>
        %mul3A_423 = arith.mulf %add3A_420, %mul3A_422 : vector<16xf32>
        %mul3A_424 = arith.mulf %add3A_233, %add3A_233 : vector<16xf32>
        %mul3A_425 = arith.mulf %add3A_253, %add3A_253 : vector<16xf32>
        %mul3A_426 = arith.mulf %add3A_273, %add3A_273 : vector<16xf32>
        %mul3A_427 = arith.mulf %add3A_293, %add3A_293 : vector<16xf32>
        %mul3A_428 = arith.mulf %add3A_313, %add3A_313 : vector<16xf32>
        %mul3A_429 = arith.mulf %add3A_333, %add3A_333 : vector<16xf32>
        %mul3A_430 = arith.mulf %add3A_353, %add3A_353 : vector<16xf32>
        %mul3A_431 = arith.mulf %add3A_373, %add3A_373 : vector<16xf32>
        %add3A_432 = arith.addf %mul3A_424, %mul3A_425 : vector<16xf32>
        %add3A_433 = arith.addf %mul3A_426, %mul3A_427 : vector<16xf32>
        %add3A_434 = arith.addf %mul3A_428, %mul3A_429 : vector<16xf32>
        %add3A_435 = arith.addf %mul3A_430, %mul3A_431 : vector<16xf32>
        %add3A_436 = arith.addf %add3A_432, %add3A_433 : vector<16xf32>
        %add3A_437 = arith.addf %add3A_434, %add3A_435 : vector<16xf32>
        %add3A_438 = arith.addf %add3A_436, %add3A_437 : vector<16xf32>
        %iota3A_439 = tpu.iota {dimensions = array<i32: 0>} : vector<16xi32>
        %add3A_440 = arith.constant 8 : i32
        %add3A_441 = vector.broadcast %add3A_440 : i32 to vector<16xi32>
        %add3A_442 = arith.addi %iota3A_439, %add3A_441 : vector<16xi32>
        %and3A_443 = arith.constant 15 : i32
        %and3A_444 = vector.broadcast %and3A_443 : i32 to vector<16xi32>
        %and3A_445 = arith.andi %add3A_442, %and3A_444 : vector<16xi32>
        %broadcast_in_dim3A_446 = vector.shape_cast %and3A_445 : vector<16xi32> to vector<16x1xi32>
        %gather3A_447 = vector.shape_cast %broadcast_in_dim3A_446 : vector<16x1xi32> to vector<16xi32>
        %gather3A_448 = tpu.dynamic_gather %add3A_438[%gather3A_447] in [0] : vector<16xf32>, vector<16xi32> -> vector<16xf32>
        %add3A_449 = arith.addf %add3A_438, %gather3A_448 : vector<16xf32>
        %iota3A_450 = tpu.iota {dimensions = array<i32: 0>} : vector<16xi32>
        %add3A_451 = arith.constant 4 : i32
        %add3A_452 = vector.broadcast %add3A_451 : i32 to vector<16xi32>
        %add3A_453 = arith.addi %iota3A_450, %add3A_452 : vector<16xi32>
        %and3A_454 = arith.constant 15 : i32
        %and3A_455 = vector.broadcast %and3A_454 : i32 to vector<16xi32>
        %and3A_456 = arith.andi %add3A_453, %and3A_455 : vector<16xi32>
        %broadcast_in_dim3A_457 = vector.shape_cast %and3A_456 : vector<16xi32> to vector<16x1xi32>
        %gather3A_458 = vector.shape_cast %broadcast_in_dim3A_457 : vector<16x1xi32> to vector<16xi32>
        %gather3A_459 = tpu.dynamic_gather %add3A_449[%gather3A_458] in [0] : vector<16xf32>, vector<16xi32> -> vector<16xf32>
        %add3A_460 = arith.addf %add3A_449, %gather3A_459 : vector<16xf32>
        %iota3A_461 = tpu.iota {dimensions = array<i32: 0>} : vector<16xi32>
        %add3A_462 = arith.constant 2 : i32
        %add3A_463 = vector.broadcast %add3A_462 : i32 to vector<16xi32>
        %add3A_464 = arith.addi %iota3A_461, %add3A_463 : vector<16xi32>
        %and3A_465 = arith.constant 15 : i32
        %and3A_466 = vector.broadcast %and3A_465 : i32 to vector<16xi32>
        %and3A_467 = arith.andi %add3A_464, %and3A_466 : vector<16xi32>
        %broadcast_in_dim3A_468 = vector.shape_cast %and3A_467 : vector<16xi32> to vector<16x1xi32>
        %gather3A_469 = vector.shape_cast %broadcast_in_dim3A_468 : vector<16x1xi32> to vector<16xi32>
        %gather3A_470 = tpu.dynamic_gather %add3A_460[%gather3A_469] in [0] : vector<16xf32>, vector<16xi32> -> vector<16xf32>
        %add3A_471 = arith.addf %add3A_460, %gather3A_470 : vector<16xf32>
        %iota3A_472 = tpu.iota {dimensions = array<i32: 0>} : vector<16xi32>
        %add3A_473 = arith.constant 1 : i32
        %add3A_474 = vector.broadcast %add3A_473 : i32 to vector<16xi32>
        %add3A_475 = arith.addi %iota3A_472, %add3A_474 : vector<16xi32>
        %and3A_476 = arith.constant 15 : i32
        %and3A_477 = vector.broadcast %and3A_476 : i32 to vector<16xi32>
        %and3A_478 = arith.andi %add3A_475, %and3A_477 : vector<16xi32>
        %broadcast_in_dim3A_479 = vector.shape_cast %and3A_478 : vector<16xi32> to vector<16x1xi32>
        %gather3A_480 = vector.shape_cast %broadcast_in_dim3A_479 : vector<16x1xi32> to vector<16xi32>
        %gather3A_481 = tpu.dynamic_gather %add3A_471[%gather3A_480] in [0] : vector<16xf32>, vector<16xi32> -> vector<16xf32>
        %add3A_482 = arith.addf %add3A_471, %gather3A_481 : vector<16xf32>
        %mul3A_483 = arith.constant 7.812500e-03 : f32
        %mul3A_484 = vector.broadcast %mul3A_483 : f32 to vector<16xf32>
        %mul3A_485 = arith.mulf %add3A_482, %mul3A_484 : vector<16xf32>
        %mul3A_486 = arith.mulf %mul3A_423, %mul3A_423 : vector<16xf32>
        %sub3A = arith.subf %mul3A_485, %mul3A_486 : vector<16xf32>
        %add3A_487 = arith.constant 9.99999996E-13 : f32
        %add3A_488 = vector.broadcast %add3A_487 : f32 to vector<16xf32>
        %add3A_489 = arith.addf %sub3A, %add3A_488 : vector<16xf32>
        %bitcast_convert_type3A = tpu.bitcast %add3A_489 : vector<16xf32> -> vector<16xi32>
        %shift_right_arithmetic3A = arith.constant 1 : i32
        %shift_right_arithmetic3A_490 = vector.broadcast %shift_right_arithmetic3A : i32 to vector<16xi32>
        %shift_right_arithmetic3A_491 = arith.shrsi %bitcast_convert_type3A, %shift_right_arithmetic3A_490 : vector<16xi32>
        %sub3A_492 = arith.constant 1597463007 : i32
        %sub3A_493 = vector.broadcast %sub3A_492 : i32 to vector<16xi32>
        %sub3A_494 = arith.subi %sub3A_493, %shift_right_arithmetic3A_491 : vector<16xi32>
        %bitcast_convert_type3A_495 = tpu.bitcast %sub3A_494 : vector<16xi32> -> vector<16xf32>
        %mul3A_496 = arith.constant 5.000000e-01 : f32
        %mul3A_497 = vector.broadcast %mul3A_496 : f32 to vector<16xf32>
        %mul3A_498 = arith.mulf %mul3A_497, %add3A_489 : vector<16xf32>
        %mul3A_499 = arith.mulf %mul3A_498, %bitcast_convert_type3A_495 : vector<16xf32>
        %mul3A_500 = arith.mulf %mul3A_499, %bitcast_convert_type3A_495 : vector<16xf32>
        %sub3A_501 = arith.constant 1.500000e+00 : f32
        %sub3A_502 = vector.broadcast %sub3A_501 : f32 to vector<16xf32>
        %sub3A_503 = arith.subf %sub3A_502, %mul3A_500 : vector<16xf32>
        %mul3A_504 = arith.mulf %bitcast_convert_type3A_495, %sub3A_503 : vector<16xf32>
        %mul3A_505 = arith.constant 5.000000e-01 : f32
        %mul3A_506 = vector.broadcast %mul3A_505 : f32 to vector<16xf32>
        %mul3A_507 = arith.mulf %mul3A_506, %add3A_489 : vector<16xf32>
        %mul3A_508 = arith.mulf %mul3A_507, %mul3A_504 : vector<16xf32>
        %mul3A_509 = arith.mulf %mul3A_508, %mul3A_504 : vector<16xf32>
        %sub3A_510 = arith.constant 1.500000e+00 : f32
        %sub3A_511 = vector.broadcast %sub3A_510 : f32 to vector<16xf32>
        %sub3A_512 = arith.subf %sub3A_511, %mul3A_509 : vector<16xf32>
        %mul3A_513 = arith.mulf %mul3A_504, %sub3A_512 : vector<16xf32>
        %mul3A_514 = arith.constant 5.000000e-01 : f32
        %mul3A_515 = vector.broadcast %mul3A_514 : f32 to vector<16xf32>
        %mul3A_516 = arith.mulf %mul3A_515, %add3A_489 : vector<16xf32>
        %mul3A_517 = arith.mulf %mul3A_516, %mul3A_513 : vector<16xf32>
        %mul3A_518 = arith.mulf %mul3A_517, %mul3A_513 : vector<16xf32>
        %sub3A_519 = arith.constant 1.500000e+00 : f32
        %sub3A_520 = vector.broadcast %sub3A_519 : f32 to vector<16xf32>
        %sub3A_521 = arith.subf %sub3A_520, %mul3A_518 : vector<16xf32>
        %mul3A_522 = arith.mulf %mul3A_513, %sub3A_521 : vector<16xf32>
        %sub3A_523 = arith.subf %add3A_233, %mul3A_423 : vector<16xf32>
        %mul3A_524 = arith.mulf %sub3A_523, %mul3A_522 : vector<16xf32>
        %get3A_525 = arith.constant 0 : index
        %get3A_526 = tpu.vector_load %arg17[%get3A_525] {strides = array<i32>} : memref<128xf32, #tpu.memory_space<vmem>>, vector<16xf32>,
        %get3A_527 = vector.shape_cast %get3A_526 : vector<16xf32> to vector<16xf32>
        %mul3A_528 = arith.mulf %mul3A_524, %get3A_527 : vector<16xf32>
        %get3A_529 = arith.constant 0 : index
        %get3A_530 = tpu.vector_load %arg18[%get3A_529] {strides = array<i32>} : memref<128xf32, #tpu.memory_space<vmem>>, vector<16xf32>,
        %get3A_531 = vector.shape_cast %get3A_530 : vector<16xf32> to vector<16xf32>
        %add3A_532 = arith.addf %mul3A_528, %get3A_531 : vector<16xf32>
        %swap3A = arith.constant 1 : i32
        %swap3A_533 = arith.index_cast %swap3A : i32 to index
        %swap3A_534 = arith.index_cast %mul3A_214 : i32 to index
        %swap3A_535 = arith.constant 0 : index
        %swap3A_536 = tpu.vector_load %arg14[%swap3A_533, %swap3A_534, %swap3A_535] {strides = array<i32>} : memref<2x128x128xf32, #tpu.memory_space<vmem>>, vector<1x1x16xf32>,
        %swap3A_537 = vector.shape_cast %swap3A_536 : vector<1x1x16xf32> to vector<16xf32>
        %swap3A_538 = vector.shape_cast %add3A_532 : vector<16xf32> to vector<1x1x16xf32>
        tpu.vector_store %arg14[%swap3A_533, %swap3A_534, %swap3A_535], %swap3A_538 {strides = array<i32>} : memref<2x128x128xf32, #tpu.memory_space<vmem>>, vector<1x1x16xf32>,
        %sub3A_539 = arith.subf %add3A_253, %mul3A_423 : vector<16xf32>
        %mul3A_540 = arith.mulf %sub3A_539, %mul3A_522 : vector<16xf32>
        %get3A_541 = arith.constant 16 : index
        %get3A_542 = tpu.vector_load %arg17[%get3A_541] {strides = array<i32>} : memref<128xf32, #tpu.memory_space<vmem>>, vector<16xf32>,
        %get3A_543 = vector.shape_cast %get3A_542 : vector<16xf32> to vector<16xf32>
        %mul3A_544 = arith.mulf %mul3A_540, %get3A_543 : vector<16xf32>
        %get3A_545 = arith.constant 16 : index
        %get3A_546 = tpu.vector_load %arg18[%get3A_545] {strides = array<i32>} : memref<128xf32, #tpu.memory_space<vmem>>, vector<16xf32>,
        %get3A_547 = vector.shape_cast %get3A_546 : vector<16xf32> to vector<16xf32>
        %add3A_548 = arith.addf %mul3A_544, %get3A_547 : vector<16xf32>
        %swap3A_549 = arith.constant 1 : i32
        %swap3A_550 = arith.index_cast %swap3A_549 : i32 to index
        %swap3A_551 = arith.index_cast %mul3A_214 : i32 to index
        %swap3A_552 = arith.constant 16 : index
        %swap3A_553 = tpu.vector_load %arg14[%swap3A_550, %swap3A_551, %swap3A_552] {strides = array<i32>} : memref<2x128x128xf32, #tpu.memory_space<vmem>>, vector<1x1x16xf32>,
        %swap3A_554 = vector.shape_cast %swap3A_553 : vector<1x1x16xf32> to vector<16xf32>
        %swap3A_555 = vector.shape_cast %add3A_548 : vector<16xf32> to vector<1x1x16xf32>
        tpu.vector_store %arg14[%swap3A_550, %swap3A_551, %swap3A_552], %swap3A_555 {strides = array<i32>} : memref<2x128x128xf32, #tpu.memory_space<vmem>>, vector<1x1x16xf32>,
        %sub3A_556 = arith.subf %add3A_273, %mul3A_423 : vector<16xf32>
        %mul3A_557 = arith.mulf %sub3A_556, %mul3A_522 : vector<16xf32>
        %get3A_558 = arith.constant 32 : index
        %get3A_559 = tpu.vector_load %arg17[%get3A_558] {strides = array<i32>} : memref<128xf32, #tpu.memory_space<vmem>>, vector<16xf32>,
        %get3A_560 = vector.shape_cast %get3A_559 : vector<16xf32> to vector<16xf32>
        %mul3A_561 = arith.mulf %mul3A_557, %get3A_560 : vector<16xf32>
        %get3A_562 = arith.constant 32 : index
        %get3A_563 = tpu.vector_load %arg18[%get3A_562] {strides = array<i32>} : memref<128xf32, #tpu.memory_space<vmem>>, vector<16xf32>,
        %get3A_564 = vector.shape_cast %get3A_563 : vector<16xf32> to vector<16xf32>
        %add3A_565 = arith.addf %mul3A_561, %get3A_564 : vector<16xf32>
        %swap3A_566 = arith.constant 1 : i32
        %swap3A_567 = arith.index_cast %swap3A_566 : i32 to index
        %swap3A_568 = arith.index_cast %mul3A_214 : i32 to index
        %swap3A_569 = arith.constant 32 : index
        %swap3A_570 = tpu.vector_load %arg14[%swap3A_567, %swap3A_568, %swap3A_569] {strides = array<i32>} : memref<2x128x128xf32, #tpu.memory_space<vmem>>, vector<1x1x16xf32>,
        %swap3A_571 = vector.shape_cast %swap3A_570 : vector<1x1x16xf32> to vector<16xf32>
        %swap3A_572 = vector.shape_cast %add3A_565 : vector<16xf32> to vector<1x1x16xf32>
        tpu.vector_store %arg14[%swap3A_567, %swap3A_568, %swap3A_569], %swap3A_572 {strides = array<i32>} : memref<2x128x128xf32, #tpu.memory_space<vmem>>, vector<1x1x16xf32>,
        %sub3A_573 = arith.subf %add3A_293, %mul3A_423 : vector<16xf32>
        %mul3A_574 = arith.mulf %sub3A_573, %mul3A_522 : vector<16xf32>
        %get3A_575 = arith.constant 48 : index
        %get3A_576 = tpu.vector_load %arg17[%get3A_575] {strides = array<i32>} : memref<128xf32, #tpu.memory_space<vmem>>, vector<16xf32>,
        %get3A_577 = vector.shape_cast %get3A_576 : vector<16xf32> to vector<16xf32>
        %mul3A_578 = arith.mulf %mul3A_574, %get3A_577 : vector<16xf32>
        %get3A_579 = arith.constant 48 : index
        %get3A_580 = tpu.vector_load %arg18[%get3A_579] {strides = array<i32>} : memref<128xf32, #tpu.memory_space<vmem>>, vector<16xf32>,
        %get3A_581 = vector.shape_cast %get3A_580 : vector<16xf32> to vector<16xf32>
        %add3A_582 = arith.addf %mul3A_578, %get3A_581 : vector<16xf32>
        %swap3A_583 = arith.constant 1 : i32
        %swap3A_584 = arith.index_cast %swap3A_583 : i32 to index
        %swap3A_585 = arith.index_cast %mul3A_214 : i32 to index
        %swap3A_586 = arith.constant 48 : index
        %swap3A_587 = tpu.vector_load %arg14[%swap3A_584, %swap3A_585, %swap3A_586] {strides = array<i32>} : memref<2x128x128xf32, #tpu.memory_space<vmem>>, vector<1x1x16xf32>,
        %swap3A_588 = vector.shape_cast %swap3A_587 : vector<1x1x16xf32> to vector<16xf32>
        %swap3A_589 = vector.shape_cast %add3A_582 : vector<16xf32> to vector<1x1x16xf32>
        tpu.vector_store %arg14[%swap3A_584, %swap3A_585, %swap3A_586], %swap3A_589 {strides = array<i32>} : memref<2x128x128xf32, #tpu.memory_space<vmem>>, vector<1x1x16xf32>,
        %sub3A_590 = arith.subf %add3A_313, %mul3A_423 : vector<16xf32>
        %mul3A_591 = arith.mulf %sub3A_590, %mul3A_522 : vector<16xf32>
        %get3A_592 = arith.constant 64 : index
        %get3A_593 = tpu.vector_load %arg17[%get3A_592] {strides = array<i32>} : memref<128xf32, #tpu.memory_space<vmem>>, vector<16xf32>,
        %get3A_594 = vector.shape_cast %get3A_593 : vector<16xf32> to vector<16xf32>
        %mul3A_595 = arith.mulf %mul3A_591, %get3A_594 : vector<16xf32>
        %get3A_596 = arith.constant 64 : index
        %get3A_597 = tpu.vector_load %arg18[%get3A_596] {strides = array<i32>} : memref<128xf32, #tpu.memory_space<vmem>>, vector<16xf32>,
        %get3A_598 = vector.shape_cast %get3A_597 : vector<16xf32> to vector<16xf32>
        %add3A_599 = arith.addf %mul3A_595, %get3A_598 : vector<16xf32>
        %swap3A_600 = arith.constant 1 : i32
        %swap3A_601 = arith.index_cast %swap3A_600 : i32 to index
        %swap3A_602 = arith.index_cast %mul3A_214 : i32 to index
        %swap3A_603 = arith.constant 64 : index
        %swap3A_604 = tpu.vector_load %arg14[%swap3A_601, %swap3A_602, %swap3A_603] {strides = array<i32>} : memref<2x128x128xf32, #tpu.memory_space<vmem>>, vector<1x1x16xf32>,
        %swap3A_605 = vector.shape_cast %swap3A_604 : vector<1x1x16xf32> to vector<16xf32>
        %swap3A_606 = vector.shape_cast %add3A_599 : vector<16xf32> to vector<1x1x16xf32>
        tpu.vector_store %arg14[%swap3A_601, %swap3A_602, %swap3A_603], %swap3A_606 {strides = array<i32>} : memref<2x128x128xf32, #tpu.memory_space<vmem>>, vector<1x1x16xf32>,
        %sub3A_607 = arith.subf %add3A_333, %mul3A_423 : vector<16xf32>
        %mul3A_608 = arith.mulf %sub3A_607, %mul3A_522 : vector<16xf32>
        %get3A_609 = arith.constant 80 : index
        %get3A_610 = tpu.vector_load %arg17[%get3A_609] {strides = array<i32>} : memref<128xf32, #tpu.memory_space<vmem>>, vector<16xf32>,
        %get3A_611 = vector.shape_cast %get3A_610 : vector<16xf32> to vector<16xf32>
        %mul3A_612 = arith.mulf %mul3A_608, %get3A_611 : vector<16xf32>
        %get3A_613 = arith.constant 80 : index
        %get3A_614 = tpu.vector_load %arg18[%get3A_613] {strides = array<i32>} : memref<128xf32, #tpu.memory_space<vmem>>, vector<16xf32>,
        %get3A_615 = vector.shape_cast %get3A_614 : vector<16xf32> to vector<16xf32>
        %add3A_616 = arith.addf %mul3A_612, %get3A_615 : vector<16xf32>
        %swap3A_617 = arith.constant 1 : i32
        %swap3A_618 = arith.index_cast %swap3A_617 : i32 to index
        %swap3A_619 = arith.index_cast %mul3A_214 : i32 to index
        %swap3A_620 = arith.constant 80 : index
        %swap3A_621 = tpu.vector_load %arg14[%swap3A_618, %swap3A_619, %swap3A_620] {strides = array<i32>} : memref<2x128x128xf32, #tpu.memory_space<vmem>>, vector<1x1x16xf32>,
        %swap3A_622 = vector.shape_cast %swap3A_621 : vector<1x1x16xf32> to vector<16xf32>
        %swap3A_623 = vector.shape_cast %add3A_616 : vector<16xf32> to vector<1x1x16xf32>
        tpu.vector_store %arg14[%swap3A_618, %swap3A_619, %swap3A_620], %swap3A_623 {strides = array<i32>} : memref<2x128x128xf32, #tpu.memory_space<vmem>>, vector<1x1x16xf32>,
        %sub3A_624 = arith.subf %add3A_353, %mul3A_423 : vector<16xf32>
        %mul3A_625 = arith.mulf %sub3A_624, %mul3A_522 : vector<16xf32>
        %get3A_626 = arith.constant 96 : index
        %get3A_627 = tpu.vector_load %arg17[%get3A_626] {strides = array<i32>} : memref<128xf32, #tpu.memory_space<vmem>>, vector<16xf32>,
        %get3A_628 = vector.shape_cast %get3A_627 : vector<16xf32> to vector<16xf32>
        %mul3A_629 = arith.mulf %mul3A_625, %get3A_628 : vector<16xf32>
        %get3A_630 = arith.constant 96 : index
        %get3A_631 = tpu.vector_load %arg18[%get3A_630] {strides = array<i32>} : memref<128xf32, #tpu.memory_space<vmem>>, vector<16xf32>,
        %get3A_632 = vector.shape_cast %get3A_631 : vector<16xf32> to vector<16xf32>
        %add3A_633 = arith.addf %mul3A_629, %get3A_632 : vector<16xf32>
        %swap3A_634 = arith.constant 1 : i32
        %swap3A_635 = arith.index_cast %swap3A_634 : i32 to index
        %swap3A_636 = arith.index_cast %mul3A_214 : i32 to index
        %swap3A_637 = arith.constant 96 : index
        %swap3A_638 = tpu.vector_load %arg14[%swap3A_635, %swap3A_636, %swap3A_637] {strides = array<i32>} : memref<2x128x128xf32, #tpu.memory_space<vmem>>, vector<1x1x16xf32>,
        %swap3A_639 = vector.shape_cast %swap3A_638 : vector<1x1x16xf32> to vector<16xf32>
        %swap3A_640 = vector.shape_cast %add3A_633 : vector<16xf32> to vector<1x1x16xf32>
        tpu.vector_store %arg14[%swap3A_635, %swap3A_636, %swap3A_637], %swap3A_640 {strides = array<i32>} : memref<2x128x128xf32, #tpu.memory_space<vmem>>, vector<1x1x16xf32>,
        %sub3A_641 = arith.subf %add3A_373, %mul3A_423 : vector<16xf32>
        %mul3A_642 = arith.mulf %sub3A_641, %mul3A_522 : vector<16xf32>
        %get3A_643 = arith.constant 112 : index
        %get3A_644 = tpu.vector_load %arg17[%get3A_643] {strides = array<i32>} : memref<128xf32, #tpu.memory_space<vmem>>, vector<16xf32>,
        %get3A_645 = vector.shape_cast %get3A_644 : vector<16xf32> to vector<16xf32>
        %mul3A_646 = arith.mulf %mul3A_642, %get3A_645 : vector<16xf32>
        %get3A_647 = arith.constant 112 : index
        %get3A_648 = tpu.vector_load %arg18[%get3A_647] {strides = array<i32>} : memref<128xf32, #tpu.memory_space<vmem>>, vector<16xf32>,
        %get3A_649 = vector.shape_cast %get3A_648 : vector<16xf32> to vector<16xf32>
        %add3A_650 = arith.addf %mul3A_646, %get3A_649 : vector<16xf32>
        %swap3A_651 = arith.constant 1 : i32
        %swap3A_652 = arith.index_cast %swap3A_651 : i32 to index
        %swap3A_653 = arith.index_cast %mul3A_214 : i32 to index
        %swap3A_654 = arith.constant 112 : index
        %swap3A_655 = tpu.vector_load %arg14[%swap3A_652, %swap3A_653, %swap3A_654] {strides = array<i32>} : memref<2x128x128xf32, #tpu.memory_space<vmem>>, vector<1x1x16xf32>,
        %swap3A_656 = vector.shape_cast %swap3A_655 : vector<1x1x16xf32> to vector<16xf32>
        %swap3A_657 = vector.shape_cast %add3A_650 : vector<16xf32> to vector<1x1x16xf32>
        tpu.vector_store %arg14[%swap3A_652, %swap3A_653, %swap3A_654], %swap3A_657 {strides = array<i32>} : memref<2x128x128xf32, #tpu.memory_space<vmem>>, vector<1x1x16xf32>,
        %mul3A_658 = arith.constant 2 : i32
        %mul3A_659 = arith.muli %mul3A_658, %scan3A_211 : i32
        %add3A_660 = arith.constant 1 : i32
        %add3A_661 = arith.addi %mul3A_659, %add3A_660 : i32
        %get3A_662 = arith.constant 1 : i32
        %get3A_663 = arith.index_cast %get3A_662 : i32 to index
        %get3A_664 = arith.index_cast %add3A_661 : i32 to index
        %get3A_665 = arith.constant 0 : index
        %get3A_666 = tpu.vector_load %arg14[%get3A_663, %get3A_664, %get3A_665] {strides = array<i32>} : memref<2x128x128xf32, #tpu.memory_space<vmem>>, vector<1x1x16xf32>,
        %get3A_667 = vector.shape_cast %get3A_666 : vector<1x1x16xf32> to vector<16xf32>
        %get3A_668 = arith.constant 1 : i32
        %get3A_669 = arith.index_cast %get3A_668 : i32 to index
        %get3A_670 = arith.index_cast %add3A_661 : i32 to index
        %get3A_671 = arith.constant 0 : index
        %get3A_672 = tpu.vector_load %arg15[%get3A_669, %get3A_670, %get3A_671] {strides = array<i32>} : memref<2x128x128xf32, #tpu.memory_space<vmem>>, vector<1x1x16xf32>,
        %get3A_673 = vector.shape_cast %get3A_672 : vector<1x1x16xf32> to vector<16xf32>
        %add3A_674 = arith.addf %get3A_667, %get3A_673 : vector<16xf32>
        %get3A_675 = arith.constant 1 : i32
        %get3A_676 = arith.index_cast %get3A_675 : i32 to index
        %get3A_677 = arith.index_cast %add3A_661 : i32 to index
        %get3A_678 = arith.constant 0 : index
        %get3A_679 = tpu.vector_load %arg16[%get3A_676, %get3A_677, %get3A_678] {strides = array<i32>} : memref<2x128x128xf32, #tpu.memory_space<vmem>>, vector<1x1x16xf32>,
        %get3A_680 = vector.shape_cast %get3A_679 : vector<1x1x16xf32> to vector<16xf32>
        %add3A_681 = arith.addf %add3A_674, %get3A_680 : vector<16xf32>
        %get3A_682 = arith.constant 1 : i32
        %get3A_683 = arith.index_cast %get3A_682 : i32 to index
        %get3A_684 = arith.index_cast %add3A_661 : i32 to index
        %get3A_685 = arith.constant 16 : index
        %get3A_686 = tpu.vector_load %arg14[%get3A_683, %get3A_684, %get3A_685] {strides = array<i32>} : memref<2x128x128xf32, #tpu.memory_space<vmem>>, vector<1x1x16xf32>,
        %get3A_687 = vector.shape_cast %get3A_686 : vector<1x1x16xf32> to vector<16xf32>
        %get3A_688 = arith.constant 1 : i32
        %get3A_689 = arith.index_cast %get3A_688 : i32 to index
        %get3A_690 = arith.index_cast %add3A_661 : i32 to index
        %get3A_691 = arith.constant 16 : index
        %get3A_692 = tpu.vector_load %arg15[%get3A_689, %get3A_690, %get3A_691] {strides = array<i32>} : memref<2x128x128xf32, #tpu.memory_space<vmem>>, vector<1x1x16xf32>,
        %get3A_693 = vector.shape_cast %get3A_692 : vector<1x1x16xf32> to vector<16xf32>
        %add3A_694 = arith.addf %get3A_687, %get3A_693 : vector<16xf32>
        %get3A_695 = arith.constant 1 : i32
        %get3A_696 = arith.index_cast %get3A_695 : i32 to index
        %get3A_697 = arith.index_cast %add3A_661 : i32 to index
        %get3A_698 = arith.constant 16 : index
        %get3A_699 = tpu.vector_load %arg16[%get3A_696, %get3A_697, %get3A_698] {strides = array<i32>} : memref<2x128x128xf32, #tpu.memory_space<vmem>>, vector<1x1x16xf32>,
        %get3A_700 = vector.shape_cast %get3A_699 : vector<1x1x16xf32> to vector<16xf32>
        %add3A_701 = arith.addf %add3A_694, %get3A_700 : vector<16xf32>
        %get3A_702 = arith.constant 1 : i32
        %get3A_703 = arith.index_cast %get3A_702 : i32 to index
        %get3A_704 = arith.index_cast %add3A_661 : i32 to index
        %get3A_705 = arith.constant 32 : index
        %get3A_706 = tpu.vector_load %arg14[%get3A_703, %get3A_704, %get3A_705] {strides = array<i32>} : memref<2x128x128xf32, #tpu.memory_space<vmem>>, vector<1x1x16xf32>,
        %get3A_707 = vector.shape_cast %get3A_706 : vector<1x1x16xf32> to vector<16xf32>
        %get3A_708 = arith.constant 1 : i32
        %get3A_709 = arith.index_cast %get3A_708 : i32 to index
        %get3A_710 = arith.index_cast %add3A_661 : i32 to index
        %get3A_711 = arith.constant 32 : index
        %get3A_712 = tpu.vector_load %arg15[%get3A_709, %get3A_710, %get3A_711] {strides = array<i32>} : memref<2x128x128xf32, #tpu.memory_space<vmem>>, vector<1x1x16xf32>,
        %get3A_713 = vector.shape_cast %get3A_712 : vector<1x1x16xf32> to vector<16xf32>
        %add3A_714 = arith.addf %get3A_707, %get3A_713 : vector<16xf32>
        %get3A_715 = arith.constant 1 : i32
        %get3A_716 = arith.index_cast %get3A_715 : i32 to index
        %get3A_717 = arith.index_cast %add3A_661 : i32 to index
        %get3A_718 = arith.constant 32 : index
        %get3A_719 = tpu.vector_load %arg16[%get3A_716, %get3A_717, %get3A_718] {strides = array<i32>} : memref<2x128x128xf32, #tpu.memory_space<vmem>>, vector<1x1x16xf32>,
        %get3A_720 = vector.shape_cast %get3A_719 : vector<1x1x16xf32> to vector<16xf32>
        %add3A_721 = arith.addf %add3A_714, %get3A_720 : vector<16xf32>
        %get3A_722 = arith.constant 1 : i32
        %get3A_723 = arith.index_cast %get3A_722 : i32 to index
        %get3A_724 = arith.index_cast %add3A_661 : i32 to index
        %get3A_725 = arith.constant 48 : index
        %get3A_726 = tpu.vector_load %arg14[%get3A_723, %get3A_724, %get3A_725] {strides = array<i32>} : memref<2x128x128xf32, #tpu.memory_space<vmem>>, vector<1x1x16xf32>,
        %get3A_727 = vector.shape_cast %get3A_726 : vector<1x1x16xf32> to vector<16xf32>
        %get3A_728 = arith.constant 1 : i32
        %get3A_729 = arith.index_cast %get3A_728 : i32 to index
        %get3A_730 = arith.index_cast %add3A_661 : i32 to index
        %get3A_731 = arith.constant 48 : index
        %get3A_732 = tpu.vector_load %arg15[%get3A_729, %get3A_730, %get3A_731] {strides = array<i32>} : memref<2x128x128xf32, #tpu.memory_space<vmem>>, vector<1x1x16xf32>,
        %get3A_733 = vector.shape_cast %get3A_732 : vector<1x1x16xf32> to vector<16xf32>
        %add3A_734 = arith.addf %get3A_727, %get3A_733 : vector<16xf32>
        %get3A_735 = arith.constant 1 : i32
        %get3A_736 = arith.index_cast %get3A_735 : i32 to index
        %get3A_737 = arith.index_cast %add3A_661 : i32 to index
        %get3A_738 = arith.constant 48 : index
        %get3A_739 = tpu.vector_load %arg16[%get3A_736, %get3A_737, %get3A_738] {strides = array<i32>} : memref<2x128x128xf32, #tpu.memory_space<vmem>>, vector<1x1x16xf32>,
        %get3A_740 = vector.shape_cast %get3A_739 : vector<1x1x16xf32> to vector<16xf32>
        %add3A_741 = arith.addf %add3A_734, %get3A_740 : vector<16xf32>
        %get3A_742 = arith.constant 1 : i32
        %get3A_743 = arith.index_cast %get3A_742 : i32 to index
        %get3A_744 = arith.index_cast %add3A_661 : i32 to index
        %get3A_745 = arith.constant 64 : index
        %get3A_746 = tpu.vector_load %arg14[%get3A_743, %get3A_744, %get3A_745] {strides = array<i32>} : memref<2x128x128xf32, #tpu.memory_space<vmem>>, vector<1x1x16xf32>,
        %get3A_747 = vector.shape_cast %get3A_746 : vector<1x1x16xf32> to vector<16xf32>
        %get3A_748 = arith.constant 1 : i32
        %get3A_749 = arith.index_cast %get3A_748 : i32 to index
        %get3A_750 = arith.index_cast %add3A_661 : i32 to index
        %get3A_751 = arith.constant 64 : index
        %get3A_752 = tpu.vector_load %arg15[%get3A_749, %get3A_750, %get3A_751] {strides = array<i32>} : memref<2x128x128xf32, #tpu.memory_space<vmem>>, vector<1x1x16xf32>,
        %get3A_753 = vector.shape_cast %get3A_752 : vector<1x1x16xf32> to vector<16xf32>
        %add3A_754 = arith.addf %get3A_747, %get3A_753 : vector<16xf32>
        %get3A_755 = arith.constant 1 : i32
        %get3A_756 = arith.index_cast %get3A_755 : i32 to index
        %get3A_757 = arith.index_cast %add3A_661 : i32 to index
        %get3A_758 = arith.constant 64 : index
        %get3A_759 = tpu.vector_load %arg16[%get3A_756, %get3A_757, %get3A_758] {strides = array<i32>} : memref<2x128x128xf32, #tpu.memory_space<vmem>>, vector<1x1x16xf32>,
        %get3A_760 = vector.shape_cast %get3A_759 : vector<1x1x16xf32> to vector<16xf32>
        %add3A_761 = arith.addf %add3A_754, %get3A_760 : vector<16xf32>
        %get3A_762 = arith.constant 1 : i32
        %get3A_763 = arith.index_cast %get3A_762 : i32 to index
        %get3A_764 = arith.index_cast %add3A_661 : i32 to index
        %get3A_765 = arith.constant 80 : index
        %get3A_766 = tpu.vector_load %arg14[%get3A_763, %get3A_764, %get3A_765] {strides = array<i32>} : memref<2x128x128xf32, #tpu.memory_space<vmem>>, vector<1x1x16xf32>,
        %get3A_767 = vector.shape_cast %get3A_766 : vector<1x1x16xf32> to vector<16xf32>
        %get3A_768 = arith.constant 1 : i32
        %get3A_769 = arith.index_cast %get3A_768 : i32 to index
        %get3A_770 = arith.index_cast %add3A_661 : i32 to index
        %get3A_771 = arith.constant 80 : index
        %get3A_772 = tpu.vector_load %arg15[%get3A_769, %get3A_770, %get3A_771] {strides = array<i32>} : memref<2x128x128xf32, #tpu.memory_space<vmem>>, vector<1x1x16xf32>,
        %get3A_773 = vector.shape_cast %get3A_772 : vector<1x1x16xf32> to vector<16xf32>
        %add3A_774 = arith.addf %get3A_767, %get3A_773 : vector<16xf32>
        %get3A_775 = arith.constant 1 : i32
        %get3A_776 = arith.index_cast %get3A_775 : i32 to index
        %get3A_777 = arith.index_cast %add3A_661 : i32 to index
        %get3A_778 = arith.constant 80 : index
        %get3A_779 = tpu.vector_load %arg16[%get3A_776, %get3A_777, %get3A_778] {strides = array<i32>} : memref<2x128x128xf32, #tpu.memory_space<vmem>>, vector<1x1x16xf32>,
        %get3A_780 = vector.shape_cast %get3A_779 : vector<1x1x16xf32> to vector<16xf32>
        %add3A_781 = arith.addf %add3A_774, %get3A_780 : vector<16xf32>
        %get3A_782 = arith.constant 1 : i32
        %get3A_783 = arith.index_cast %get3A_782 : i32 to index
        %get3A_784 = arith.index_cast %add3A_661 : i32 to index
        %get3A_785 = arith.constant 96 : index
        %get3A_786 = tpu.vector_load %arg14[%get3A_783, %get3A_784, %get3A_785] {strides = array<i32>} : memref<2x128x128xf32, #tpu.memory_space<vmem>>, vector<1x1x16xf32>,
        %get3A_787 = vector.shape_cast %get3A_786 : vector<1x1x16xf32> to vector<16xf32>
        %get3A_788 = arith.constant 1 : i32
        %get3A_789 = arith.index_cast %get3A_788 : i32 to index
        %get3A_790 = arith.index_cast %add3A_661 : i32 to index
        %get3A_791 = arith.constant 96 : index
        %get3A_792 = tpu.vector_load %arg15[%get3A_789, %get3A_790, %get3A_791] {strides = array<i32>} : memref<2x128x128xf32, #tpu.memory_space<vmem>>, vector<1x1x16xf32>,
        %get3A_793 = vector.shape_cast %get3A_792 : vector<1x1x16xf32> to vector<16xf32>
        %add3A_794 = arith.addf %get3A_787, %get3A_793 : vector<16xf32>
        %get3A_795 = arith.constant 1 : i32
        %get3A_796 = arith.index_cast %get3A_795 : i32 to index
        %get3A_797 = arith.index_cast %add3A_661 : i32 to index
        %get3A_798 = arith.constant 96 : index
        %get3A_799 = tpu.vector_load %arg16[%get3A_796, %get3A_797, %get3A_798] {strides = array<i32>} : memref<2x128x128xf32, #tpu.memory_space<vmem>>, vector<1x1x16xf32>,
        %get3A_800 = vector.shape_cast %get3A_799 : vector<1x1x16xf32> to vector<16xf32>
        %add3A_801 = arith.addf %add3A_794, %get3A_800 : vector<16xf32>
        %get3A_802 = arith.constant 1 : i32
        %get3A_803 = arith.index_cast %get3A_802 : i32 to index
        %get3A_804 = arith.index_cast %add3A_661 : i32 to index
        %get3A_805 = arith.constant 112 : index
        %get3A_806 = tpu.vector_load %arg14[%get3A_803, %get3A_804, %get3A_805] {strides = array<i32>} : memref<2x128x128xf32, #tpu.memory_space<vmem>>, vector<1x1x16xf32>,
        %get3A_807 = vector.shape_cast %get3A_806 : vector<1x1x16xf32> to vector<16xf32>
        %get3A_808 = arith.constant 1 : i32
        %get3A_809 = arith.index_cast %get3A_808 : i32 to index
        %get3A_810 = arith.index_cast %add3A_661 : i32 to index
        %get3A_811 = arith.constant 112 : index
        %get3A_812 = tpu.vector_load %arg15[%get3A_809, %get3A_810, %get3A_811] {strides = array<i32>} : memref<2x128x128xf32, #tpu.memory_space<vmem>>, vector<1x1x16xf32>,
        %get3A_813 = vector.shape_cast %get3A_812 : vector<1x1x16xf32> to vector<16xf32>
        %add3A_814 = arith.addf %get3A_807, %get3A_813 : vector<16xf32>
        %get3A_815 = arith.constant 1 : i32
        %get3A_816 = arith.index_cast %get3A_815 : i32 to index
        %get3A_817 = arith.index_cast %add3A_661 : i32 to index
        %get3A_818 = arith.constant 112 : index
        %get3A_819 = tpu.vector_load %arg16[%get3A_816, %get3A_817, %get3A_818] {strides = array<i32>} : memref<2x128x128xf32, #tpu.memory_space<vmem>>, vector<1x1x16xf32>,
        %get3A_820 = vector.shape_cast %get3A_819 : vector<1x1x16xf32> to vector<16xf32>
        %add3A_821 = arith.addf %add3A_814, %get3A_820 : vector<16xf32>
        %add3A_822 = arith.addf %add3A_681, %add3A_701 : vector<16xf32>
        %add3A_823 = arith.addf %add3A_721, %add3A_741 : vector<16xf32>
        %add3A_824 = arith.addf %add3A_761, %add3A_781 : vector<16xf32>
        %add3A_825 = arith.addf %add3A_801, %add3A_821 : vector<16xf32>
        %add3A_826 = arith.addf %add3A_822, %add3A_823 : vector<16xf32>
        %add3A_827 = arith.addf %add3A_824, %add3A_825 : vector<16xf32>
        %add3A_828 = arith.addf %add3A_826, %add3A_827 : vector<16xf32>
        %iota3A_829 = tpu.iota {dimensions = array<i32: 0>} : vector<16xi32>
        %add3A_830 = arith.constant 8 : i32
        %add3A_831 = vector.broadcast %add3A_830 : i32 to vector<16xi32>
        %add3A_832 = arith.addi %iota3A_829, %add3A_831 : vector<16xi32>
        %and3A_833 = arith.constant 15 : i32
        %and3A_834 = vector.broadcast %and3A_833 : i32 to vector<16xi32>
        %and3A_835 = arith.andi %add3A_832, %and3A_834 : vector<16xi32>
        %broadcast_in_dim3A_836 = vector.shape_cast %and3A_835 : vector<16xi32> to vector<16x1xi32>
        %gather3A_837 = vector.shape_cast %broadcast_in_dim3A_836 : vector<16x1xi32> to vector<16xi32>
        %gather3A_838 = tpu.dynamic_gather %add3A_828[%gather3A_837] in [0] : vector<16xf32>, vector<16xi32> -> vector<16xf32>
        %add3A_839 = arith.addf %add3A_828, %gather3A_838 : vector<16xf32>
        %iota3A_840 = tpu.iota {dimensions = array<i32: 0>} : vector<16xi32>
        %add3A_841 = arith.constant 4 : i32
        %add3A_842 = vector.broadcast %add3A_841 : i32 to vector<16xi32>
        %add3A_843 = arith.addi %iota3A_840, %add3A_842 : vector<16xi32>
        %and3A_844 = arith.constant 15 : i32
        %and3A_845 = vector.broadcast %and3A_844 : i32 to vector<16xi32>
        %and3A_846 = arith.andi %add3A_843, %and3A_845 : vector<16xi32>
        %broadcast_in_dim3A_847 = vector.shape_cast %and3A_846 : vector<16xi32> to vector<16x1xi32>
        %gather3A_848 = vector.shape_cast %broadcast_in_dim3A_847 : vector<16x1xi32> to vector<16xi32>
        %gather3A_849 = tpu.dynamic_gather %add3A_839[%gather3A_848] in [0] : vector<16xf32>, vector<16xi32> -> vector<16xf32>
        %add3A_850 = arith.addf %add3A_839, %gather3A_849 : vector<16xf32>
        %iota3A_851 = tpu.iota {dimensions = array<i32: 0>} : vector<16xi32>
        %add3A_852 = arith.constant 2 : i32
        %add3A_853 = vector.broadcast %add3A_852 : i32 to vector<16xi32>
        %add3A_854 = arith.addi %iota3A_851, %add3A_853 : vector<16xi32>
        %and3A_855 = arith.constant 15 : i32
        %and3A_856 = vector.broadcast %and3A_855 : i32 to vector<16xi32>
        %and3A_857 = arith.andi %add3A_854, %and3A_856 : vector<16xi32>
        %broadcast_in_dim3A_858 = vector.shape_cast %and3A_857 : vector<16xi32> to vector<16x1xi32>
        %gather3A_859 = vector.shape_cast %broadcast_in_dim3A_858 : vector<16x1xi32> to vector<16xi32>
        %gather3A_860 = tpu.dynamic_gather %add3A_850[%gather3A_859] in [0] : vector<16xf32>, vector<16xi32> -> vector<16xf32>
        %add3A_861 = arith.addf %add3A_850, %gather3A_860 : vector<16xf32>
        %iota3A_862 = tpu.iota {dimensions = array<i32: 0>} : vector<16xi32>
        %add3A_863 = arith.constant 1 : i32
        %add3A_864 = vector.broadcast %add3A_863 : i32 to vector<16xi32>
        %add3A_865 = arith.addi %iota3A_862, %add3A_864 : vector<16xi32>
        %and3A_866 = arith.constant 15 : i32
        %and3A_867 = vector.broadcast %and3A_866 : i32 to vector<16xi32>
        %and3A_868 = arith.andi %add3A_865, %and3A_867 : vector<16xi32>
        %broadcast_in_dim3A_869 = vector.shape_cast %and3A_868 : vector<16xi32> to vector<16x1xi32>
        %gather3A_870 = vector.shape_cast %broadcast_in_dim3A_869 : vector<16x1xi32> to vector<16xi32>
        %gather3A_871 = tpu.dynamic_gather %add3A_861[%gather3A_870] in [0] : vector<16xf32>, vector<16xi32> -> vector<16xf32>
        %add3A_872 = arith.addf %add3A_861, %gather3A_871 : vector<16xf32>
        %mul3A_873 = arith.constant 7.812500e-03 : f32
        %mul3A_874 = vector.broadcast %mul3A_873 : f32 to vector<16xf32>
        %mul3A_875 = arith.mulf %add3A_872, %mul3A_874 : vector<16xf32>
        %mul3A_876 = arith.mulf %add3A_681, %add3A_681 : vector<16xf32>
        %mul3A_877 = arith.mulf %add3A_701, %add3A_701 : vector<16xf32>
        %mul3A_878 = arith.mulf %add3A_721, %add3A_721 : vector<16xf32>
        %mul3A_879 = arith.mulf %add3A_741, %add3A_741 : vector<16xf32>
        %mul3A_880 = arith.mulf %add3A_761, %add3A_761 : vector<16xf32>
        %mul3A_881 = arith.mulf %add3A_781, %add3A_781 : vector<16xf32>
        %mul3A_882 = arith.mulf %add3A_801, %add3A_801 : vector<16xf32>
        %mul3A_883 = arith.mulf %add3A_821, %add3A_821 : vector<16xf32>
        %add3A_884 = arith.addf %mul3A_876, %mul3A_877 : vector<16xf32>
        %add3A_885 = arith.addf %mul3A_878, %mul3A_879 : vector<16xf32>
        %add3A_886 = arith.addf %mul3A_880, %mul3A_881 : vector<16xf32>
        %add3A_887 = arith.addf %mul3A_882, %mul3A_883 : vector<16xf32>
        %add3A_888 = arith.addf %add3A_884, %add3A_885 : vector<16xf32>
        %add3A_889 = arith.addf %add3A_886, %add3A_887 : vector<16xf32>
        %add3A_890 = arith.addf %add3A_888, %add3A_889 : vector<16xf32>
        %iota3A_891 = tpu.iota {dimensions = array<i32: 0>} : vector<16xi32>
        %add3A_892 = arith.constant 8 : i32
        %add3A_893 = vector.broadcast %add3A_892 : i32 to vector<16xi32>
        %add3A_894 = arith.addi %iota3A_891, %add3A_893 : vector<16xi32>
        %and3A_895 = arith.constant 15 : i32
        %and3A_896 = vector.broadcast %and3A_895 : i32 to vector<16xi32>
        %and3A_897 = arith.andi %add3A_894, %and3A_896 : vector<16xi32>
        %broadcast_in_dim3A_898 = vector.shape_cast %and3A_897 : vector<16xi32> to vector<16x1xi32>
        %gather3A_899 = vector.shape_cast %broadcast_in_dim3A_898 : vector<16x1xi32> to vector<16xi32>
        %gather3A_900 = tpu.dynamic_gather %add3A_890[%gather3A_899] in [0] : vector<16xf32>, vector<16xi32> -> vector<16xf32>
        %add3A_901 = arith.addf %add3A_890, %gather3A_900 : vector<16xf32>
        %iota3A_902 = tpu.iota {dimensions = array<i32: 0>} : vector<16xi32>
        %add3A_903 = arith.constant 4 : i32
        %add3A_904 = vector.broadcast %add3A_903 : i32 to vector<16xi32>
        %add3A_905 = arith.addi %iota3A_902, %add3A_904 : vector<16xi32>
        %and3A_906 = arith.constant 15 : i32
        %and3A_907 = vector.broadcast %and3A_906 : i32 to vector<16xi32>
        %and3A_908 = arith.andi %add3A_905, %and3A_907 : vector<16xi32>
        %broadcast_in_dim3A_909 = vector.shape_cast %and3A_908 : vector<16xi32> to vector<16x1xi32>
        %gather3A_910 = vector.shape_cast %broadcast_in_dim3A_909 : vector<16x1xi32> to vector<16xi32>
        %gather3A_911 = tpu.dynamic_gather %add3A_901[%gather3A_910] in [0] : vector<16xf32>, vector<16xi32> -> vector<16xf32>
        %add3A_912 = arith.addf %add3A_901, %gather3A_911 : vector<16xf32>
        %iota3A_913 = tpu.iota {dimensions = array<i32: 0>} : vector<16xi32>
        %add3A_914 = arith.constant 2 : i32
        %add3A_915 = vector.broadcast %add3A_914 : i32 to vector<16xi32>
        %add3A_916 = arith.addi %iota3A_913, %add3A_915 : vector<16xi32>
        %and3A_917 = arith.constant 15 : i32
        %and3A_918 = vector.broadcast %and3A_917 : i32 to vector<16xi32>
        %and3A_919 = arith.andi %add3A_916, %and3A_918 : vector<16xi32>
        %broadcast_in_dim3A_920 = vector.shape_cast %and3A_919 : vector<16xi32> to vector<16x1xi32>
        %gather3A_921 = vector.shape_cast %broadcast_in_dim3A_920 : vector<16x1xi32> to vector<16xi32>
        %gather3A_922 = tpu.dynamic_gather %add3A_912[%gather3A_921] in [0] : vector<16xf32>, vector<16xi32> -> vector<16xf32>
        %add3A_923 = arith.addf %add3A_912, %gather3A_922 : vector<16xf32>
        %iota3A_924 = tpu.iota {dimensions = array<i32: 0>} : vector<16xi32>
        %add3A_925 = arith.constant 1 : i32
        %add3A_926 = vector.broadcast %add3A_925 : i32 to vector<16xi32>
        %add3A_927 = arith.addi %iota3A_924, %add3A_926 : vector<16xi32>
        %and3A_928 = arith.constant 15 : i32
        %and3A_929 = vector.broadcast %and3A_928 : i32 to vector<16xi32>
        %and3A_930 = arith.andi %add3A_927, %and3A_929 : vector<16xi32>
        %broadcast_in_dim3A_931 = vector.shape_cast %and3A_930 : vector<16xi32> to vector<16x1xi32>
        %gather3A_932 = vector.shape_cast %broadcast_in_dim3A_931 : vector<16x1xi32> to vector<16xi32>
        %gather3A_933 = tpu.dynamic_gather %add3A_923[%gather3A_932] in [0] : vector<16xf32>, vector<16xi32> -> vector<16xf32>
        %add3A_934 = arith.addf %add3A_923, %gather3A_933 : vector<16xf32>
        %mul3A_935 = arith.constant 7.812500e-03 : f32
        %mul3A_936 = vector.broadcast %mul3A_935 : f32 to vector<16xf32>
        %mul3A_937 = arith.mulf %add3A_934, %mul3A_936 : vector<16xf32>
        %mul3A_938 = arith.mulf %mul3A_875, %mul3A_875 : vector<16xf32>
        %sub3A_939 = arith.subf %mul3A_937, %mul3A_938 : vector<16xf32>
        %add3A_940 = arith.constant 9.99999996E-13 : f32
        %add3A_941 = vector.broadcast %add3A_940 : f32 to vector<16xf32>
        %add3A_942 = arith.addf %sub3A_939, %add3A_941 : vector<16xf32>
        %bitcast_convert_type3A_943 = tpu.bitcast %add3A_942 : vector<16xf32> -> vector<16xi32>
        %shift_right_arithmetic3A_944 = arith.constant 1 : i32
        %shift_right_arithmetic3A_945 = vector.broadcast %shift_right_arithmetic3A_944 : i32 to vector<16xi32>
        %shift_right_arithmetic3A_946 = arith.shrsi %bitcast_convert_type3A_943, %shift_right_arithmetic3A_945 : vector<16xi32>
        %sub3A_947 = arith.constant 1597463007 : i32
        %sub3A_948 = vector.broadcast %sub3A_947 : i32 to vector<16xi32>
        %sub3A_949 = arith.subi %sub3A_948, %shift_right_arithmetic3A_946 : vector<16xi32>
        %bitcast_convert_type3A_950 = tpu.bitcast %sub3A_949 : vector<16xi32> -> vector<16xf32>
        %mul3A_951 = arith.constant 5.000000e-01 : f32
        %mul3A_952 = vector.broadcast %mul3A_951 : f32 to vector<16xf32>
        %mul3A_953 = arith.mulf %mul3A_952, %add3A_942 : vector<16xf32>
        %mul3A_954 = arith.mulf %mul3A_953, %bitcast_convert_type3A_950 : vector<16xf32>
        %mul3A_955 = arith.mulf %mul3A_954, %bitcast_convert_type3A_950 : vector<16xf32>
        %sub3A_956 = arith.constant 1.500000e+00 : f32
        %sub3A_957 = vector.broadcast %sub3A_956 : f32 to vector<16xf32>
        %sub3A_958 = arith.subf %sub3A_957, %mul3A_955 : vector<16xf32>
        %mul3A_959 = arith.mulf %bitcast_convert_type3A_950, %sub3A_958 : vector<16xf32>
        %mul3A_960 = arith.constant 5.000000e-01 : f32
        %mul3A_961 = vector.broadcast %mul3A_960 : f32 to vector<16xf32>
        %mul3A_962 = arith.mulf %mul3A_961, %add3A_942 : vector<16xf32>
        %mul3A_963 = arith.mulf %mul3A_962, %mul3A_959 : vector<16xf32>
        %mul3A_964 = arith.mulf %mul3A_963, %mul3A_959 : vector<16xf32>
        %sub3A_965 = arith.constant 1.500000e+00 : f32
        %sub3A_966 = vector.broadcast %sub3A_965 : f32 to vector<16xf32>
        %sub3A_967 = arith.subf %sub3A_966, %mul3A_964 : vector<16xf32>
        %mul3A_968 = arith.mulf %mul3A_959, %sub3A_967 : vector<16xf32>
        %mul3A_969 = arith.constant 5.000000e-01 : f32
        %mul3A_970 = vector.broadcast %mul3A_969 : f32 to vector<16xf32>
        %mul3A_971 = arith.mulf %mul3A_970, %add3A_942 : vector<16xf32>
        %mul3A_972 = arith.mulf %mul3A_971, %mul3A_968 : vector<16xf32>
        %mul3A_973 = arith.mulf %mul3A_972, %mul3A_968 : vector<16xf32>
        %sub3A_974 = arith.constant 1.500000e+00 : f32
        %sub3A_975 = vector.broadcast %sub3A_974 : f32 to vector<16xf32>
        %sub3A_976 = arith.subf %sub3A_975, %mul3A_973 : vector<16xf32>
        %mul3A_977 = arith.mulf %mul3A_968, %sub3A_976 : vector<16xf32>
        %sub3A_978 = arith.subf %add3A_681, %mul3A_875 : vector<16xf32>
        %mul3A_979 = arith.mulf %sub3A_978, %mul3A_977 : vector<16xf32>
        %get3A_980 = arith.constant 0 : index
        %get3A_981 = tpu.vector_load %arg17[%get3A_980] {strides = array<i32>} : memref<128xf32, #tpu.memory_space<vmem>>, vector<16xf32>,
        %get3A_982 = vector.shape_cast %get3A_981 : vector<16xf32> to vector<16xf32>
        %mul3A_983 = arith.mulf %mul3A_979, %get3A_982 : vector<16xf32>
        %get3A_984 = arith.constant 0 : index
        %get3A_985 = tpu.vector_load %arg18[%get3A_984] {strides = array<i32>} : memref<128xf32, #tpu.memory_space<vmem>>, vector<16xf32>,
        %get3A_986 = vector.shape_cast %get3A_985 : vector<16xf32> to vector<16xf32>
        %add3A_987 = arith.addf %mul3A_983, %get3A_986 : vector<16xf32>
        %swap3A_988 = arith.constant 1 : i32
        %swap3A_989 = arith.index_cast %swap3A_988 : i32 to index
        %swap3A_990 = arith.index_cast %add3A_661 : i32 to index
        %swap3A_991 = arith.constant 0 : index
        %swap3A_992 = tpu.vector_load %arg14[%swap3A_989, %swap3A_990, %swap3A_991] {strides = array<i32>} : memref<2x128x128xf32, #tpu.memory_space<vmem>>, vector<1x1x16xf32>,
        %swap3A_993 = vector.shape_cast %swap3A_992 : vector<1x1x16xf32> to vector<16xf32>
        %swap3A_994 = vector.shape_cast %add3A_987 : vector<16xf32> to vector<1x1x16xf32>
        tpu.vector_store %arg14[%swap3A_989, %swap3A_990, %swap3A_991], %swap3A_994 {strides = array<i32>} : memref<2x128x128xf32, #tpu.memory_space<vmem>>, vector<1x1x16xf32>,
        %sub3A_995 = arith.subf %add3A_701, %mul3A_875 : vector<16xf32>
        %mul3A_996 = arith.mulf %sub3A_995, %mul3A_977 : vector<16xf32>
        %get3A_997 = arith.constant 16 : index
        %get3A_998 = tpu.vector_load %arg17[%get3A_997] {strides = array<i32>} : memref<128xf32, #tpu.memory_space<vmem>>, vector<16xf32>,
        %get3A_999 = vector.shape_cast %get3A_998 : vector<16xf32> to vector<16xf32>
        %mul3A_1000 = arith.mulf %mul3A_996, %get3A_999 : vector<16xf32>
        %get3A_1001 = arith.constant 16 : index
        %get3A_1002 = tpu.vector_load %arg18[%get3A_1001] {strides = array<i32>} : memref<128xf32, #tpu.memory_space<vmem>>, vector<16xf32>,
        %get3A_1003 = vector.shape_cast %get3A_1002 : vector<16xf32> to vector<16xf32>
        %add3A_1004 = arith.addf %mul3A_1000, %get3A_1003 : vector<16xf32>
        %swap3A_1005 = arith.constant 1 : i32
        %swap3A_1006 = arith.index_cast %swap3A_1005 : i32 to index
        %swap3A_1007 = arith.index_cast %add3A_661 : i32 to index
        %swap3A_1008 = arith.constant 16 : index
        %swap3A_1009 = tpu.vector_load %arg14[%swap3A_1006, %swap3A_1007, %swap3A_1008] {strides = array<i32>} : memref<2x128x128xf32, #tpu.memory_space<vmem>>, vector<1x1x16xf32>,
        %swap3A_1010 = vector.shape_cast %swap3A_1009 : vector<1x1x16xf32> to vector<16xf32>
        %swap3A_1011 = vector.shape_cast %add3A_1004 : vector<16xf32> to vector<1x1x16xf32>
        tpu.vector_store %arg14[%swap3A_1006, %swap3A_1007, %swap3A_1008], %swap3A_1011 {strides = array<i32>} : memref<2x128x128xf32, #tpu.memory_space<vmem>>, vector<1x1x16xf32>,
        %sub3A_1012 = arith.subf %add3A_721, %mul3A_875 : vector<16xf32>
        %mul3A_1013 = arith.mulf %sub3A_1012, %mul3A_977 : vector<16xf32>
        %get3A_1014 = arith.constant 32 : index
        %get3A_1015 = tpu.vector_load %arg17[%get3A_1014] {strides = array<i32>} : memref<128xf32, #tpu.memory_space<vmem>>, vector<16xf32>,
        %get3A_1016 = vector.shape_cast %get3A_1015 : vector<16xf32> to vector<16xf32>
        %mul3A_1017 = arith.mulf %mul3A_1013, %get3A_1016 : vector<16xf32>
        %get3A_1018 = arith.constant 32 : index
        %get3A_1019 = tpu.vector_load %arg18[%get3A_1018] {strides = array<i32>} : memref<128xf32, #tpu.memory_space<vmem>>, vector<16xf32>,
        %get3A_1020 = vector.shape_cast %get3A_1019 : vector<16xf32> to vector<16xf32>
        %add3A_1021 = arith.addf %mul3A_1017, %get3A_1020 : vector<16xf32>
        %swap3A_1022 = arith.constant 1 : i32
        %swap3A_1023 = arith.index_cast %swap3A_1022 : i32 to index
        %swap3A_1024 = arith.index_cast %add3A_661 : i32 to index
        %swap3A_1025 = arith.constant 32 : index
        %swap3A_1026 = tpu.vector_load %arg14[%swap3A_1023, %swap3A_1024, %swap3A_1025] {strides = array<i32>} : memref<2x128x128xf32, #tpu.memory_space<vmem>>, vector<1x1x16xf32>,
        %swap3A_1027 = vector.shape_cast %swap3A_1026 : vector<1x1x16xf32> to vector<16xf32>
        %swap3A_1028 = vector.shape_cast %add3A_1021 : vector<16xf32> to vector<1x1x16xf32>
        tpu.vector_store %arg14[%swap3A_1023, %swap3A_1024, %swap3A_1025], %swap3A_1028 {strides = array<i32>} : memref<2x128x128xf32, #tpu.memory_space<vmem>>, vector<1x1x16xf32>,
        %sub3A_1029 = arith.subf %add3A_741, %mul3A_875 : vector<16xf32>
        %mul3A_1030 = arith.mulf %sub3A_1029, %mul3A_977 : vector<16xf32>
        %get3A_1031 = arith.constant 48 : index
        %get3A_1032 = tpu.vector_load %arg17[%get3A_1031] {strides = array<i32>} : memref<128xf32, #tpu.memory_space<vmem>>, vector<16xf32>,
        %get3A_1033 = vector.shape_cast %get3A_1032 : vector<16xf32> to vector<16xf32>
        %mul3A_1034 = arith.mulf %mul3A_1030, %get3A_1033 : vector<16xf32>
        %get3A_1035 = arith.constant 48 : index
        %get3A_1036 = tpu.vector_load %arg18[%get3A_1035] {strides = array<i32>} : memref<128xf32, #tpu.memory_space<vmem>>, vector<16xf32>,
        %get3A_1037 = vector.shape_cast %get3A_1036 : vector<16xf32> to vector<16xf32>
        %add3A_1038 = arith.addf %mul3A_1034, %get3A_1037 : vector<16xf32>
        %swap3A_1039 = arith.constant 1 : i32
        %swap3A_1040 = arith.index_cast %swap3A_1039 : i32 to index
        %swap3A_1041 = arith.index_cast %add3A_661 : i32 to index
        %swap3A_1042 = arith.constant 48 : index
        %swap3A_1043 = tpu.vector_load %arg14[%swap3A_1040, %swap3A_1041, %swap3A_1042] {strides = array<i32>} : memref<2x128x128xf32, #tpu.memory_space<vmem>>, vector<1x1x16xf32>,
        %swap3A_1044 = vector.shape_cast %swap3A_1043 : vector<1x1x16xf32> to vector<16xf32>
        %swap3A_1045 = vector.shape_cast %add3A_1038 : vector<16xf32> to vector<1x1x16xf32>
        tpu.vector_store %arg14[%swap3A_1040, %swap3A_1041, %swap3A_1042], %swap3A_1045 {strides = array<i32>} : memref<2x128x128xf32, #tpu.memory_space<vmem>>, vector<1x1x16xf32>,
        %sub3A_1046 = arith.subf %add3A_761, %mul3A_875 : vector<16xf32>
        %mul3A_1047 = arith.mulf %sub3A_1046, %mul3A_977 : vector<16xf32>
        %get3A_1048 = arith.constant 64 : index
        %get3A_1049 = tpu.vector_load %arg17[%get3A_1048] {strides = array<i32>} : memref<128xf32, #tpu.memory_space<vmem>>, vector<16xf32>,
        %get3A_1050 = vector.shape_cast %get3A_1049 : vector<16xf32> to vector<16xf32>
        %mul3A_1051 = arith.mulf %mul3A_1047, %get3A_1050 : vector<16xf32>
        %get3A_1052 = arith.constant 64 : index
        %get3A_1053 = tpu.vector_load %arg18[%get3A_1052] {strides = array<i32>} : memref<128xf32, #tpu.memory_space<vmem>>, vector<16xf32>,
        %get3A_1054 = vector.shape_cast %get3A_1053 : vector<16xf32> to vector<16xf32>
        %add3A_1055 = arith.addf %mul3A_1051, %get3A_1054 : vector<16xf32>
        %swap3A_1056 = arith.constant 1 : i32
        %swap3A_1057 = arith.index_cast %swap3A_1056 : i32 to index
        %swap3A_1058 = arith.index_cast %add3A_661 : i32 to index
        %swap3A_1059 = arith.constant 64 : index
        %swap3A_1060 = tpu.vector_load %arg14[%swap3A_1057, %swap3A_1058, %swap3A_1059] {strides = array<i32>} : memref<2x128x128xf32, #tpu.memory_space<vmem>>, vector<1x1x16xf32>,
        %swap3A_1061 = vector.shape_cast %swap3A_1060 : vector<1x1x16xf32> to vector<16xf32>
        %swap3A_1062 = vector.shape_cast %add3A_1055 : vector<16xf32> to vector<1x1x16xf32>
        tpu.vector_store %arg14[%swap3A_1057, %swap3A_1058, %swap3A_1059], %swap3A_1062 {strides = array<i32>} : memref<2x128x128xf32, #tpu.memory_space<vmem>>, vector<1x1x16xf32>,
        %sub3A_1063 = arith.subf %add3A_781, %mul3A_875 : vector<16xf32>
        %mul3A_1064 = arith.mulf %sub3A_1063, %mul3A_977 : vector<16xf32>
        %get3A_1065 = arith.constant 80 : index
        %get3A_1066 = tpu.vector_load %arg17[%get3A_1065] {strides = array<i32>} : memref<128xf32, #tpu.memory_space<vmem>>, vector<16xf32>,
        %get3A_1067 = vector.shape_cast %get3A_1066 : vector<16xf32> to vector<16xf32>
        %mul3A_1068 = arith.mulf %mul3A_1064, %get3A_1067 : vector<16xf32>
        %get3A_1069 = arith.constant 80 : index
        %get3A_1070 = tpu.vector_load %arg18[%get3A_1069] {strides = array<i32>} : memref<128xf32, #tpu.memory_space<vmem>>, vector<16xf32>,
        %get3A_1071 = vector.shape_cast %get3A_1070 : vector<16xf32> to vector<16xf32>
        %add3A_1072 = arith.addf %mul3A_1068, %get3A_1071 : vector<16xf32>
        %swap3A_1073 = arith.constant 1 : i32
        %swap3A_1074 = arith.index_cast %swap3A_1073 : i32 to index
        %swap3A_1075 = arith.index_cast %add3A_661 : i32 to index
        %swap3A_1076 = arith.constant 80 : index
        %swap3A_1077 = tpu.vector_load %arg14[%swap3A_1074, %swap3A_1075, %swap3A_1076] {strides = array<i32>} : memref<2x128x128xf32, #tpu.memory_space<vmem>>, vector<1x1x16xf32>,
        %swap3A_1078 = vector.shape_cast %swap3A_1077 : vector<1x1x16xf32> to vector<16xf32>
        %swap3A_1079 = vector.shape_cast %add3A_1072 : vector<16xf32> to vector<1x1x16xf32>
        tpu.vector_store %arg14[%swap3A_1074, %swap3A_1075, %swap3A_1076], %swap3A_1079 {strides = array<i32>} : memref<2x128x128xf32, #tpu.memory_space<vmem>>, vector<1x1x16xf32>,
        %sub3A_1080 = arith.subf %add3A_801, %mul3A_875 : vector<16xf32>
        %mul3A_1081 = arith.mulf %sub3A_1080, %mul3A_977 : vector<16xf32>
        %get3A_1082 = arith.constant 96 : index
        %get3A_1083 = tpu.vector_load %arg17[%get3A_1082] {strides = array<i32>} : memref<128xf32, #tpu.memory_space<vmem>>, vector<16xf32>,
        %get3A_1084 = vector.shape_cast %get3A_1083 : vector<16xf32> to vector<16xf32>
        %mul3A_1085 = arith.mulf %mul3A_1081, %get3A_1084 : vector<16xf32>
        %get3A_1086 = arith.constant 96 : index
        %get3A_1087 = tpu.vector_load %arg18[%get3A_1086] {strides = array<i32>} : memref<128xf32, #tpu.memory_space<vmem>>, vector<16xf32>,
        %get3A_1088 = vector.shape_cast %get3A_1087 : vector<16xf32> to vector<16xf32>
        %add3A_1089 = arith.addf %mul3A_1085, %get3A_1088 : vector<16xf32>
        %swap3A_1090 = arith.constant 1 : i32
        %swap3A_1091 = arith.index_cast %swap3A_1090 : i32 to index
        %swap3A_1092 = arith.index_cast %add3A_661 : i32 to index
        %swap3A_1093 = arith.constant 96 : index
        %swap3A_1094 = tpu.vector_load %arg14[%swap3A_1091, %swap3A_1092, %swap3A_1093] {strides = array<i32>} : memref<2x128x128xf32, #tpu.memory_space<vmem>>, vector<1x1x16xf32>,
        %swap3A_1095 = vector.shape_cast %swap3A_1094 : vector<1x1x16xf32> to vector<16xf32>
        %swap3A_1096 = vector.shape_cast %add3A_1089 : vector<16xf32> to vector<1x1x16xf32>
        tpu.vector_store %arg14[%swap3A_1091, %swap3A_1092, %swap3A_1093], %swap3A_1096 {strides = array<i32>} : memref<2x128x128xf32, #tpu.memory_space<vmem>>, vector<1x1x16xf32>,
        %sub3A_1097 = arith.subf %add3A_821, %mul3A_875 : vector<16xf32>
        %mul3A_1098 = arith.mulf %sub3A_1097, %mul3A_977 : vector<16xf32>
        %get3A_1099 = arith.constant 112 : index
        %get3A_1100 = tpu.vector_load %arg17[%get3A_1099] {strides = array<i32>} : memref<128xf32, #tpu.memory_space<vmem>>, vector<16xf32>,
        %get3A_1101 = vector.shape_cast %get3A_1100 : vector<16xf32> to vector<16xf32>
        %mul3A_1102 = arith.mulf %mul3A_1098, %get3A_1101 : vector<16xf32>
        %get3A_1103 = arith.constant 112 : index
        %get3A_1104 = tpu.vector_load %arg18[%get3A_1103] {strides = array<i32>} : memref<128xf32, #tpu.memory_space<vmem>>, vector<16xf32>,
        %get3A_1105 = vector.shape_cast %get3A_1104 : vector<16xf32> to vector<16xf32>
        %add3A_1106 = arith.addf %mul3A_1102, %get3A_1105 : vector<16xf32>
        %swap3A_1107 = arith.constant 1 : i32
        %swap3A_1108 = arith.index_cast %swap3A_1107 : i32 to index
        %swap3A_1109 = arith.index_cast %add3A_661 : i32 to index
        %swap3A_1110 = arith.constant 112 : index
        %swap3A_1111 = tpu.vector_load %arg14[%swap3A_1108, %swap3A_1109, %swap3A_1110] {strides = array<i32>} : memref<2x128x128xf32, #tpu.memory_space<vmem>>, vector<1x1x16xf32>,
        %swap3A_1112 = vector.shape_cast %swap3A_1111 : vector<1x1x16xf32> to vector<16xf32>
        %swap3A_1113 = vector.shape_cast %add3A_1106 : vector<16xf32> to vector<1x1x16xf32>
        tpu.vector_store %arg14[%swap3A_1108, %swap3A_1109, %swap3A_1110], %swap3A_1113 {strides = array<i32>} : memref<2x128x128xf32, #tpu.memory_space<vmem>>, vector<1x1x16xf32>,
        %scan3A_1114 = arith.constant 0 : i32
        scf.yield %scan3A_1114 : i32
      }
      %scan3A_193 = arith.constant 64 : i32
      %mul3A_194 = arith.constant 128 : i32
      %mul3A_195 = arith.muli %add3A_138, %mul3A_194 : i32
      %add3A_196 = arith.addi %mul3A_2, %mul3A_195 : i32
      %dma_start3A_197 = arith.constant 1 : i32
      %dma_start3A_198 = arith.constant 0 : i32
      %dma_start3A_199 = arith.constant 0 : i32
      %dma_start3A_200 = tpu.memref_slice %arg14[%dma_start3A_197, %dma_start3A_198, %dma_start3A_199] : memref<2x128x128xf32, #tpu.memory_space<vmem>> -> memref<1x128x128xf32, #tpu.memory_space<vmem>>
      %dma_start3A_201 = tpu.memref_squeeze %dma_start3A_200 : memref<1x128x128xf32, #tpu.memory_space<vmem>> -> memref<128x128xf32, #tpu.memory_space<vmem>>
      %dma_start3A_202 = arith.constant 0 : i32
      %dma_start3A_203 = tpu.memref_slice %arg10[%add3A_196, %dma_start3A_202] : memref<819200x128xf32, #tpu.memory_space<hbm>> -> memref<128x128xf32, #tpu.memory_space<hbm>>
      %dma_start3A_204 = arith.constant 0 : i32
      %dma_start3A_205 = tpu.memref_slice %arg10[%add3A_196, %dma_start3A_204] : memref<819200x128xf32, #tpu.memory_space<hbm>> -> memref<128x128xf32, #tpu.memory_space<hbm>>
      %dma_start3A_206 = arith.constant 0 : i32
      %dma_start3A_207 = arith.constant 0 : i32
      %dma_start3A_208 = tpu.memref_slice %arg14[%dma_start3A_197, %dma_start3A_206, %dma_start3A_207] : memref<2x128x128xf32, #tpu.memory_space<vmem>> -> memref<1x128x128xf32, #tpu.memory_space<vmem>>
      %dma_start3A_209 = tpu.memref_squeeze %dma_start3A_208 : memref<1x128x128xf32, #tpu.memory_space<vmem>> -> memref<128x128xf32, #tpu.memory_space<vmem>>
      tpu.enqueue_dma source(%dma_start3A_209 : memref<128x128xf32, #tpu.memory_space<vmem>>) target(%dma_start3A_205 : memref<128x128xf32, #tpu.memory_space<hbm>>) target_semaphore(%arg26 : memref<!tpu.dma_semaphore, #tpu.memory_space<semaphore_mem>>)
      %scan3A_210 = arith.constant 0 : i32
      scf.yield %scan3A_210 : i32
    }
    %scan3A_47 = arith.constant 100 : i32
    %add3A_48 = arith.constant 25472 : i32
    %add3A_49 = arith.addi %mul3A_2, %add3A_48 : i32
    %dma_wait3A = arith.constant 1 : i32
    %dma_wait3A_50 = arith.constant 0 : i32
    %dma_wait3A_51 = arith.constant 0 : i32
    %dma_wait3A_52 = tpu.memref_slice %arg14[%dma_wait3A, %dma_wait3A_50, %dma_wait3A_51] : memref<2x128x128xf32, #tpu.memory_space<vmem>> -> memref<1x128x128xf32, #tpu.memory_space<vmem>>
    %dma_wait3A_53 = tpu.memref_squeeze %dma_wait3A_52 : memref<1x128x128xf32, #tpu.memory_space<vmem>> -> memref<128x128xf32, #tpu.memory_space<vmem>>
    %dma_wait3A_54 = arith.constant 0 : i32
    %dma_wait3A_55 = tpu.memref_slice %arg10[%add3A_49, %dma_wait3A_54] : memref<819200x128xf32, #tpu.memory_space<hbm>> -> memref<128x128xf32, #tpu.memory_space<hbm>>
    %dma_wait3A_56 = arith.constant 0 : i32
    %dma_wait3A_57 = tpu.memref_slice %arg10[%add3A_49, %dma_wait3A_56] : memref<819200x128xf32, #tpu.memory_space<hbm>> -> memref<128x128xf32, #tpu.memory_space<hbm>>
    %dma_wait3A_58 = arith.constant 0 : i32
    %dma_wait3A_59 = arith.constant 0 : i32
    %dma_wait3A_60 = tpu.memref_slice %arg14[%dma_wait3A, %dma_wait3A_58, %dma_wait3A_59] : memref<2x128x128xf32, #tpu.memory_space<vmem>> -> memref<1x128x128xf32, #tpu.memory_space<vmem>>
    %dma_wait3A_61 = tpu.memref_squeeze %dma_wait3A_60 : memref<1x128x128xf32, #tpu.memory_space<vmem>> -> memref<128x128xf32, #tpu.memory_space<vmem>>
    tpu.wait_dma2 semaphore(%arg26 : memref<!tpu.dma_semaphore, #tpu.memory_space<semaphore_mem>>) src(%dma_wait3A_61 : memref<128x128xf32, #tpu.memory_space<vmem>>) dst(%dma_wait3A_57 : memref<128x128xf32, #tpu.memory_space<hbm>>)
    return
  }
}

</mosaic_0001>

<sc_bundles>
// kernel: _run.3.cloned.1.call-start
scs
__scs_entry_jumppad:
0x0: {  	(pc) =	sbr.rel $0x88, $3  }
0x1: {  	(tag) =	ssettag $0x0;
	lr =	simm.s32 $0x1  }
0x2: {  	[smem:$0x3F99] =	sst lr;
	_ =	strace $0xD0000000  }
0x3: {  	_ = 	snop  }
0x4: {  	_ = 	snop  }
0x5: {  	_ = 	snop  }
0x6: {  	_ = 	snop  }
0x7: {  	_ = 	snop  }
__scs_overlays_trampoline_lowered:
0x8: {  	[smem:$0x3FA8] =	sst s0  }
0x9: {  	[smem:$0x3FA9] =	sst s1  }
0xa: {  	[smem:$0x3FAA] =	sst s2  }
0xb: {  	[smem:$0x3FAB] =	sst s3  }
0xc: {  	[smem:$0x3FAC] =	sst s4  }
0xd: {  	[smem:$0x3FAD] =	sst s5  }
0xe: {  	[smem:$0x3FAE] =	sst s6  }
0xf: {  	[smem:$0x3FAF] =	sst s7  }
0x10: {  	[smem:$0x3FB0] =	sst s8  }
0x11: {  	[smem:$0x3FB1] =	sst s9;
	s0 =	simm.s32 @!p0 $0x0  }
0x12: {  	s1 =	sld [smem:$0x3F97];
	s0 =	simm.s32 @p0 $0x1  }
0x13: {  	[smem:$0x3FB2] =	sst s0;
	s0 =	simm.s32 @!p1 $0x0  }
0x14: {  	s2 =	sld [smem:$0x3F96];
	s0 =	simm.s32 @p1 $0x1  }
0x15: {  	[smem:$0x3FB3] =	sst s0;
	s0 =	simm.s32 @!p2 $0x0  }
0x16: {  	s3 =	sld [smem:$0x3FDB];
	s0 =	simm.s32 @p2 $0x1  }
0x17: {  	s4 =	simm.s32 $0x1BF5;
	[smem:$0x3FB5] =	sst s0  }
0x18: {  	s0 =	sld [smem:$0x3F98];
	_ =	swait.ge [sflag:s4], $0x0  }
0x19: {  	s7 =	sld [smem:$0x3F99]  }
0x1a: {  	s8 =	sadd.s32 $0xFFFFE003, lr  }
0x1b: {  	s9 =	sadd.s32 $0xFFFFFEF7, lr;
	s5 =	simm.s32 $0xFFFFFFFF;
	p2 =	slt.u32 s8, $0xFFFFF086  }
0x1c: {  	p1 =	slt.u32 s9, $0xF7A;
	s5 =	simm.s32 @!p2 $0x0  }
0x1d: {  	s5 =	simm.s32 @p1 $0x1;
	p0 =	seq.s32 s7, s2  }
0x1e: {  	s7 =	smul.u32 @!p0 $0xF7A, s2;
	p2 =	seq.s32 @!p0 s5, $0x0  }
0x1f: {  	s9 =	smul.u32 $0xF7A, s1;
	s8 =	simm.s32 @!p0 $0x1BF5;
	p2 =	por !p2, p0  }
0x20: {  	[sflag:s8] =	ssyncset.s32 @!p0 $0xFFFFF086;
	s6 =	sadd.s32 @!p0 s3, s7;
	s7 =	simm.s32 @!p0 $0x108  }
0x21: {  	s3 =	sadd.s32 s3, s9;
	s6 =	sadd.s32 @!p0 $0x88, s6;
	s7 =	simm.s32 @p2 $0x1082  }
0x22: {  	[simem:s7], [sflag:s8] =	dma.local @!p0 [hbm:s6], $0xF7A  }
0x23: {  	s9 =	sor.u32 $0xD0000000, s2;
	s6 =	simm.s32 $0x108;
	_ =	swait.ge @!p0 [sflag:s8], $0x0  }
0x24: {  	s3 =	sadd.s32 $0x88, s3;
	s6 =	simm.s32 @!p1 $0x1082;
	[sflag:s4] =	ssyncset.s32 $0xFFFFF086  }
0x25: {  	[simem:s6], [sflag:s4] =	dma.local [hbm:s3], $0xF7A  }
0x26: {  	[smem:$0x3F99] =	sst s1;
	(tag) =	ssettag s2;
	_ =	strace s9  }
0x27: {  	s1 =	sld [smem:$0x3FA9]  }
0x28: {  	s2 =	sld [smem:$0x3FAA]  }
0x29: {  	s4 =	sld [smem:$0x3FAC]  }
0x2a: {  	p0 =	seq.s32 s5, $0x0;
	s5 =	sld [smem:$0x3FAD]  }
0x2b: {  	s6 =	sld [smem:$0x3FAE]  }
0x2c: {  	s7 =	sld [smem:$0x3FAF]  }
0x2d: {  	s3 =	simm.s32 $0x108;
	s8 =	sld [smem:$0x3FB0]  }
0x2e: {  	s3 =	simm.s32 @!p0 $0x1082;
	s9 =	sld [smem:$0x3FB1]  }
0x2f: {  	lr =	sadd.s32 s0, s3;
	s0 =	sld [smem:$0x3FA8]  }
0x30: {  	s3 =	sld [smem:$0x3FAB]  }
0x31: {  	[smem:$0x3FB4] =	sst s10  }
0x32: {  	s10 =	sld [smem:$0x3FB2];
	_ =	sdelay $0x3  }
0x33: {  	p0 =	seq.s32 s10, $0x1;
	s10 =	sld [smem:$0x3FB4];
	_ =	sdelay $0x3  }
0x34: {  	[smem:$0x3FB4] =	sst s10  }
0x35: {  	s10 =	sld [smem:$0x3FB3];
	_ =	sdelay $0x3  }
0x36: {  	p1 =	seq.s32 s10, $0x1;
	s10 =	sld [smem:$0x3FB4];
	_ =	sdelay $0x3  }
0x37: {  	[smem:$0x3FB4] =	sst s10  }
0x38: {  	s10 =	sld [smem:$0x3FB5]  }
0x39: {  	_ = 	snop;
	(pc) =	sbr.ind lr, $3  }
0x3a: {  	_ = 	snop  }
0x3b: {  	_ = 	snop  }
0x3c: {  	p2 =	seq.s32 s10, $0x1;
	s10 =	sld [smem:$0x3FB4]  }
0x3d: {  	_ =	shalt  }
0x3e: {  	_ =	shalt  }
0x3f: {  	_ =	shalt  }
0x40: {  	_ =	shalt  }
0x41: {  	_ =	shalt  }
0x42: {  	_ =	shalt  }
0x43: {  	_ =	shalt  }
0x44: {  	_ =	shalt  }
0x45: {  	_ =	shalt  }
0x46: {  	_ =	shalt  }
0x47: {  	_ =	shalt  }
0x48: {  	_ =	shalt  }
0x49: {  	_ =	shalt  }
0x4a: {  	_ =	shalt  }
0x4b: {  	_ =	shalt  }
0x4c: {  	_ =	shalt  }
0x4d: {  	_ =	shalt  }
0x4e: {  	_ =	shalt  }
0x4f: {  	_ =	shalt  }
0x50: {  	_ =	shalt  }
0x51: {  	_ =	shalt  }
0x52: {  	_ =	shalt  }
0x53: {  	_ =	shalt  }
0x54: {  	_ =	shalt  }
0x55: {  	_ =	shalt  }
0x56: {  	_ =	shalt  }
0x57: {  	_ =	shalt  }
0x58: {  	_ =	shalt  }
0x59: {  	_ =	shalt  }
0x5a: {  	_ =	shalt  }
0x5b: {  	_ =	shalt  }
0x5c: {  	_ =	shalt  }
0x5d: {  	_ =	shalt  }
0x5e: {  	_ =	shalt  }
0x5f: {  	_ =	shalt  }
0x60: {  	_ =	shalt  }
0x61: {  	_ =	shalt  }
0x62: {  	_ =	shalt  }
0x63: {  	_ =	shalt  }
0x64: {  	_ =	shalt  }
0x65: {  	_ =	shalt  }
0x66: {  	_ =	shalt  }
0x67: {  	_ =	shalt  }
0x68: {  	_ =	shalt  }
0x69: {  	_ =	shalt  }
0x6a: {  	_ =	shalt  }
0x6b: {  	_ =	shalt  }
0x6c: {  	_ =	shalt  }
0x6d: {  	_ =	shalt  }
0x6e: {  	_ =	shalt  }
0x6f: {  	_ =	shalt  }
0x70: {  	_ =	shalt  }
0x71: {  	_ =	shalt  }
0x72: {  	_ =	shalt  }
0x73: {  	_ =	shalt  }
0x74: {  	_ =	shalt  }
0x75: {  	_ =	shalt  }
0x76: {  	_ =	shalt  }
0x77: {  	_ =	shalt  }
0x78: {  	_ =	shalt  }
0x79: {  	_ =	shalt  }
0x7a: {  	_ =	shalt  }
0x7b: {  	_ =	shalt  }
0x7c: {  	_ =	shalt  }
0x7d: {  	_ =	shalt  }
0x7e: {  	_ =	shalt  }
0x7f: {  	_ =	shalt  }
0x80: {  	_ =	shalt  }
0x81: {  	_ =	shalt  }
0x82: {  	_ =	shalt  }
0x83: {  	_ =	shalt  }
0x84: {  	_ =	shalt  }
0x85: {  	_ =	shalt  }
0x86: {  	_ =	shalt  }
0x87: {  	_ =	shalt  }
.Lfunc_end0:
.L_simem_size_0:
called_computation_lowered:
.L_overlay_start_0:
0x88: {  	s2 =	sld [smem:$0x3FD9]  }
0x89: {  	s3 =	sld [smem:$0x3FFE];
	_ =	sdelay $0x1  }
0x8a: {  	s1 =	srdreg.scid  }
0x8b: {  	s0 =	sand.u32 $0x1, s1  }
0x8c: {  	s18 =	sshll.u32 s0, $0xA;
	s2 =	sadd.s32 s3, s2  }
0x8d: {  	s2 =	sadd.s32 s2, s18  }
0x8e: {  	[smem:$0x3FC0] =	sst s2  }
0x8f: {  	_ = 	snop  }
0x90: {  	s2 =	sld [smem:$0x3FC9]  }
0x91: {  	s19 =	sld [smem:$0x3FC8]  }
0x92: {  	s4 =	sld [smem:$0x3FC7]  }
0x93: {  	s5 =	sld [smem:$0x3FC6]  }
0x94: {  	s6 =	sld [smem:$0x3FC5]  }
0x95: {  	s7 =	sld [smem:$0x3FC4]  }
0x96: {  	s8 =	sld [smem:$0x3FC3]  }
0x97: {  	s9 =	sld [smem:$0x3FC2]  }
0x98: {  	s10 =	sld [smem:$0x3FD0];
	(tm) =	ssettm $0x1  }
0x99: {  	s11 =	sld [smem:$0x3FFB];
	_ =	sdelay $0x3  }
0x9a: {  	_ =	strace s11  }
0x9b: {  	s11 =	sld [smem:$0x3FFC];
	_ =	sdelay $0x3  }
0x9c: {  	_ =	strace s11  }
0x9d: {  	s11 =	sld [smem:$0x3FFD];
	_ =	sdelay $0x3  }
0x9e: {  	_ =	strace s11  }
0x9f: {  	_ =	strace $0x8FFFFFFF  }
0xa0: {  	s20 =	sld [smem:$0x3FDB];
	_ =	sdelay $0x1  }
0xa1: {  	s12 =	simm.s32 $_scs_section_size  }
0xa2: {  	s13 =	simm.s32 $_size__tile_overlayer_lowered;
	s14 =	simm.s32 $_tile_overlayer_lowered  }
0xa3: {  	s23 =	simm.s32 $0x1BFF;
	s22 =	sshll.u32 s14, $0x1;
	s11 =	sadd.s32 s12, s20  }
0xa4: {  	s15 =	simm.s32 $0x0;
	s21 =	sshll.u32 s13, $0x1;
	s13 =	sadd.s32 s22, s11  }
0xa5: {  	[timem:s15], [sflag:s23] =	dma.local [hbm:s13], s21  }
0xa6: {  	_ =	swait.ge [sflag:s23], s21  }
0xa7: {  	s12 =	ssub.s32 $0x0, s21;
	[sflag:s23] =	ssyncset.done $0x0  }
0xa8: {  	[sflag:s23] =	ssyncadd.s32 s12;
	_ =	sdelay $0x1  }
0xa9: {  	s24 =	simm.s32 $0x1B8B  }
0xaa: {  	_ =	swait.ge [sflag:s24], $0x1  }
0xab: {  	[sflag:s24] =	ssyncset.done $0x0  }
0xac: {  	s25 =	simm.s32 $0x1B8E;
	[sflag:s24] =	ssyncadd.s32 $0xFFFFFFFF  }
0xad: {  	s26 =	simm.s32 $execute0_lowered;
	[smem:$0x3FD2] =	sst s25  }
0xae: {  	s12 =	sshll.u32 s26, $0x1;
	_ =	strace $0x80000046;
	[dreg:$0x1] =	wrdreg $0xFFFFFFFF  }
0xaf: {  	s28 =	simm.s32 $_size_execute0_lowered;
	s11 =	sadd.s32 s11, s12;
	[dreg:$0x0] =	wrdreg $0x0  }
0xb0: {  	s12 =	sshll.u32 s28, $0x1;
	[dreg:$0x2] =	wrdreg s11  }
0xb1: {  	[dreg:$0x3] =	wrdreg s12  }
0xb2: {  	[dreg:$0x4] =	wrdreg $0xC0  }
0xb3: {  	_ =	task [dreg:s15], $0x5FFFF  }
0xb4: {  	[dreg:$0x1] =	wrdreg $0xFFFFFFFF  }
0xb5: {  	[dreg:$0x0] =	wrdreg $0x60  }
0xb6: {  	[dreg:$0x2] =	wrdreg s2  }
0xb7: {  	[dreg:$0x3] =	wrdreg s19  }
0xb8: {  	[dreg:$0x4] =	wrdreg s4  }
0xb9: {  	[dreg:$0x5] =	wrdreg s5  }
0xba: {  	[dreg:$0x6] =	wrdreg s6  }
0xbb: {  	[dreg:$0x7] =	wrdreg s7  }
0xbc: {  	[dreg:$0x8] =	wrdreg s8  }
0xbd: {  	[dreg:$0x9] =	wrdreg s9  }
0xbe: {  	[dreg:$0xa] =	wrdreg s10  }
0xbf: {  	[dreg:$0xb] =	wrdreg $0x9  }
0xc0: {  	_ =	task.clear_ibuf [dreg:s15], $0xCFFFF;
	_ =	strace $0x90000046  }
0xc1: {  	s29 =	simm.s32 $0x9;
	_ =	strace $0x80000048  }
0xc2: {  	_ =	swait.ge [sflag:s29], $0x1  }
0xc3: {  	[sflag:s29] =	ssyncadd.s32 $0xFFFFFFFF  }
0xc4: {  	_ =	strace $0x90000048  }
0xc5: {  	_ =	sfence  }
0xc6: {  	s30 =	sld [smem:$0x0];
	_ =	sdelay $0x2  }
0xc7: {  	s31 =	sshll.u32 s1, $0xD;
	s1 =	sshrl.u32 s1, $0x2  }
0xc8: {  	s3 =	sand.u32 $0x4000, s31;
	s1 =	sadd.s32 s1, s30  }
0xc9: {  	s0 =	sor.u32 s3, s0;
	s1 =	sshll.u32 s1, $0x11  }
0xca: {  	s0 =	sor.u32 s1, s0  }
0xcb: {  	s0 =	sadd.s32 $0x8F2B, s0  }
0xcc: {  	[sflag:s0] =	ssyncadd.remote.s32 $0x1  }
0xcd: {  	_ =	sfence.sel $0xFFFF  }
0xce: {  	[dreg:$0x0] =	wrdreg $0xFFFFFFFF;
	(pc) =	sbr.abs _section_cstart, $3  }
0xcf: {  	[dreg:$0x1] =	wrdreg $0xFFFFFFFF  }
0xd0: {  	_ =	task.clear_ibuf [dreg:s15], $0x2FFFF;
	_ =	strace $0x9FFFFFFF  }
0xd1: {  	(tm) =	ssettm $0x7FFFFFFF  }
tec
execute0_lowered:
.L_overlay_start_1:
0x0: {  	(tag) =	ssettag $0x1  }
0x1: {  	s0 =	rddreg [dreg:$0x0]  }
0x2: {  	s1 =	rddreg [dreg:$0x1]  }
0x3: {  	s2 =	rddreg [dreg:$0x2]  }
0x4: {  	s3 =	rddreg [dreg:$0x3]  }
0x5: {  	s5 =	rddreg [dreg:$0x4]  }
0x6: {  	s6 =	rddreg [dreg:$0x5]  }
0x7: {  	s4 =	srdreg.scid;
	s7 =	stileid.u32  }
0x8: {  	s10 =	rddreg [dreg:$0x8];
	v0 =	vimm.s32 $0xFEDCBA98;
	s11 =	simm.s32 $0x0;
	v1 =	vimm.s32 $0x76543210;
	s17 =	simm.s32 $0x9  }
0x9: {  	v2 =	vimm.s32 $0x3210FEDC;
	v3 =	vimm.s32 $0xBA987654;
	v4 =	vimm.s32 $0x10FEDCBA;
	s29 =	simm.s32 $0x1;
	s30 =	simm.s32 $0x3;
	s31 =	simm.s32 $0x5  }
0xa: {  	v5 =	vimm.s32 $0x98765432;
	v6 =	vimm.s32 $0xFEDCBA9;
	v7 =	vimm.s32 $0x87654321;
	s21 =	simm.s32 $0x2;
	s4 =	sand.u32 $0x1, s4;
	s7 =	sshll.u32 s7, $0x1  }
0xb: {  	s28 =	simm.s32 $0x6;
	v0 =	vunpack.c.l.s4.s8 v0;
	v1 =	vunpack.c.l.s4.s8 v1;
	v2 =	vunpack.c.l.s4.s8 v2;
	s7 =	sor.u32 s4, s7;
	s4 =	ssub.s32 $0x2, s4  }
0xc: {  	s22 =	simm.s32 $0x7;
	v3 =	vunpack.c.l.s4.s8 v3;
	v4 =	vunpack.c.l.s4.s8 v4;
	v5 =	vunpack.c.l.s4.s8 v5;
	s12 =	smul.u32 $0x6400, s7;
	s8 =	sshrl.u32 s4, $0x1  }
0xd: {  	s14 =	simm.s32 $0x0;
	[smem:$0x7FF] =	sst s11;
	v6 =	vunpack.c.l.s4.s8 v6;
	v7 =	vunpack.c.l.s4.s8 v7;
	v0 =	vunpack.c.0.s8.s32 v0;
	s4 =	ssub.s32 s4, s8  }
0xe: {  	_ =	strace $0x80000047;
	v2 =	vunpack.c.0.s8.s32 v2;
	v3 =	vunpack.c.0.s8.s32 v3;
	v4 =	vunpack.c.0.s8.s32 v4;
	s9 =	sshrl.u32 s12, $0x3;
	s4 =	smax.u32 s4, $0x1  }
0xf: {  	s15 =	smul.u32 $0x320000, s7;
	v5 =	vunpack.c.0.s8.s32 v5;
	v6 =	vunpack.c.0.s8.s32 v6;
	v7 =	vunpack.c.0.s8.s32 v7;
	s24 =	sadd.s32 s0, s9;
	[dreg:$0xd] =	wrdreg s4  }
0x10: {  	v1 =	vunpack.c.0.s8.s32 v1;
	s7 =	simm.s32 $0x4300;
	v2 =	vcombine.low v3, v2;
	s25 =	sadd.s32 s1, s9;
	[dreg:$0xa] =	wrdreg s24  }
0x11: {  	s8 =	simm.s32 $0x180;
	v3 =	vcombine.low v5, v4;
	v4 =	vcombine.low v7, v6;
	v0 =	vand.u32 $0xF, v0;
	s26 =	sadd.s32 s2, s9;
	[dreg:$0xb] =	wrdreg s25  }
0x12: {  	s19 =	sor.u32 $0x100, s12;
	s4 =	simm.s32 $0x280;
	v0 =	vcombine.low v0, v1;
	[dreg:$0xc] =	wrdreg s26  }
0x13: {  	s24 =	simm.s32 $0x80;
	s25 =	simm.s32 $0x300;
	s26 =	simm.s32 $0x4;
	v1 =	vand.u32 $0xF, v2;
	v2 =	vand.u32 $0xF, v3;
	v3 =	vand.u32 $0xF, v4  }
.LBB2_1:
0x14: {  	[dreg:$0xe] =	wrdreg s14  }
0x15: {  	s9 =	rddreg [dreg:$0x6];
	s13 =	simm.s32 $0x18300  }
0x16: {  	[tilespmem:s13], [sflag:$0x9] =	stream.linear.gather [hbm4b:s9+s11], $0x80, $0x38;
	[tilespmem:$0x18400] =	vst v63  }
0x17: {  	_ =	swait.ge [sflag:s17], $0x80  }
0x18: {  	[sflag:s17] =	ssyncset.done $0x0  }
0x19: {  	[sflag:s17] =	ssyncadd.s32 $0xFFFFFF80  }
0x1a: {  	s20 =	simm.s32 $0x18380;
	s18 =	rddreg [dreg:$0x7]  }
0x1b: {  	[tilespmem:s20], [sflag:$0x9] =	stream.linear.gather [hbm4b:s18+s11], $0x80, $0x38;
	[tilespmem:$0x18400] =	vst v63  }
0x1c: {  	_ =	swait.ge [sflag:s17], $0x80  }
0x1d: {  	[sflag:s17] =	ssyncset.done $0x0  }
0x1e: {  	s23 =	rddreg [dreg:$0xa];
	[sflag:s17] =	ssyncadd.s32 $0xFFFFFF80  }
0x1f: {  	[tilespmem:s11], [sflag:$0x9] =	stream.linear.gather [hbm4b:s23+s11], $0x80, $0x38;
	[tilespmem:$0x18400] =	vst v63  }
0x20: {  	_ =	swait.ge [sflag:s17], $0x80  }
0x21: {  	[sflag:s17] =	ssyncset.done $0x0  }
0x22: {  	s14 =	simm.s32 $0x100;
	s13 =	rddreg [dreg:$0xb];
	[sflag:s17] =	ssyncadd.s32 $0xFFFFFF80  }
0x23: {  	[tilespmem:s14], [sflag:$0x9] =	stream.linear.gather [hbm4b:s13+s11], $0x80, $0x38;
	[tilespmem:$0x18400] =	vst v63  }
0x24: {  	_ =	swait.ge [sflag:s17], $0x80  }
0x25: {  	[sflag:s17] =	ssyncset.done $0x0  }
0x26: {  	s18 =	simm.s32 $0x200;
	s16 =	rddreg [dreg:$0xc];
	[sflag:s17] =	ssyncadd.s32 $0xFFFFFF80  }
0x27: {  	[tilespmem:s18], [sflag:$0x9] =	stream.linear.gather [hbm4b:s16+s11], $0x80, $0x38;
	[tilespmem:$0x18400] =	vst v63  }
0x28: {  	_ =	swait.ge [sflag:s17], $0x80  }
0x29: {  	[sflag:s17] =	ssyncset.done $0x0  }
0x2a: {  	[sflag:s17] =	ssyncadd.s32 $0xFFFFFF80  }
0x2b: {  	[tilespmem:s25], [sflag:$0x1] =	stream.indirect.gather [hbm4b:s3+s24], $0x80, s11, s24, $0xb8;
	[tilespmem:$0x18400] =	vst v63  }
0x2c: {  	s20 =	simm.s32 $0x8300  }
0x2d: {  	[tilespmem:s20], [sflag:$0x3] =	stream.indirect.gather [hbm4b:s5+s24], $0x80, s14, s24, $0xb8;
	[tilespmem:$0x18400] =	vst v63  }
0x2e: {  	s23 =	simm.s32 $0x10300;
	s14 =	simm.s32 $0x0  }
0x2f: {  	[tilespmem:s23], [sflag:$0x5] =	stream.indirect.gather [hbm4b:s6+s24], $0x80, s18, s24, $0xb8;
	[tilespmem:$0x18400] =	vst v63  }
.LBB2_2:
0x30: {  	_ =	swait.ge [sflag:s29], $0x4000  }
0x31: {  	[sflag:s29] =	ssyncset.done $0x0  }
0x32: {  	[sflag:s29] =	ssyncadd.s32 $0xFFFFC000  }
0x33: {  	_ =	swait.ge [sflag:s30], $0x4000  }
0x34: {  	[sflag:s30] =	ssyncset.done $0x0  }
0x35: {  	[sflag:s30] =	ssyncadd.s32 $0xFFFFC000  }
0x36: {  	s9 =	sshll.u32 s14, $0x1;
	_ =	swait.ge [sflag:s31], $0x4000  }
0x37: {  	p0 =	seq.s32 s14, $0x0;
	s18 =	sor.u32 $0x1, s9;
	[sflag:s31] =	ssyncset.done $0x0  }
0x38: {  	s9 =	simm.s32 @!p0 $0x8;
	s13 =	sshll.u32 s18, $0x7;
	[sflag:s31] =	ssyncadd.s32 $0xFFFFC000  }
0x39: {  	s13 =	sadd.s32 s12, s13;
	_ =	swait.ge @!p0 [sflag:s9], $0x4000  }
0x3a: {  	s13 =	sshrl.u32 s13, $0x3;
	[sflag:s9] =	ssyncset.done @!p0 $0x0  }
0x3b: {  	s20 =	simm.s32 $0x0;
	s16 =	sadd.s32 s0, s13;
	[sflag:s9] =	ssyncadd.s32 @!p0 $0xFFFFC000  }
0x3c: {  	[tilespmem:s24], [sflag:$0x9] =	stream.linear.gather [hbm4b:s16+s20], $0x80, $0x38;
	[tilespmem:$0x18400] =	vst v63  }
0x3d: {  	_ =	swait.ge [sflag:s17], $0x80  }
0x3e: {  	[sflag:s17] =	ssyncset.done $0x0  }
0x3f: {  	s23 =	sadd.s32 s1, s13;
	[sflag:s17] =	ssyncadd.s32 $0xFFFFFF80  }
0x40: {  	[tilespmem:s8], [sflag:$0x9] =	stream.linear.gather [hbm4b:s23+s20], $0x80, $0x38;
	[tilespmem:$0x18400] =	vst v63  }
0x41: {  	_ =	swait.ge [sflag:s17], $0x80  }
0x42: {  	[sflag:s17] =	ssyncset.done $0x0  }
0x43: {  	s16 =	sadd.s32 s2, s13;
	[sflag:s17] =	ssyncadd.s32 $0xFFFFFF80  }
0x44: {  	[tilespmem:s4], [sflag:$0x9] =	stream.linear.gather [hbm4b:s16+s20], $0x80, $0x38;
	[tilespmem:$0x18400] =	vst v63  }
0x45: {  	_ =	swait.ge [sflag:s17], $0x80  }
0x46: {  	[sflag:s17] =	ssyncset.done $0x0  }
0x47: {  	[sflag:s17] =	ssyncadd.s32 $0xFFFFFF80  }
0x48: {  	[tilespmem:s7], [sflag:$0x2] =	stream.indirect.gather [hbm4b:s3+s24], $0x80, s24, s24, $0xb8;
	[tilespmem:$0x18400] =	vst v63  }
0x49: {  	s20 =	simm.s32 $0xC300  }
0x4a: {  	[tilespmem:s20], [sflag:$0x4] =	stream.indirect.gather [hbm4b:s5+s24], $0x80, s8, s24, $0xb8;
	[tilespmem:$0x18400] =	vst v63  }
0x4b: {  	s23 =	simm.s32 $0x14300;
	s20 =	simm.s32 $0x0  }
0x4c: {  	[tilespmem:s23], [sflag:$0x6] =	stream.indirect.gather [hbm4b:s6+s24], $0x80, s4, s24, $0xb8;
	[tilespmem:$0x18400] =	vst v63  }
0x4d: {  	v4 =	vld [tilespmem:s20+$0x8300]  }
0x4e: {  	v7 =	vld [tilespmem:s20+$0x8310]  }
0x4f: {  	v9 =	vld [tilespmem:s20+$0x8320]  }
0x50: {  	v5 =	vld [tilespmem:s20+$0x10350]  }
0x51: {  	v10 =	vld [tilespmem:s20+$0x8330]  }
0x52: {  	v6 =	vld [tilespmem:s20+$0x8340]  }
0x53: {  	v8 =	vld [tilespmem:s20+$0x8350]  }
0x54: {  	v11 =	vld [tilespmem:s20+$0x350]  }
0x55: {  	v12 =	vld [tilespmem:s20+$0x340]  }
0x56: {  	v13 =	vld [tilespmem:s20+$0x10340]  }
0x57: {  	v14 =	vld [tilespmem:s20+$0x8360]  }
0x58: {  	v15 =	vld [tilespmem:s20+$0x360]  }
0x59: {  	v16 =	vld [tilespmem:s20+$0x10360]  }
0x5a: {  	v17 =	vld [tilespmem:s20+$0x8370]  }
0x5b: {  	v18 =	vld [tilespmem:s20+$0x10310]  }
0x5c: {  	v19 =	vld [tilespmem:s20+$0x10330]  }
0x5d: {  	v20 =	vld [tilespmem:s20+$0x330]  }
0x5e: {  	v21 =	vld [tilespmem:s20+$0x320];
	v11 =	vadd.f32 v8, v11;
	v6 =	vadd.f32 v6, v12  }
0x5f: {  	v12 =	vld [tilespmem:s20+$0x10320]  }
0x60: {  	v8 =	vadd.f32 v13, v6;
	v6 =	vadd.f32 v5, v11;
	v11 =	vld [tilespmem:s20+$0x310]  }
0x61: {  	v13 =	vld [tilespmem:s20+$0x300]  }
0x62: {  	v14 =	vadd.f32 v14, v15;
	v15 =	vld [tilespmem:s20+$0x370];
	v5 =	vmul.f32 v8, v8;
	v22 =	vmul.f32 v6, v6  }
0x63: {  	v10 =	vadd.f32 v10, v20;
	v20 =	vld [tilespmem:s20+$0x10300];
	v9 =	vadd.f32 v9, v21  }
0x64: {  	v22 =	vadd.f32 v22, v5;
	v5 =	vadd.f32 v16, v14;
	v16 =	vld [tilespmem:s20+$0x10370]  }
0x65: {  	v23 =	vadd.f32 v6, v8;
	v14 =	vadd.f32 v19, v10  }
0x66: {  	v7 =	vadd.f32 v7, v11;
	v4 =	vadd.f32 v4, v13  }
0x67: {  	v11 =	vadd.f32 v12, v9;
	v9 =	vadd.f32 v17, v15;
	v10 =	vmul.f32 v5, v5  }
0x68: {  	v12 =	vmul.f32 v14, v14;
	v7 =	vadd.f32 v18, v7;
	v15 =	vadd.f32 v20, v4  }
0x69: {  	v13 =	vadd.f32 v14, v11;
	v17 =	vmul.f32 v11, v11;
	v4 =	vadd.f32 v16, v9  }
0x6a: {  	v9 =	vmul.f32 v7, v7;
	v16 =	vadd.f32 v7, v15;
	v18 =	vmul.f32 v15, v15  }
0x6b: {  	v12 =	vadd.f32 v12, v17;
	v17 =	vadd.f32 v4, v5;
	v19 =	vmul.f32 v4, v4  }
0x6c: {  	v13 =	vadd.f32 v13, v16;
	v9 =	vadd.f32 v9, v18  }
0x6d: {  	v16 =	vadd.f32 v17, v23;
	v10 =	vadd.f32 v19, v10  }
0x6e: {  	v9 =	vadd.f32 v12, v9  }
0x6f: {  	v12 =	vadd.f32 v16, v13;
	v10 =	vadd.f32 v10, v22;
	_ =	sdelay $0x1  }
0x70: {  	v13 =	vperm.xlane v12, v0;
	v9 =	vadd.f32 v10, v9;
	_ =	sdelay $0x1  }
0x71: {  	v10 =	vadd.f32 v12, v13;
	v12 =	vperm.xlane v9, v0;
	_ =	sdelay $0x1  }
0x72: {  	v13 =	vperm.xlane v10, v1;
	v9 =	vadd.f32 v12, v9;
	_ =	sdelay $0x1  }
0x73: {  	v10 =	vadd.f32 v10, v13;
	v12 =	vperm.xlane v9, v1;
	_ =	sdelay $0x1  }
0x74: {  	v13 =	vperm.xlane v10, v2;
	v9 =	vadd.f32 v12, v9;
	_ =	sdelay $0x1  }
0x75: {  	v10 =	vadd.f32 v10, v13;
	v12 =	vperm.xlane v9, v2;
	_ =	sdelay $0x1  }
0x76: {  	v13 =	vperm.xlane v10, v3;
	v12 =	vadd.f32 v12, v9;
	_ =	sdelay $0x1  }
0x77: {  	v9 =	vadd.f32 v10, v13;
	v10 =	vperm.xlane v12, v3;
	_ =	sdelay $0x1  }
0x78: {  	v9 =	vmul.f32 $7.812500000e-03, v9;
	v10 =	vadd.f32 v10, v12;
	_ =	sdelay $0x1  }
0x79: {  	v10 =	vmul.f32 $7.812500000e-03, v10;
	v12 =	vmul.f32 v9, v9;
	_ =	sdelay $0x1  }
0x7a: {  	v10 =	vsub.f32 v10, v12;
	_ =	sdelay $0x1  }
0x7b: {  	v10 =	vadd.f32 $9.999999960e-13, v10;
	_ =	sdelay $0x1  }
0x7c: {  	v12 =	vshra.s32 v10, $0x1;
	v10 =	vmul.f32 $5.000000000e-01, v10  }
0x7d: {  	v12 =	vsub.s32 $0x5F3759DF, v12  }
0x7e: {  	v13 =	vmul.f32 v12, v10;
	_ =	sdelay $0x1  }
0x7f: {  	v13 =	vmul.f32 v12, v13;
	_ =	sdelay $0x1  }
0x80: {  	v13 =	vsub.f32 $1.500000000e+00, v13;
	_ =	sdelay $0x1  }
0x81: {  	v12 =	vmul.f32 v12, v13;
	_ =	sdelay $0x1  }
0x82: {  	v13 =	vmul.f32 v12, v10;
	_ =	sdelay $0x1  }
0x83: {  	v13 =	vmul.f32 v13, v12;
	_ =	sdelay $0x1  }
0x84: {  	v13 =	vsub.f32 $1.500000000e+00, v13  }
0x85: {  	v24 =	vld [tilespmem:s20+$0x103A0]  }
0x86: {  	v25 =	vld [tilespmem:s20+$0x83C0];
	v12 =	vmul.f32 v13, v12  }
0x87: {  	v26 =	vld [tilespmem:s20+$0x83B0]  }
0x88: {  	v27 =	vld [tilespmem:$0x18300];
	v10 =	vmul.f32 v12, v10  }
0x89: {  	v28 =	vld [tilespmem:s20+$0x83A0]  }
0x8a: {  	v29 =	vld [tilespmem:s20+$0x8390];
	v10 =	vmul.f32 v10, v12  }
0x8b: {  	v54 =	vld [tilespmem:s20+$0x380]  }
0x8c: {  	v30 =	vld [tilespmem:s20+$0x390];
	v10 =	vsub.f32 $1.500000000e+00, v10  }
0x8d: {  	v31 =	vld [tilespmem:s20+$0x3B0]  }
0x8e: {  	v33 =	vld [tilespmem:s20+$0x3D0];
	v13 =	vmul.f32 v10, v12;
	v10 =	vsub.f32 v15, v9  }
0x8f: {  	v15 =	vld [tilespmem:$0x18380]  }
0x90: {  	v34 =	vld [tilespmem:s20+$0x3C0];
	v10 =	vmul.f32 v13, v10  }
0x91: {  	v56 =	vld [tilespmem:s20+$0x3F0]  }
0x92: {  	v57 =	vld [tilespmem:s20+$0x103C0];
	v10 =	vmul.f32 v10, v27  }
0x93: {  	v21 =	vld [tilespmem:s20+$0x83D0]  }
0x94: {  	v20 =	vld [tilespmem:s20+$0x103D0];
	v10 =	vadd.f32 v10, v15  }
0x95: {  	v17 =	vld [tilespmem:s20+$0x83F0]  }
0x96: {  	v12 =	vld [tilespmem:s20+$0x8380];
	[tilespmem:s20+$0x300] =	vst v10  }
0x97: {  	v10 =	vld [tilespmem:$0x18310]  }
0x98: {  	v7 =	vsub.f32 v7, v9;
	v15 =	vld [tilespmem:s20+$0x3A0]  }
0x99: {  	v32 =	vld [tilespmem:$0x18390]  }
0x9a: {  	v16 =	vld [tilespmem:s20+$0x103F0];
	v7 =	vmul.f32 v13, v7  }
0x9b: {  	v26 =	vadd.f32 v26, v31;
	v23 =	vld [tilespmem:s20+$0x103B0]  }
0x9c: {  	v25 =	vadd.f32 v25, v34;
	v21 =	vadd.f32 v21, v33;
	v18 =	vld [tilespmem:s20+$0x10390];
	v7 =	vmul.f32 v7, v10  }
0x9d: {  	v22 =	vld [tilespmem:s20+$0x10380];
	v17 =	vadd.f32 v17, v56;
	v27 =	vadd.f32 v12, v54  }
0x9e: {  	v19 =	vld [tilespmem:s20+$0x83E0];
	v12 =	vadd.f32 v28, v15;
	v7 =	vadd.f32 v7, v32  }
0x9f: {  	v17 =	vadd.f32 v16, v17;
	v55 =	vsub.f32 v11, v9;
	v10 =	vld [tilespmem:s20+$0x3E0]  }
0xa0: {  	v11 =	vadd.f32 v24, v12;
	v12 =	vadd.f32 v23, v26;
	v23 =	vld [tilespmem:s20+$0x103E0];
	[tilespmem:s20+$0x310] =	vst v7  }
0xa1: {  	v63 =	vmul.f32 v17, v17;
	v15 =	vadd.f32 v29, v30;
	v7 =	vadd.f32 v20, v21;
	v20 =	vld [tilespmem:$0x18320]  }
0xa2: {  	v16 =	vmul.f32 v13, v55;
	v22 =	vadd.f32 v22, v27;
	v26 =	vadd.f32 v12, v11  }
0xa3: {  	v58 =	vmul.f32 v12, v12;
	v21 =	vadd.f32 v18, v15;
	v15 =	vadd.f32 v57, v25;
	v59 =	vld [tilespmem:$0x183A0]  }
0xa4: {  	v10 =	vadd.f32 v19, v10;
	v19 =	vmul.f32 v11, v11;
	v18 =	vmul.f32 v7, v7  }
0xa5: {  	v60 =	vadd.f32 v21, v22;
	v61 =	vadd.f32 v7, v15;
	v33 =	vmul.f32 v21, v21  }
0xa6: {  	v34 =	vmul.f32 v15, v15;
	v10 =	vadd.f32 v23, v10;
	v16 =	vmul.f32 v16, v20  }
0xa7: {  	v19 =	vadd.f32 v58, v19;
	v23 =	vmul.f32 v22, v22;
	v25 =	vadd.f32 v26, v60  }
0xa8: {  	v62 =	vadd.f32 v17, v10;
	v20 =	vmul.f32 v10, v10;
	v16 =	vadd.f32 v16, v59  }
0xa9: {  	v18 =	vadd.f32 v18, v34;
	v23 =	vadd.f32 v33, v23  }
0xaa: {  	v35 =	vadd.f32 v62, v61;
	v20 =	vadd.f32 v63, v20;
	[tilespmem:s20+$0x320] =	vst v16  }
0xab: {  	v14 =	vsub.f32 v14, v9;
	v19 =	vadd.f32 v19, v23;
	v36 =	vld [tilespmem:$0x18330]  }
0xac: {  	v16 =	vadd.f32 v35, v25;
	v18 =	vadd.f32 v20, v18  }
0xad: {  	v20 =	vld [tilespmem:$0x183B0]  }
0xae: {  	v14 =	vmul.f32 v13, v14;
	v23 =	vperm.xlane v16, v0;
	v18 =	vadd.f32 v18, v19;
	_ =	sdelay $0x1  }
0xaf: {  	v16 =	vadd.f32 v16, v23;
	v19 =	vperm.xlane v18, v0;
	v14 =	vmul.f32 v14, v36;
	_ =	sdelay $0x1  }
0xb0: {  	v23 =	vperm.xlane v16, v1;
	v18 =	vadd.f32 v19, v18;
	v14 =	vadd.f32 v14, v20;
	_ =	sdelay $0x1  }
0xb1: {  	v16 =	vadd.f32 v16, v23;
	v19 =	vperm.xlane v18, v1;
	[tilespmem:s20+$0x330] =	vst v14  }
0xb2: {  	v14 =	vld [tilespmem:$0x18340]  }
0xb3: {  	v8 =	vsub.f32 v8, v9;
	v20 =	vperm.xlane v16, v2;
	v18 =	vadd.f32 v19, v18  }
0xb4: {  	v19 =	vld [tilespmem:$0x183C0]  }
0xb5: {  	v8 =	vmul.f32 v13, v8;
	v16 =	vadd.f32 v16, v20;
	v20 =	vperm.xlane v18, v2;
	_ =	sdelay $0x1  }
0xb6: {  	v23 =	vperm.xlane v16, v3;
	v20 =	vadd.f32 v20, v18;
	v8 =	vmul.f32 v8, v14;
	_ =	sdelay $0x1  }
0xb7: {  	v14 =	vadd.f32 v16, v23;
	v16 =	vperm.xlane v20, v3;
	v8 =	vadd.f32 v8, v19;
	_ =	sdelay $0x1  }
0xb8: {  	v18 =	vmul.f32 $7.812500000e-03, v14;
	v14 =	vadd.f32 v16, v20;
	[tilespmem:s20+$0x340] =	vst v8  }
0xb9: {  	v8 =	vld [tilespmem:$0x18350]  }
0xba: {  	v6 =	vsub.f32 v6, v9;
	v14 =	vmul.f32 $7.812500000e-03, v14;
	v16 =	vmul.f32 v18, v18  }
0xbb: {  	v19 =	vld [tilespmem:$0x183D0]  }
0xbc: {  	v6 =	vmul.f32 v13, v6;
	v14 =	vsub.f32 v14, v16  }
0xbd: {  	s23 =	simm.s32 $0x100  }
0xbe: {  	v20 =	vld [tilespmem:s23+$0x8310];
	v14 =	vadd.f32 $9.999999960e-13, v14;
	v6 =	vmul.f32 v6, v8  }
0xbf: {  	v23 =	vld [tilespmem:s23+$0x8320]  }
0xc0: {  	v37 =	vld [tilespmem:s23+$0x10350];
	v8 =	vshra.s32 v14, $0x1;
	v14 =	vmul.f32 $5.000000000e-01, v14;
	v6 =	vadd.f32 v6, v19  }
0xc1: {  	v16 =	vld [tilespmem:s23+$0x8300];
	v8 =	vsub.s32 $0x5F3759DF, v8  }
0xc2: {  	v19 =	vld [tilespmem:s23+$0x8330];
	v38 =	vmul.f32 v8, v14;
	[tilespmem:s20+$0x350] =	vst v6  }
0xc3: {  	v6 =	vld [tilespmem:$0x18360]  }
0xc4: {  	v5 =	vsub.f32 v5, v9;
	v25 =	vmul.f32 v8, v38  }
0xc5: {  	v39 =	vld [tilespmem:$0x183E0]  }
0xc6: {  	v5 =	vmul.f32 v13, v5;
	v25 =	vsub.f32 $1.500000000e+00, v25;
	_ =	sdelay $0x1  }
0xc7: {  	v40 =	vld [tilespmem:s23+$0x8340];
	v8 =	vmul.f32 v8, v25;
	v5 =	vmul.f32 v5, v6  }
0xc8: {  	v41 =	vld [tilespmem:s23+$0x8350]  }
0xc9: {  	v43 =	vld [tilespmem:s23+$0x340];
	v42 =	vmul.f32 v8, v14;
	v5 =	vadd.f32 v5, v39  }
0xca: {  	v44 =	vld [tilespmem:s23+$0x10340]  }
0xcb: {  	v6 =	vld [tilespmem:s23+$0x350];
	v28 =	vmul.f32 v42, v8;
	[tilespmem:s20+$0x360] =	vst v5  }
0xcc: {  	v5 =	vld [tilespmem:$0x18370]  }
0xcd: {  	v4 =	vsub.f32 v4, v9;
	v9 =	vsub.f32 $1.500000000e+00, v28  }
0xce: {  	v45 =	vld [tilespmem:$0x183F0]  }
0xcf: {  	v4 =	vmul.f32 v13, v4;
	v8 =	vmul.f32 v9, v8;
	_ =	sdelay $0x1  }
0xd0: {  	v9 =	vmul.f32 v8, v14;
	v4 =	vmul.f32 v5, v4;
	_ =	sdelay $0x1  }
0xd1: {  	v13 =	vld [tilespmem:s23+$0x8360];
	v5 =	vmul.f32 v9, v8;
	v4 =	vadd.f32 v45, v4  }
0xd2: {  	v14 =	vld [tilespmem:s23+$0x10360]  }
0xd3: {  	v9 =	vld [tilespmem:s23+$0x360];
	v5 =	vsub.f32 $1.500000000e+00, v5;
	[tilespmem:s20+$0x370] =	vst v4  }
0xd4: {  	v4 =	vld [tilespmem:$0x18300]  }
0xd5: {  	v8 =	vmul.f32 v5, v8;
	v5 =	vsub.f32 v22, v18  }
0xd6: {  	v22 =	vld [tilespmem:$0x18380]  }
0xd7: {  	v5 =	vmul.f32 v8, v5;
	_ =	sdelay $0x1  }
0xd8: {  	v4 =	vmul.f32 v5, v4;
	_ =	sdelay $0x1  }
0xd9: {  	v46 =	vld [tilespmem:s23+$0x10370];
	v4 =	vadd.f32 v4, v22  }
0xda: {  	v47 =	vld [tilespmem:s23+$0x10310]  }
0xdb: {  	v22 =	vld [tilespmem:s23+$0x8370];
	[tilespmem:s20+$0x380] =	vst v4  }
0xdc: {  	v4 =	vld [tilespmem:$0x18310]  }
0xdd: {  	v5 =	vsub.f32 v21, v18;
	v48 =	vld [tilespmem:$0x18390]  }
0xde: {  	v21 =	vld [tilespmem:s23+$0x10330]  }
0xdf: {  	v51 =	vsub.f32 v11, v18;
	v5 =	vmul.f32 v8, v5;
	v49 =	vld [tilespmem:s23+$0x330]  }
0xe0: {  	v11 =	vadd.f32 v40, v43;
	v6 =	vadd.f32 v41, v6;
	v50 =	vld [tilespmem:s23+$0x10320]  }
0xe1: {  	v53 =	vsub.f32 v12, v18;
	v12 =	vsub.f32 v15, v18;
	v52 =	vld [tilespmem:s23+$0x320];
	v15 =	vmul.f32 v5, v4  }
0xe2: {  	v54 =	vld [tilespmem:s23+$0x310];
	v5 =	vadd.f32 v44, v11;
	v4 =	vadd.f32 v37, v6  }
0xe3: {  	v11 =	vld [tilespmem:s23+$0x300];
	v6 =	vadd.f32 v13, v9;
	v9 =	vadd.f32 v15, v48  }
0xe4: {  	v13 =	vld [tilespmem:s23+$0x370];
	v24 =	vadd.f32 v4, v5;
	v15 =	vadd.f32 v19, v49  }
0xe5: {  	v19 =	vld [tilespmem:s23+$0x10300];
	v26 =	vmul.f32 v5, v5;
	v6 =	vadd.f32 v14, v6;
	v55 =	vmul.f32 v4, v4;
	[tilespmem:s20+$0x390] =	vst v9  }
0xe6: {  	v9 =	vadd.f32 v23, v52;
	v14 =	vadd.f32 v21, v15;
	v21 =	vld [tilespmem:$0x18320]  }
0xe7: {  	v23 =	vadd.f32 v55, v26;
	v56 =	vmul.f32 v6, v6;
	v15 =	vadd.f32 v20, v54  }
0xe8: {  	v20 =	vld [tilespmem:$0x183A0];
	v57 =	vadd.f32 v16, v11;
	v16 =	vadd.f32 v50, v9;
	v58 =	vmul.f32 v14, v14  }
0xe9: {  	v11 =	vadd.f32 v47, v15;
	v9 =	vadd.f32 v22, v13;
	v13 =	vmul.f32 v8, v51  }
0xea: {  	v15 =	vadd.f32 v19, v57;
	v19 =	vadd.f32 v14, v16;
	v22 =	vmul.f32 v16, v16  }
0xeb: {  	v9 =	vadd.f32 v46, v9;
	v59 =	vmul.f32 v11, v11;
	v13 =	vmul.f32 v13, v21  }
0xec: {  	v60 =	vmul.f32 v15, v15;
	v21 =	vadd.f32 v11, v15;
	v22 =	vadd.f32 v58, v22  }
0xed: {  	v61 =	vadd.f32 v9, v6;
	v62 =	vmul.f32 v9, v9;
	v20 =	vadd.f32 v13, v20  }
0xee: {  	v19 =	vadd.f32 v19, v21;
	v21 =	vadd.f32 v59, v60  }
0xef: {  	v24 =	vadd.f32 v61, v24;
	v63 =	vadd.f32 v62, v56;
	[tilespmem:s20+$0x3A0] =	vst v20  }
0xf0: {  	v10 =	vsub.f32 v10, v18;
	v21 =	vadd.f32 v22, v21;
	v20 =	vld [tilespmem:$0x18330]  }
0xf1: {  	v19 =	vadd.f32 v24, v19;
	v23 =	vadd.f32 v63, v23  }
0xf2: {  	v13 =	vsub.f32 v7, v18;
	v7 =	vsub.f32 v17, v18;
	v18 =	vld [tilespmem:$0x183B0]  }
0xf3: {  	s13 =	simm.s32 $0x800;
	v17 =	vmul.f32 v8, v53;
	v22 =	vperm.xlane v19, v0;
	v21 =	vadd.f32 v23, v21  }
.LBB2_3:
0xf4: {  	_ = 	snop  }
0xf5: {  	p0 =	sne.s32 s13, $0xFC00;
	s9 =	smov.u32 s13;
	s13 =	sadd.s32 $0x400, s13;
	v19 =	vadd.f32 v19, v22;
	v22 =	vperm.xlane v21, v0;
	v17 =	vmul.f32 v17, v20  }
0xf6: {  	_ = 	snop  }
0xf7: {  	v20 =	vperm.xlane v19, v1;
	v21 =	vadd.f32 v22, v21;
	v17 =	vadd.f32 v17, v18;
	_ =	sdelay $0x1  }
0xf8: {  	v18 =	vadd.f32 v19, v20;
	v19 =	vperm.xlane v21, v1;
	[tilespmem:s20+$0x3B0] =	vst v17  }
0xf9: {  	v17 =	vld [tilespmem:$0x18340]  }
0xfa: {  	v20 =	vperm.xlane v18, v2;
	v19 =	vadd.f32 v19, v21;
	v21 =	vld [tilespmem:$0x183C0];
	_ =	sdelay $0x1  }
0xfb: {  	v12 =	vmul.f32 v8, v12;
	v18 =	vadd.f32 v18, v20;
	v20 =	vperm.xlane v19, v2;
	_ =	sdelay $0x1  }
0xfc: {  	v22 =	vperm.xlane v18, v3;
	v19 =	vadd.f32 v20, v19;
	v12 =	vmul.f32 v12, v17;
	_ =	sdelay $0x1  }
0xfd: {  	v17 =	vadd.f32 v18, v22;
	v18 =	vperm.xlane v19, v3;
	v12 =	vadd.f32 v12, v21;
	_ =	sdelay $0x1  }
0xfe: {  	v17 =	vmul.f32 $7.812500000e-03, v17;
	v18 =	vadd.f32 v18, v19;
	[tilespmem:s20+$0x3C0] =	vst v12  }
0xff: {  	v19 =	vld [tilespmem:$0x18350]  }
0x100: {  	v18 =	vmul.f32 $7.812500000e-03, v18;
	v20 =	vmul.f32 v17, v17;
	v16 =	vsub.f32 v16, v17;
	v21 =	vld [tilespmem:$0x183D0]  }
0x101: {  	v14 =	vsub.f32 v14, v17;
	v12 =	vsub.f32 v5, v17  }
0x102: {  	v13 =	vmul.f32 v8, v13;
	v5 =	vsub.f32 v4, v17;
	v18 =	vsub.f32 v18, v20  }
0x103: {  	v4 =	vsub.f32 v6, v17;
	v6 =	vsub.f32 v9, v17  }
0x104: {  	v9 =	vadd.f32 $9.999999960e-13, v18;
	v13 =	vmul.f32 v13, v19;
	_ =	sdelay $0x1  }
0x105: {  	v18 =	vshra.s32 v9, $0x1;
	v9 =	vmul.f32 $5.000000000e-01, v9;
	v13 =	vadd.f32 v13, v21  }
0x106: {  	v18 =	vsub.s32 $0x5F3759DF, v18  }
0x107: {  	v19 =	vmul.f32 v18, v9;
	[tilespmem:s20+$0x3D0] =	vst v13  }
0x108: {  	v13 =	vld [tilespmem:$0x18360]  }
0x109: {  	v19 =	vmul.f32 v18, v19;
	v20 =	vld [tilespmem:$0x183E0];
	_ =	sdelay $0x1  }
0x10a: {  	v10 =	vmul.f32 v8, v10;
	v19 =	vsub.f32 $1.500000000e+00, v19;
	_ =	sdelay $0x1  }
0x10b: {  	v18 =	vmul.f32 v18, v19;
	v10 =	vmul.f32 v10, v13;
	_ =	sdelay $0x1  }
0x10c: {  	v13 =	vmul.f32 v18, v9;
	v19 =	vld [tilespmem:s23+$0x103F0];
	v10 =	vadd.f32 v10, v20  }
0x10d: {  	v20 =	vld [tilespmem:s23+$0x83F0]  }
0x10e: {  	v13 =	vmul.f32 v13, v18;
	v21 =	vld [tilespmem:s23+$0x10390];
	[tilespmem:s20+$0x3E0] =	vst v10  }
0x10f: {  	v10 =	vld [tilespmem:$0x18370]  }
0x110: {  	v13 =	vsub.f32 $1.500000000e+00, v13;
	v22 =	vld [tilespmem:$0x183F0]  }
0x111: {  	v23 =	vld [tilespmem:s23+$0x83E0]  }
0x112: {  	v7 =	vmul.f32 v8, v7;
	v13 =	vmul.f32 v13, v18;
	v18 =	vld [tilespmem:s23+$0x103D0]  }
0x113: {  	v24 =	vld [tilespmem:s23+$0x83D0]  }
0x114: {  	v8 =	vmul.f32 v13, v9;
	v9 =	vld [tilespmem:s23+$0x10380];
	v7 =	vmul.f32 v10, v7  }
0x115: {  	v10 =	vld [tilespmem:s23+$0x103B0]  }
0x116: {  	v8 =	vmul.f32 v8, v13;
	v25 =	vld [tilespmem:s23+$0x103A0];
	v7 =	vadd.f32 v22, v7  }
0x117: {  	v22 =	vld [tilespmem:s23+$0x83C0]  }
0x118: {  	v8 =	vsub.f32 $1.500000000e+00, v8;
	v26 =	vld [tilespmem:s23+$0x83B0];
	[tilespmem:s20+$0x3F0] =	vst v7;
	s20 =	smov.u32 s23  }
0x119: {  	v7 =	vld [tilespmem:$0x18300]  }
0x11a: {  	v8 =	vmul.f32 v8, v13;
	v13 =	vsub.f32 v15, v17;
	v15 =	vld [tilespmem:s20+$0x8380]  }
0x11b: {  	v27 =	vld [tilespmem:$0x18380]  }
0x11c: {  	v13 =	vmul.f32 v8, v13;
	v28 =	vld [tilespmem:s20+$0x83A0]  }
0x11d: {  	v29 =	vld [tilespmem:s20+$0x8390]  }
0x11e: {  	v7 =	vmul.f32 v13, v7;
	v13 =	vld [tilespmem:s20+$0x380]  }
0x11f: {  	v30 =	vld [tilespmem:s20+$0x390]  }
0x120: {  	v7 =	vadd.f32 v7, v27;
	v27 =	vld [tilespmem:s20+$0x3A0]  }
0x121: {  	v31 =	vld [tilespmem:s20+$0x3B0]  }
0x122: {  	[tilespmem:s20+$0x300] =	vst v7;
	v7 =	vld [tilespmem:s20+$0x3C0]  }
0x123: {  	v32 =	vld [tilespmem:$0x18310];
	v13 =	vadd.f32 v15, v13  }
0x124: {  	v11 =	vsub.f32 v11, v17;
	v15 =	vadd.f32 v29, v30;
	v17 =	vld [tilespmem:s20+$0x3D0]  }
0x125: {  	v29 =	vld [tilespmem:$0x18390]  }
0x126: {  	v11 =	vmul.f32 v8, v11;
	v27 =	vadd.f32 v28, v27;
	v26 =	vadd.f32 v26, v31;
	v28 =	vld [tilespmem:s20+$0x3E0]  }
0x127: {  	v7 =	vadd.f32 v22, v7;
	v22 =	vld [tilespmem:s20+$0x3F0]  }
0x128: {  	v25 =	vadd.f32 v25, v27;
	v30 =	vmul.f32 v11, v32;
	v10 =	vadd.f32 v10, v26;
	v26 =	vld [tilespmem:s20+$0x103C0]  }
0x129: {  	v11 =	vadd.f32 v9, v13;
	v9 =	vadd.f32 v24, v17;
	v13 =	vld [tilespmem:s20+$0x103E0]  }
0x12a: {  	v17 =	vadd.f32 v30, v29;
	v24 =	vadd.f32 v10, v25;
	v27 =	vmul.f32 v10, v10  }
0x12b: {  	v18 =	vadd.f32 v18, v9;
	v23 =	vadd.f32 v23, v28;
	v28 =	vmul.f32 v25, v25  }
0x12c: {  	v9 =	vadd.f32 v21, v15;
	[tilespmem:s20+$0x310] =	vst v17;
	v15 =	vadd.f32 v20, v22  }
0x12d: {  	v17 =	vld [tilespmem:$0x18320];
	v7 =	vadd.f32 v26, v7;
	v20 =	vmul.f32 v18, v18;
	v21 =	vadd.f32 v27, v28  }
0x12e: {  	v22 =	vadd.f32 v13, v23;
	v19 =	vadd.f32 v19, v15;
	v13 =	vmul.f32 v11, v11  }
0x12f: {  	v15 =	vmul.f32 v8, v16;
	v23 =	vadd.f32 v9, v11;
	v16 =	vld [tilespmem:$0x183A0];
	v26 =	vadd.f32 v18, v7  }
0x130: {  	v27 =	vadd.f32 v19, v22;
	v28 =	vmul.f32 v22, v22;
	v29 =	vmul.f32 v19, v19  }
0x131: {  	v30 =	vmul.f32 v7, v7;
	v23 =	vadd.f32 v24, v23;
	v24 =	vmul.f32 v9, v9  }
0x132: {  	v15 =	vmul.f32 v15, v17;
	v17 =	vadd.f32 v27, v26;
	v26 =	vadd.f32 v29, v28  }
0x133: {  	v20 =	vadd.f32 v20, v30;
	v13 =	vadd.f32 v24, v13  }
0x134: {  	v15 =	vadd.f32 v15, v16;
	v16 =	vadd.f32 v17, v23  }
0x135: {  	v13 =	vadd.f32 v21, v13;
	v17 =	vadd.f32 v26, v20  }
0x136: {  	[tilespmem:s20+$0x320] =	vst v15;
	v15 =	vperm.xlane v16, v0  }
0x137: {  	v13 =	vadd.f32 v17, v13;
	v20 =	vld [tilespmem:$0x18330]  }
0x138: {  	v15 =	vadd.f32 v16, v15  }
0x139: {  	v17 =	vperm.xlane v13, v0;
	v16 =	vld [tilespmem:$0x183B0]  }
0x13a: {  	v14 =	vmul.f32 v8, v14;
	v21 =	vperm.xlane v15, v1  }
0x13b: {  	v13 =	vadd.f32 v17, v13  }
0x13c: {  	v14 =	vmul.f32 v14, v20;
	v15 =	vadd.f32 v15, v21  }
0x13d: {  	v17 =	vperm.xlane v13, v1  }
0x13e: {  	v14 =	vadd.f32 v14, v16;
	v16 =	vperm.xlane v15, v2  }
0x13f: {  	v13 =	vadd.f32 v17, v13  }
0x140: {  	[tilespmem:s20+$0x330] =	vst v14;
	v14 =	vadd.f32 v15, v16  }
0x141: {  	v16 =	vperm.xlane v13, v2;
	v15 =	vld [tilespmem:$0x18340]  }
0x142: {  	v17 =	vperm.xlane v14, v3  }
0x143: {  	v13 =	vadd.f32 v16, v13;
	v20 =	vld [tilespmem:$0x183C0]  }
0x144: {  	v12 =	vmul.f32 v8, v12;
	v14 =	vadd.f32 v14, v17  }
0x145: {  	v16 =	vperm.xlane v13, v3  }
0x146: {  	v12 =	vmul.f32 v12, v15  }
0x147: {  	v14 =	vmul.f32 $7.812500000e-03, v14;
	v13 =	vadd.f32 v16, v13  }
0x148: {  	v12 =	vadd.f32 v12, v20  }
0x149: {  	v13 =	vmul.f32 $7.812500000e-03, v13;
	v16 =	vmul.f32 v14, v14;
	v15 =	vsub.f32 v25, v14  }
0x14a: {  	v17 =	vsub.f32 v10, v14;
	[tilespmem:s20+$0x340] =	vst v12;
	v12 =	vsub.f32 v7, v14  }
0x14b: {  	v16 =	vsub.f32 v13, v16;
	v13 =	vsub.f32 v18, v14;
	v20 =	vld [tilespmem:$0x18350]  }
0x14c: {  	v10 =	vsub.f32 v22, v14;
	v7 =	vsub.f32 v19, v14  }
0x14d: {  	v19 =	vadd.f32 $9.999999960e-13, v16;
	v18 =	vld [tilespmem:$0x183D0]  }
0x14e: {  	s23 =	sshra.s32 s9, $0x2;
	v5 =	vmul.f32 v8, v5  }
0x14f: {  	v21 =	vshra.s32 v19, $0x1;
	v19 =	vmul.f32 $5.000000000e-01, v19;
	v16 =	vld [tilespmem:s23+$0x8300]  }
0x150: {  	v22 =	vld [tilespmem:s23+$0x8310];
	v5 =	vmul.f32 v5, v20;
	v20 =	vsub.s32 $0x5F3759DF, v21  }
0x151: {  	v21 =	vld [tilespmem:s23+$0x8320];
	v23 =	vmul.f32 v20, v19  }
0x152: {  	v24 =	vld [tilespmem:s23+$0x10350];
	v5 =	vadd.f32 v5, v18  }
0x153: {  	v18 =	vld [tilespmem:s23+$0x8330];
	v23 =	vmul.f32 v20, v23  }
0x154: {  	[tilespmem:s20+$0x350] =	vst v5  }
0x155: {  	v5 =	vld [tilespmem:$0x18360];
	v23 =	vsub.f32 $1.500000000e+00, v23  }
0x156: {  	v25 =	vld [tilespmem:$0x183E0]  }
0x157: {  	v26 =	vld [tilespmem:s23+$0x8340];
	v20 =	vmul.f32 v20, v23  }
0x158: {  	v4 =	vmul.f32 v8, v4;
	v23 =	vld [tilespmem:s23+$0x8350]  }
0x159: {  	v27 =	vld [tilespmem:s23+$0x350];
	v28 =	vmul.f32 v20, v19  }
0x15a: {  	v29 =	vld [tilespmem:s23+$0x340];
	v4 =	vmul.f32 v4, v5  }
0x15b: {  	v5 =	vmul.f32 v28, v20  }
0x15c: {  	v4 =	vadd.f32 v4, v25  }
0x15d: {  	v25 =	vld [tilespmem:s23+$0x10340];
	v5 =	vsub.f32 $1.500000000e+00, v5  }
0x15e: {  	v23 =	vadd.f32 v23, v27;
	[tilespmem:s20+$0x360] =	vst v4  }
0x15f: {  	v4 =	vadd.f32 v26, v29;
	v26 =	vld [tilespmem:$0x18370];
	v20 =	vmul.f32 v5, v20;
	_ =	sdelay $0x1  }
0x160: {  	v27 =	vld [tilespmem:$0x183F0];
	v19 =	vmul.f32 v20, v19  }
0x161: {  	v6 =	vmul.f32 v8, v6;
	v5 =	vadd.f32 v25, v4;
	v4 =	vadd.f32 v24, v23  }
0x162: {  	v8 =	vmul.f32 v19, v20  }
0x163: {  	v19 =	vadd.f32 v4, v5;
	v23 =	vmul.f32 v5, v5;
	v6 =	vmul.f32 v26, v6  }
0x164: {  	v24 =	vmul.f32 v4, v4;
	v8 =	vsub.f32 $1.500000000e+00, v8  }
0x165: {  	v25 =	vld [tilespmem:s23+$0x8360];
	v6 =	vadd.f32 v27, v6  }
0x166: {  	v23 =	vadd.f32 v24, v23;
	v26 =	vld [tilespmem:s23+$0x360];
	v8 =	vmul.f32 v8, v20  }
0x167: {  	v20 =	vld [tilespmem:s23+$0x10360];
	[tilespmem:s20+$0x370] =	vst v6  }
0x168: {  	v24 =	vld [tilespmem:$0x18300]  }
0x169: {  	v6 =	vsub.f32 v11, v14  }
0x16a: {  	v11 =	vld [tilespmem:$0x18380]  }
0x16b: {  	v25 =	vadd.f32 v25, v26;
	v26 =	vmul.f32 v8, v6;
	_ =	sdelay $0x1  }
0x16c: {  	v6 =	vadd.f32 v20, v25;
	v20 =	vmul.f32 v26, v24;
	_ =	sdelay $0x1  }
0x16d: {  	v24 =	vld [tilespmem:s23+$0x10370];
	v25 =	vmul.f32 v6, v6;
	v11 =	vadd.f32 v20, v11  }
0x16e: {  	v20 =	vld [tilespmem:s23+$0x8370]  }
0x16f: {  	v26 =	vld [tilespmem:s23+$0x10310];
	[tilespmem:s20+$0x380] =	vst v11  }
0x170: {  	v11 =	vld [tilespmem:$0x18310]  }
0x171: {  	v9 =	vsub.f32 v9, v14;
	v14 =	vld [tilespmem:$0x18390]  }
0x172: {  	v27 =	vld [tilespmem:s23+$0x10330]  }
0x173: {  	v9 =	vmul.f32 v8, v9;
	v28 =	vld [tilespmem:s23+$0x330]  }
0x174: {  	v29 =	vld [tilespmem:s23+$0x10320]  }
0x175: {  	v30 =	vld [tilespmem:s23+$0x320];
	v9 =	vmul.f32 v9, v11  }
0x176: {  	v11 =	vld [tilespmem:s23+$0x310]  }
0x177: {  	v31 =	vld [tilespmem:s23+$0x300];
	v9 =	vadd.f32 v9, v14  }
0x178: {  	v14 =	vadd.f32 v18, v28;
	v18 =	vld [tilespmem:s23+$0x370]  }
0x179: {  	v28 =	vld [tilespmem:s23+$0x10300];
	[tilespmem:s20+$0x390] =	vst v9  }
0x17a: {  	v9 =	vadd.f32 v21, v30;
	v14 =	vadd.f32 v27, v14;
	v21 =	vld [tilespmem:$0x18320]  }
0x17b: {  	v11 =	vadd.f32 v22, v11;
	v22 =	vld [tilespmem:$0x183A0]  }
0x17c: {  	v27 =	vadd.f32 v16, v31;
	v16 =	vadd.f32 v29, v9;
	v29 =	vmul.f32 v14, v14  }
0x17d: {  	v11 =	vadd.f32 v26, v11;
	v9 =	vadd.f32 v20, v18;
	v18 =	vmul.f32 v8, v15  }
0x17e: {  	v15 =	vadd.f32 v28, v27;
	v20 =	vadd.f32 v14, v16;
	v26 =	vmul.f32 v16, v16  }
0x17f: {  	v9 =	vadd.f32 v24, v9;
	v24 =	vmul.f32 v11, v11;
	v18 =	vmul.f32 v18, v21  }
0x180: {  	v21 =	vadd.f32 v11, v15;
	v27 =	vmul.f32 v15, v15;
	v26 =	vadd.f32 v29, v26  }
0x181: {  	v28 =	vadd.f32 v9, v6;
	v29 =	vmul.f32 v9, v9;
	v18 =	vadd.f32 v18, v22  }
0x182: {  	v21 =	vadd.f32 v20, v21;
	v20 =	vadd.f32 v24, v27  }
.Ltmp0:
0x183: {  	v19 =	vadd.f32 v28, v19;
	v22 =	vadd.f32 v29, v25;
	[tilespmem:s20+$0x3A0] =	vst v18;
	(pc) =	sbr.rel @p0 .LBB2_3-.Ltmp0, $3  }
0x184: {  	v24 =	vadd.f32 v26, v20;
	v20 =	vld [tilespmem:$0x18330]  }
0x185: {  	v19 =	vadd.f32 v19, v21;
	v21 =	vadd.f32 v22, v23;
	v18 =	vld [tilespmem:$0x183B0];
	_ =	sdelay $0x1  }
0x186: {  	v17 =	vmul.f32 v8, v17;
	v22 =	vperm.xlane v19, v0;
	v21 =	vadd.f32 v21, v24  }
0x187: {  	_ = 	snop  }
0x188: {  	v17 =	vmul.f32 v17, v20;
	v19 =	vadd.f32 v19, v22;
	v20 =	vperm.xlane v21, v0;
	_ =	sdelay $0x1  }
0x189: {  	v17 =	vadd.f32 v17, v18;
	v18 =	vperm.xlane v19, v1;
	v20 =	vadd.f32 v20, v21;
	_ =	sdelay $0x1  }
0x18a: {  	[tilespmem:s20+$0x3B0] =	vst v17;
	v17 =	vadd.f32 v19, v18;
	v18 =	vperm.xlane v20, v1  }
0x18b: {  	v19 =	vld [tilespmem:$0x18340]  }
0x18c: {  	v21 =	vperm.xlane v17, v2;
	v18 =	vadd.f32 v18, v20  }
0x18d: {  	v20 =	vld [tilespmem:$0x183C0]  }
0x18e: {  	v12 =	vmul.f32 v8, v12;
	v17 =	vadd.f32 v17, v21;
	v21 =	vperm.xlane v18, v2;
	_ =	sdelay $0x1  }
0x18f: {  	v12 =	vmul.f32 v12, v19;
	v19 =	vperm.xlane v17, v3;
	v18 =	vadd.f32 v21, v18;
	_ =	sdelay $0x1  }
0x190: {  	v12 =	vadd.f32 v12, v20;
	v17 =	vadd.f32 v17, v19;
	v19 =	vperm.xlane v18, v3;
	_ =	sdelay $0x1  }
0x191: {  	[tilespmem:s20+$0x3C0] =	vst v12;
	v12 =	vmul.f32 $7.812500000e-03, v17;
	v17 =	vadd.f32 v19, v18  }
0x192: {  	v18 =	vld [tilespmem:$0x18350]  }
0x193: {  	v17 =	vmul.f32 $7.812500000e-03, v17;
	v19 =	vmul.f32 v12, v12  }
0x194: {  	v20 =	vld [tilespmem:$0x183D0]  }
0x195: {  	v13 =	vmul.f32 v8, v13;
	v17 =	vsub.f32 v17, v19;
	_ =	sdelay $0x1  }
0x196: {  	v13 =	vmul.f32 v13, v18;
	v17 =	vadd.f32 $9.999999960e-13, v17;
	_ =	sdelay $0x1  }
0x197: {  	v13 =	vadd.f32 v13, v20;
	v18 =	vshra.s32 v17, $0x1;
	v17 =	vmul.f32 $5.000000000e-01, v17  }
0x198: {  	v18 =	vsub.s32 $0x5F3759DF, v18  }
0x199: {  	[tilespmem:s20+$0x3D0] =	vst v13;
	v13 =	vmul.f32 v18, v17  }
0x19a: {  	v19 =	vld [tilespmem:$0x18360]  }
0x19b: {  	v13 =	vmul.f32 v18, v13  }
0x19c: {  	v20 =	vld [tilespmem:$0x183E0]  }
0x19d: {  	v10 =	vmul.f32 v8, v10;
	v13 =	vsub.f32 $1.500000000e+00, v13;
	_ =	sdelay $0x1  }
0x19e: {  	v10 =	vmul.f32 v10, v19;
	v13 =	vmul.f32 v18, v13;
	_ =	sdelay $0x1  }
0x19f: {  	v21 =	vld [tilespmem:s23+$0x10390];
	v10 =	vadd.f32 v10, v20;
	v20 =	vmul.f32 v13, v17  }
0x1a0: {  	v18 =	vld [tilespmem:s23+$0x103F0]  }
0x1a1: {  	v19 =	vld [tilespmem:s23+$0x83F0];
	[tilespmem:s20+$0x3E0] =	vst v10;
	v10 =	vmul.f32 v20, v13  }
0x1a2: {  	v20 =	vld [tilespmem:$0x18370]  }
0x1a3: {  	v22 =	vld [tilespmem:$0x183F0];
	v10 =	vsub.f32 $1.500000000e+00, v10  }
0x1a4: {  	v23 =	vld [tilespmem:s23+$0x83E0]  }
0x1a5: {  	v7 =	vmul.f32 v8, v7;
	v24 =	vld [tilespmem:s23+$0x103D0];
	v10 =	vmul.f32 v10, v13  }
0x1a6: {  	v8 =	vld [tilespmem:s23+$0x83D0]  }
0x1a7: {  	v25 =	vld [tilespmem:s23+$0x10380];
	v13 =	vmul.f32 v10, v17;
	v7 =	vmul.f32 v20, v7  }
0x1a8: {  	v26 =	vld [tilespmem:s23+$0x83B0]  }
0x1a9: {  	v17 =	vld [tilespmem:s23+$0x103B0];
	v13 =	vmul.f32 v13, v10;
	v7 =	vadd.f32 v22, v7  }
0x1aa: {  	v20 =	vld [tilespmem:s23+$0x103A0]  }
0x1ab: {  	v22 =	vld [tilespmem:s23+$0x83C0];
	v13 =	vsub.f32 $1.500000000e+00, v13;
	[tilespmem:s20+$0x3F0] =	vst v7  }
0x1ac: {  	v7 =	vld [tilespmem:$0x18300]  }
0x1ad: {  	v13 =	vmul.f32 v13, v10;
	v10 =	vsub.f32 v15, v12  }
0x1ae: {  	v27 =	vld [tilespmem:$0x18380]  }
0x1af: {  	v28 =	vld [tilespmem:s23+$0x83A0];
	v10 =	vmul.f32 v13, v10  }
0x1b0: {  	v29 =	vld [tilespmem:s23+$0x8390]  }
0x1b1: {  	v60 =	vld [tilespmem:s23+$0x3A0];
	v7 =	vmul.f32 v10, v7  }
0x1b2: {  	v15 =	vld [tilespmem:s23+$0x8380]  }
0x1b3: {  	v10 =	vld [tilespmem:s23+$0x380];
	v7 =	vadd.f32 v7, v27  }
0x1b4: {  	v31 =	vld [tilespmem:s23+$0x3B0]  }
0x1b5: {  	v33 =	vld [tilespmem:s23+$0x3D0];
	[tilespmem:s23+$0x300] =	vst v7  }
0x1b6: {  	v7 =	vld [tilespmem:$0x18310]  }
0x1b7: {  	v11 =	vsub.f32 v11, v12;
	v34 =	vld [tilespmem:s23+$0x3C0]  }
0x1b8: {  	v32 =	vld [tilespmem:$0x18390];
	v10 =	vadd.f32 v15, v10;
	v15 =	vadd.f32 v28, v60  }
0x1b9: {  	v30 =	vld [tilespmem:s23+$0x390];
	v11 =	vmul.f32 v13, v11  }
0x1ba: {  	v15 =	vadd.f32 v20, v15;
	v20 =	vld [tilespmem:s23+$0x103C0]  }
0x1bb: {  	v16 =	vsub.f32 v16, v12;
	v63 =	vld [tilespmem:s23+$0x3F0];
	v7 =	vmul.f32 v11, v7  }
0x1bc: {  	v8 =	vadd.f32 v8, v33;
	v22 =	vadd.f32 v22, v34  }
0x1bd: {  	v61 =	vld [tilespmem:s23+$0x3E0];
	v11 =	vadd.f32 v26, v31;
	v7 =	vadd.f32 v7, v32  }
0x1be: {  	v62 =	vadd.f32 v29, v30;
	v8 =	vadd.f32 v24, v8  }
0x1bf: {  	v11 =	vadd.f32 v17, v11;
	v17 =	vld [tilespmem:s23+$0x103E0];
	v20 =	vadd.f32 v20, v22;
	[tilespmem:s23+$0x310] =	vst v7  }
0x1c0: {  	v19 =	vadd.f32 v19, v63;
	v21 =	vadd.f32 v21, v62;
	v36 =	vld [tilespmem:$0x18320]  }
0x1c1: {  	v25 =	vadd.f32 v25, v10;
	v22 =	vmul.f32 v8, v8;
	v42 =	vmul.f32 v20, v20  }
0x1c2: {  	v16 =	vmul.f32 v13, v16;
	v34 =	vadd.f32 v11, v15;
	v7 =	vadd.f32 v23, v61;
	v37 =	vld [tilespmem:$0x183A0]  }
0x1c3: {  	v35 =	vmul.f32 v11, v11;
	v23 =	vmul.f32 v15, v15;
	v22 =	vadd.f32 v22, v42  }
0x1c4: {  	v41 =	vmul.f32 v21, v21;
	v10 =	vadd.f32 v17, v7;
	v7 =	vadd.f32 v18, v19  }
0x1c5: {  	v17 =	vadd.f32 v35, v23;
	v19 =	vadd.f32 v21, v25;
	v16 =	vmul.f32 v16, v36  }
0x1c6: {  	v18 =	vmul.f32 v25, v25;
	v23 =	vadd.f32 v8, v20;
	v38 =	vadd.f32 v7, v10  }
0x1c7: {  	v39 =	vmul.f32 v10, v10;
	v40 =	vmul.f32 v7, v7;
	v16 =	vadd.f32 v16, v37  }
0x1c8: {  	v19 =	vadd.f32 v34, v19;
	v23 =	vadd.f32 v38, v23  }
0x1c9: {  	v18 =	vadd.f32 v41, v18;
	v24 =	vadd.f32 v40, v39;
	[tilespmem:s23+$0x320] =	vst v16  }
0x1ca: {  	v14 =	vsub.f32 v14, v12;
	v16 =	vadd.f32 v23, v19;
	v19 =	vld [tilespmem:$0x18330]  }
0x1cb: {  	v17 =	vadd.f32 v17, v18;
	v18 =	vadd.f32 v24, v22  }
0x1cc: {  	v22 =	vld [tilespmem:$0x183B0]  }
0x1cd: {  	v14 =	vmul.f32 v13, v14;
	v17 =	vadd.f32 v18, v17;
	v23 =	vperm.xlane v16, v0;
	_ =	sdelay $0x1  }
0x1ce: {  	v18 =	vperm.xlane v17, v0;
	v16 =	vadd.f32 v16, v23;
	v14 =	vmul.f32 v14, v19;
	_ =	sdelay $0x1  }
0x1cf: {  	v17 =	vadd.f32 v18, v17;
	v19 =	vperm.xlane v16, v1;
	v14 =	vadd.f32 v14, v22;
	_ =	sdelay $0x1  }
0x1d0: {  	v18 =	vperm.xlane v17, v1;
	v16 =	vadd.f32 v16, v19;
	[tilespmem:s23+$0x330] =	vst v14  }
0x1d1: {  	v14 =	vld [tilespmem:$0x18340]  }
0x1d2: {  	v5 =	vsub.f32 v5, v12;
	v17 =	vadd.f32 v18, v17;
	v19 =	vperm.xlane v16, v2  }
0x1d3: {  	v18 =	vld [tilespmem:$0x183C0]  }
0x1d4: {  	v5 =	vmul.f32 v13, v5;
	v16 =	vadd.f32 v16, v19;
	v19 =	vperm.xlane v17, v2;
	_ =	sdelay $0x1  }
0x1d5: {  	v22 =	vperm.xlane v16, v3;
	v17 =	vadd.f32 v19, v17;
	v5 =	vmul.f32 v5, v14;
	_ =	sdelay $0x1  }
0x1d6: {  	v14 =	vadd.f32 v16, v22;
	v16 =	vperm.xlane v17, v3;
	v5 =	vadd.f32 v5, v18;
	_ =	sdelay $0x1  }
0x1d7: {  	v14 =	vmul.f32 $7.812500000e-03, v14;
	v16 =	vadd.f32 v16, v17;
	[tilespmem:s23+$0x340] =	vst v5  }
0x1d8: {  	v5 =	vld [tilespmem:$0x18350]  }
0x1d9: {  	v4 =	vsub.f32 v4, v12;
	v16 =	vmul.f32 $7.812500000e-03, v16;
	v17 =	vmul.f32 v14, v14  }
0x1da: {  	v18 =	vld [tilespmem:$0x183D0]  }
0x1db: {  	v4 =	vmul.f32 v13, v4;
	v16 =	vsub.f32 v16, v17;
	_ =	sdelay $0x1  }
0x1dc: {  	v16 =	vadd.f32 $9.999999960e-13, v16;
	v4 =	vmul.f32 v4, v5;
	_ =	sdelay $0x1  }
0x1dd: {  	v5 =	vshra.s32 v16, $0x1;
	v16 =	vmul.f32 $5.000000000e-01, v16;
	v4 =	vadd.f32 v4, v18  }
0x1de: {  	v5 =	vsub.s32 $0x5F3759DF, v5  }
0x1df: {  	v17 =	vmul.f32 v5, v16;
	[tilespmem:s23+$0x350] =	vst v4  }
0x1e0: {  	v4 =	vld [tilespmem:$0x18360]  }
0x1e1: {  	v6 =	vsub.f32 v6, v12;
	v17 =	vmul.f32 v5, v17  }
0x1e2: {  	v18 =	vld [tilespmem:$0x183E0]  }
0x1e3: {  	v6 =	vmul.f32 v13, v6;
	v17 =	vsub.f32 $1.500000000e+00, v17;
	_ =	sdelay $0x1  }
0x1e4: {  	v5 =	vmul.f32 v5, v17;
	v4 =	vmul.f32 v6, v4;
	_ =	sdelay $0x1  }
0x1e5: {  	v6 =	vmul.f32 v5, v16;
	v4 =	vadd.f32 v4, v18;
	_ =	sdelay $0x1  }
0x1e6: {  	v6 =	vmul.f32 v6, v5;
	[tilespmem:s23+$0x360] =	vst v4  }
0x1e7: {  	v4 =	vld [tilespmem:$0x18370]  }
0x1e8: {  	v9 =	vsub.f32 v9, v12;
	v6 =	vsub.f32 $1.500000000e+00, v6  }
0x1e9: {  	v12 =	vld [tilespmem:$0x183F0]  }
0x1ea: {  	v5 =	vmul.f32 v6, v5;
	v6 =	vmul.f32 v13, v9;
	_ =	sdelay $0x1  }
0x1eb: {  	v9 =	vmul.f32 v5, v16;
	v4 =	vmul.f32 v4, v6;
	_ =	sdelay $0x1  }
0x1ec: {  	v6 =	vmul.f32 v9, v5;
	v4 =	vadd.f32 v12, v4;
	_ =	sdelay $0x1  }
0x1ed: {  	v6 =	vsub.f32 $1.500000000e+00, v6;
	[tilespmem:s23+$0x370] =	vst v4  }
0x1ee: {  	v4 =	vld [tilespmem:$0x18300]  }
0x1ef: {  	v5 =	vmul.f32 v6, v5;
	v6 =	vsub.f32 v25, v14  }
0x1f0: {  	v9 =	vld [tilespmem:$0x18380]  }
0x1f1: {  	v6 =	vmul.f32 v5, v6;
	_ =	sdelay $0x1  }
0x1f2: {  	v4 =	vmul.f32 v6, v4;
	_ =	sdelay $0x1  }
0x1f3: {  	v4 =	vadd.f32 v4, v9;
	_ =	sdelay $0x1  }
0x1f4: {  	[tilespmem:s23+$0x380] =	vst v4  }
0x1f5: {  	v4 =	vld [tilespmem:$0x18310]  }
0x1f6: {  	v6 =	vsub.f32 v21, v14  }
0x1f7: {  	v9 =	vld [tilespmem:$0x18390]  }
0x1f8: {  	v6 =	vmul.f32 v5, v6;
	_ =	sdelay $0x1  }
0x1f9: {  	v4 =	vmul.f32 v6, v4;
	_ =	sdelay $0x1  }
0x1fa: {  	v4 =	vadd.f32 v4, v9;
	_ =	sdelay $0x1  }
0x1fb: {  	[tilespmem:s23+$0x390] =	vst v4  }
0x1fc: {  	v4 =	vld [tilespmem:$0x18320]  }
0x1fd: {  	v6 =	vsub.f32 v15, v14  }
0x1fe: {  	v9 =	vld [tilespmem:$0x183A0]  }
0x1ff: {  	v6 =	vmul.f32 v5, v6;
	_ =	sdelay $0x1  }
0x200: {  	v4 =	vmul.f32 v6, v4;
	_ =	sdelay $0x1  }
0x201: {  	v4 =	vadd.f32 v4, v9;
	_ =	sdelay $0x1  }
0x202: {  	[tilespmem:s23+$0x3A0] =	vst v4  }
0x203: {  	v4 =	vld [tilespmem:$0x18330]  }
0x204: {  	v6 =	vsub.f32 v11, v14  }
0x205: {  	v9 =	vld [tilespmem:$0x183B0]  }
0x206: {  	v6 =	vmul.f32 v5, v6;
	_ =	sdelay $0x1  }
0x207: {  	v4 =	vmul.f32 v6, v4;
	_ =	sdelay $0x1  }
0x208: {  	v4 =	vadd.f32 v4, v9;
	_ =	sdelay $0x1  }
0x209: {  	[tilespmem:s23+$0x3B0] =	vst v4  }
0x20a: {  	v4 =	vld [tilespmem:$0x18340]  }
0x20b: {  	v6 =	vsub.f32 v20, v14  }
0x20c: {  	v9 =	vld [tilespmem:$0x183C0]  }
0x20d: {  	v6 =	vmul.f32 v5, v6;
	_ =	sdelay $0x1  }
0x20e: {  	v4 =	vmul.f32 v6, v4;
	_ =	sdelay $0x1  }
0x20f: {  	v4 =	vadd.f32 v4, v9;
	_ =	sdelay $0x1  }
0x210: {  	[tilespmem:s23+$0x3C0] =	vst v4  }
0x211: {  	v4 =	vld [tilespmem:$0x18350]  }
0x212: {  	v6 =	vsub.f32 v8, v14  }
0x213: {  	v8 =	vld [tilespmem:$0x183D0]  }
0x214: {  	v6 =	vmul.f32 v5, v6;
	_ =	sdelay $0x1  }
0x215: {  	v4 =	vmul.f32 v6, v4;
	_ =	sdelay $0x1  }
0x216: {  	v4 =	vadd.f32 v4, v8;
	_ =	sdelay $0x1  }
0x217: {  	[tilespmem:s23+$0x3D0] =	vst v4  }
0x218: {  	v4 =	vld [tilespmem:$0x18360]  }
0x219: {  	v6 =	vsub.f32 v10, v14  }
0x21a: {  	v8 =	vld [tilespmem:$0x183E0]  }
0x21b: {  	v6 =	vmul.f32 v5, v6;
	_ =	sdelay $0x1  }
0x21c: {  	v4 =	vmul.f32 v6, v4;
	_ =	sdelay $0x1  }
0x21d: {  	v4 =	vadd.f32 v4, v8;
	_ =	sdelay $0x1  }
0x21e: {  	[tilespmem:s23+$0x3E0] =	vst v4  }
0x21f: {  	v4 =	vld [tilespmem:$0x18370]  }
0x220: {  	v6 =	vsub.f32 v7, v14  }
0x221: {  	v7 =	vld [tilespmem:$0x183F0]  }
0x222: {  	v5 =	vmul.f32 v5, v6;
	_ =	sdelay $0x1  }
0x223: {  	v4 =	vmul.f32 v4, v5  }
0x224: {  	s9 =	sshll.u32 s14, $0xF  }
0x225: {  	s9 =	sadd.s32 s15, s9;
	v4 =	vadd.f32 v7, v4  }
0x226: {  	s9 =	sshrl.u32 s9, $0x3  }
0x227: {  	s9 =	sadd.s32 s10, s9;
	[tilespmem:s23+$0x3F0] =	vst v4  }
0x228: {  	[hbm4b:s9+s11] =	stream.linear.scatter [tilespmem:s25], [sflag:$0x7], $0x4000, $0x38;
	[tilespmem:$0x18400] =	vst v63  }
0x229: {  	_ =	swait.ge [sflag:s21], $0x4000  }
0x22a: {  	[sflag:s21] =	ssyncset.done $0x0  }
0x22b: {  	[sflag:s21] =	ssyncadd.s32 $0xFFFFC000  }
0x22c: {  	_ =	swait.ge [sflag:s26], $0x4000  }
0x22d: {  	[sflag:s26] =	ssyncset.done $0x0  }
0x22e: {  	[sflag:s26] =	ssyncadd.s32 $0xFFFFC000  }
0x22f: {  	_ =	swait.ge [sflag:s28], $0x4000  }
0x230: {  	p0 =	seq.s32 s14, $0x63;
	[sflag:s28] =	ssyncset.done $0x0  }
0x231: {  	s9 =	sshll.u32 @!p0 s14, $0x8;
	[sflag:s28] =	ssyncadd.s32 $0xFFFFC000  }
0x232: {  	s9 =	sadd.s32 @!p0 s9, s19;
	_ =	swait.ge [sflag:s22], $0x4000  }
0x233: {  	s9 =	sshrl.u32 @!p0 s9, $0x3;
	[sflag:s22] =	ssyncset.done $0x0  }
0x234: {  	s20 =	simm.s32 @!p0 $0x0;
	s13 =	sadd.s32 @!p0 s0, s9;
	[sflag:s22] =	ssyncadd.s32 $0xFFFFC000  }
0x235: {  	[tilespmem:s20], [sflag:$0x9] =	stream.linear.gather @!p0 [hbm4b:s13+s20], $0x80, $0x38;
	[tilespmem:$0x18400] =	vst v63  }
0x236: {  	s13 =	simm.s32 @!p0 $0x9  }
0x237: {  	_ =	swait.ge @!p0 [sflag:s13], $0x80  }
0x238: {  	[sflag:s13] =	ssyncset.done @!p0 $0x0  }
0x239: {  	s16 =	simm.s32 @!p0 $0x100;
	s23 =	sadd.s32 @!p0 s1, s9;
	[sflag:s13] =	ssyncadd.s32 @!p0 $0xFFFFFF80  }
0x23a: {  	[tilespmem:s16], [sflag:$0x9] =	stream.linear.gather @!p0 [hbm4b:s23+s20], $0x80, $0x38;
	[tilespmem:$0x18400] =	vst v63  }
0x23b: {  	_ =	swait.ge @!p0 [sflag:s13], $0x80  }
0x23c: {  	[sflag:s13] =	ssyncset.done @!p0 $0x0  }
0x23d: {  	s9 =	sadd.s32 @!p0 s2, s9;
	s23 =	simm.s32 @!p0 $0x200;
	[sflag:s13] =	ssyncadd.s32 @!p0 $0xFFFFFF80  }
0x23e: {  	[tilespmem:s23], [sflag:$0x9] =	stream.linear.gather @!p0 [hbm4b:s9+s20], $0x80, $0x38;
	[tilespmem:$0x18400] =	vst v63  }
0x23f: {  	_ =	swait.ge @!p0 [sflag:s13], $0x80  }
0x240: {  	[sflag:s13] =	ssyncset.done @!p0 $0x0  }
0x241: {  	s9 =	simm.s32 @!p0 $0x80;
	[sflag:s13] =	ssyncadd.s32 @!p0 $0xFFFFFF80;
	s13 =	simm.s32 @!p0 $0x300  }
0x242: {  	[tilespmem:s13], [sflag:$0x1] =	stream.indirect.gather @!p0 [hbm4b:s3+s9], $0x80, s20, s9, $0xb8;
	[tilespmem:$0x18400] =	vst v63  }
0x243: {  	s13 =	simm.s32 @!p0 $0x8300  }
0x244: {  	[tilespmem:s13], [sflag:$0x3] =	stream.indirect.gather @!p0 [hbm4b:s5+s9], $0x80, s16, s9, $0xb8;
	[tilespmem:$0x18400] =	vst v63  }
0x245: {  	s20 =	simm.s32 $0x0;
	s13 =	simm.s32 @!p0 $0x10300  }
0x246: {  	[tilespmem:s13], [sflag:$0x5] =	stream.indirect.gather @!p0 [hbm4b:s6+s9], $0x80, s23, s9, $0xb8;
	[tilespmem:$0x18400] =	vst v63  }
0x247: {  	v4 =	vld [tilespmem:s20+$0xC300]  }
0x248: {  	v7 =	vld [tilespmem:s20+$0xC310]  }
0x249: {  	v9 =	vld [tilespmem:s20+$0xC320]  }
0x24a: {  	v5 =	vld [tilespmem:s20+$0x14350]  }
0x24b: {  	v10 =	vld [tilespmem:s20+$0xC330]  }
0x24c: {  	v6 =	vld [tilespmem:s20+$0xC340]  }
0x24d: {  	v8 =	vld [tilespmem:s20+$0xC350]  }
0x24e: {  	v11 =	vld [tilespmem:s20+$0x4350]  }
0x24f: {  	v12 =	vld [tilespmem:s20+$0x4340]  }
0x250: {  	v13 =	vld [tilespmem:s20+$0x14340]  }
0x251: {  	v14 =	vld [tilespmem:s20+$0xC360]  }
0x252: {  	v15 =	vld [tilespmem:s20+$0x4360]  }
0x253: {  	v16 =	vld [tilespmem:s20+$0x14360]  }
0x254: {  	v17 =	vld [tilespmem:s20+$0xC370]  }
0x255: {  	v18 =	vld [tilespmem:s20+$0x14310]  }
0x256: {  	v19 =	vld [tilespmem:s20+$0x14330]  }
0x257: {  	v20 =	vld [tilespmem:s20+$0x4330]  }
0x258: {  	v21 =	vld [tilespmem:s20+$0x4320];
	v11 =	vadd.f32 v8, v11;
	v6 =	vadd.f32 v6, v12  }
0x259: {  	v12 =	vld [tilespmem:s20+$0x14320]  }
0x25a: {  	v8 =	vadd.f32 v13, v6;
	v6 =	vadd.f32 v5, v11;
	v11 =	vld [tilespmem:s20+$0x4310]  }
0x25b: {  	v13 =	vld [tilespmem:s20+$0x4300]  }
0x25c: {  	v14 =	vadd.f32 v14, v15;
	v15 =	vld [tilespmem:s20+$0x4370];
	v5 =	vmul.f32 v8, v8;
	v22 =	vmul.f32 v6, v6  }
0x25d: {  	v10 =	vadd.f32 v10, v20;
	v20 =	vld [tilespmem:s20+$0x14300];
	v9 =	vadd.f32 v9, v21  }
0x25e: {  	v22 =	vadd.f32 v22, v5;
	v5 =	vadd.f32 v16, v14;
	v16 =	vld [tilespmem:s20+$0x14370]  }
0x25f: {  	v23 =	vadd.f32 v6, v8;
	v14 =	vadd.f32 v19, v10  }
0x260: {  	v7 =	vadd.f32 v7, v11;
	v4 =	vadd.f32 v4, v13  }
0x261: {  	v11 =	vadd.f32 v12, v9;
	v9 =	vadd.f32 v17, v15;
	v10 =	vmul.f32 v5, v5  }
0x262: {  	v12 =	vmul.f32 v14, v14;
	v7 =	vadd.f32 v18, v7;
	v15 =	vadd.f32 v20, v4  }
0x263: {  	v13 =	vadd.f32 v14, v11;
	v17 =	vmul.f32 v11, v11;
	v4 =	vadd.f32 v16, v9  }
0x264: {  	v9 =	vmul.f32 v7, v7;
	v16 =	vadd.f32 v7, v15;
	v18 =	vmul.f32 v15, v15  }
0x265: {  	v12 =	vadd.f32 v12, v17;
	v17 =	vadd.f32 v4, v5;
	v19 =	vmul.f32 v4, v4  }
0x266: {  	v13 =	vadd.f32 v13, v16;
	v9 =	vadd.f32 v9, v18  }
0x267: {  	v16 =	vadd.f32 v17, v23;
	v10 =	vadd.f32 v19, v10  }
0x268: {  	v9 =	vadd.f32 v12, v9  }
0x269: {  	v12 =	vadd.f32 v16, v13;
	v10 =	vadd.f32 v10, v22;
	_ =	sdelay $0x1  }
0x26a: {  	v13 =	vperm.xlane v12, v0;
	v9 =	vadd.f32 v10, v9;
	_ =	sdelay $0x1  }
0x26b: {  	v10 =	vadd.f32 v12, v13;
	v12 =	vperm.xlane v9, v0;
	_ =	sdelay $0x1  }
0x26c: {  	v13 =	vperm.xlane v10, v1;
	v9 =	vadd.f32 v12, v9;
	_ =	sdelay $0x1  }
0x26d: {  	v10 =	vadd.f32 v10, v13;
	v12 =	vperm.xlane v9, v1;
	_ =	sdelay $0x1  }
0x26e: {  	v13 =	vperm.xlane v10, v2;
	v9 =	vadd.f32 v12, v9;
	_ =	sdelay $0x1  }
0x26f: {  	v10 =	vadd.f32 v10, v13;
	v12 =	vperm.xlane v9, v2;
	_ =	sdelay $0x1  }
0x270: {  	v13 =	vperm.xlane v10, v3;
	v12 =	vadd.f32 v12, v9;
	_ =	sdelay $0x1  }
0x271: {  	v9 =	vadd.f32 v10, v13;
	v10 =	vperm.xlane v12, v3;
	_ =	sdelay $0x1  }
0x272: {  	v9 =	vmul.f32 $7.812500000e-03, v9;
	v10 =	vadd.f32 v10, v12;
	_ =	sdelay $0x1  }
0x273: {  	v10 =	vmul.f32 $7.812500000e-03, v10;
	v12 =	vmul.f32 v9, v9;
	_ =	sdelay $0x1  }
0x274: {  	v10 =	vsub.f32 v10, v12;
	_ =	sdelay $0x1  }
0x275: {  	v10 =	vadd.f32 $9.999999960e-13, v10;
	_ =	sdelay $0x1  }
0x276: {  	v12 =	vshra.s32 v10, $0x1;
	v10 =	vmul.f32 $5.000000000e-01, v10  }
0x277: {  	v12 =	vsub.s32 $0x5F3759DF, v12  }
0x278: {  	v13 =	vmul.f32 v12, v10;
	_ =	sdelay $0x1  }
0x279: {  	v13 =	vmul.f32 v12, v13;
	_ =	sdelay $0x1  }
0x27a: {  	v13 =	vsub.f32 $1.500000000e+00, v13;
	_ =	sdelay $0x1  }
0x27b: {  	v12 =	vmul.f32 v12, v13;
	_ =	sdelay $0x1  }
0x27c: {  	v13 =	vmul.f32 v12, v10;
	_ =	sdelay $0x1  }
0x27d: {  	v13 =	vmul.f32 v13, v12;
	_ =	sdelay $0x1  }
0x27e: {  	v13 =	vsub.f32 $1.500000000e+00, v13  }
0x27f: {  	v43 =	vld [tilespmem:s20+$0x143A0]  }
0x280: {  	v44 =	vld [tilespmem:s20+$0xC3C0];
	v12 =	vmul.f32 v13, v12  }
0x281: {  	v45 =	vld [tilespmem:s20+$0xC3B0]  }
0x282: {  	v46 =	vld [tilespmem:$0x18300];
	v10 =	vmul.f32 v12, v10  }
0x283: {  	v47 =	vld [tilespmem:s20+$0xC3A0]  }
0x284: {  	v48 =	vld [tilespmem:s20+$0xC390];
	v10 =	vmul.f32 v10, v12  }
0x285: {  	v49 =	vld [tilespmem:s20+$0x4380]  }
0x286: {  	v50 =	vld [tilespmem:s20+$0x4390];
	v10 =	vsub.f32 $1.500000000e+00, v10  }
0x287: {  	v51 =	vld [tilespmem:s20+$0x43B0]  }
0x288: {  	v53 =	vld [tilespmem:s20+$0x43D0];
	v13 =	vmul.f32 v10, v12;
	v10 =	vsub.f32 v15, v9  }
0x289: {  	v15 =	vld [tilespmem:$0x18380]  }
0x28a: {  	v54 =	vld [tilespmem:s20+$0x43C0];
	v10 =	vmul.f32 v13, v10  }
0x28b: {  	v56 =	vld [tilespmem:s20+$0x43F0]  }
0x28c: {  	v57 =	vld [tilespmem:s20+$0x143C0];
	v10 =	vmul.f32 v10, v46  }
0x28d: {  	v21 =	vld [tilespmem:s20+$0xC3D0]  }
0x28e: {  	v20 =	vld [tilespmem:s20+$0x143D0];
	v10 =	vadd.f32 v10, v15  }
0x28f: {  	v17 =	vld [tilespmem:s20+$0xC3F0]  }
0x290: {  	v12 =	vld [tilespmem:s20+$0xC380];
	[tilespmem:s20+$0x4300] =	vst v10  }
0x291: {  	v10 =	vld [tilespmem:$0x18310]  }
0x292: {  	v7 =	vsub.f32 v7, v9;
	v15 =	vld [tilespmem:s20+$0x43A0]  }
0x293: {  	v52 =	vld [tilespmem:$0x18390]  }
0x294: {  	v16 =	vld [tilespmem:s20+$0x143F0];
	v7 =	vmul.f32 v13, v7  }
0x295: {  	v26 =	vadd.f32 v45, v51;
	v23 =	vld [tilespmem:s20+$0x143B0]  }
0x296: {  	v25 =	vadd.f32 v44, v54;
	v21 =	vadd.f32 v21, v53;
	v18 =	vld [tilespmem:s20+$0x14390];
	v7 =	vmul.f32 v7, v10  }
0x297: {  	v22 =	vld [tilespmem:s20+$0x14380];
	v17 =	vadd.f32 v17, v56;
	v27 =	vadd.f32 v12, v49  }
0x298: {  	v19 =	vld [tilespmem:s20+$0xC3E0];
	v12 =	vadd.f32 v47, v15;
	v7 =	vadd.f32 v7, v52  }
0x299: {  	v17 =	vadd.f32 v16, v17;
	v55 =	vsub.f32 v11, v9;
	v10 =	vld [tilespmem:s20+$0x43E0]  }
0x29a: {  	v11 =	vadd.f32 v43, v12;
	v12 =	vadd.f32 v23, v26;
	v23 =	vld [tilespmem:s20+$0x143E0];
	[tilespmem:s20+$0x4310] =	vst v7  }
0x29b: {  	v63 =	vmul.f32 v17, v17;
	v15 =	vadd.f32 v48, v50;
	v7 =	vadd.f32 v20, v21;
	v20 =	vld [tilespmem:$0x18320]  }
0x29c: {  	v16 =	vmul.f32 v13, v55;
	v22 =	vadd.f32 v22, v27;
	v26 =	vadd.f32 v12, v11  }
0x29d: {  	v58 =	vmul.f32 v12, v12;
	v21 =	vadd.f32 v18, v15;
	v15 =	vadd.f32 v57, v25;
	v59 =	vld [tilespmem:$0x183A0]  }
0x29e: {  	v10 =	vadd.f32 v19, v10;
	v19 =	vmul.f32 v11, v11;
	v18 =	vmul.f32 v7, v7  }
0x29f: {  	v60 =	vadd.f32 v21, v22;
	v61 =	vadd.f32 v7, v15;
	v33 =	vmul.f32 v21, v21  }
0x2a0: {  	v34 =	vmul.f32 v15, v15;
	v10 =	vadd.f32 v23, v10;
	v16 =	vmul.f32 v16, v20  }
0x2a1: {  	v19 =	vadd.f32 v58, v19;
	v23 =	vmul.f32 v22, v22;
	v25 =	vadd.f32 v26, v60  }
0x2a2: {  	v62 =	vadd.f32 v17, v10;
	v20 =	vmul.f32 v10, v10;
	v16 =	vadd.f32 v16, v59  }
0x2a3: {  	v18 =	vadd.f32 v18, v34;
	v23 =	vadd.f32 v33, v23  }
0x2a4: {  	v35 =	vadd.f32 v62, v61;
	v20 =	vadd.f32 v63, v20;
	[tilespmem:s20+$0x4320] =	vst v16  }
0x2a5: {  	v14 =	vsub.f32 v14, v9;
	v19 =	vadd.f32 v19, v23;
	v36 =	vld [tilespmem:$0x18330]  }
0x2a6: {  	v16 =	vadd.f32 v35, v25;
	v18 =	vadd.f32 v20, v18  }
0x2a7: {  	v20 =	vld [tilespmem:$0x183B0]  }
0x2a8: {  	v14 =	vmul.f32 v13, v14;
	v23 =	vperm.xlane v16, v0;
	v18 =	vadd.f32 v18, v19;
	_ =	sdelay $0x1  }
0x2a9: {  	v16 =	vadd.f32 v16, v23;
	v19 =	vperm.xlane v18, v0;
	v14 =	vmul.f32 v14, v36;
	_ =	sdelay $0x1  }
0x2aa: {  	v23 =	vperm.xlane v16, v1;
	v18 =	vadd.f32 v19, v18;
	v14 =	vadd.f32 v14, v20;
	_ =	sdelay $0x1  }
0x2ab: {  	v16 =	vadd.f32 v16, v23;
	v19 =	vperm.xlane v18, v1;
	[tilespmem:s20+$0x4330] =	vst v14  }
0x2ac: {  	v14 =	vld [tilespmem:$0x18340]  }
0x2ad: {  	v8 =	vsub.f32 v8, v9;
	v20 =	vperm.xlane v16, v2;
	v18 =	vadd.f32 v19, v18  }
0x2ae: {  	v19 =	vld [tilespmem:$0x183C0]  }
0x2af: {  	v8 =	vmul.f32 v13, v8;
	v16 =	vadd.f32 v16, v20;
	v20 =	vperm.xlane v18, v2;
	_ =	sdelay $0x1  }
0x2b0: {  	v23 =	vperm.xlane v16, v3;
	v20 =	vadd.f32 v20, v18;
	v8 =	vmul.f32 v8, v14;
	_ =	sdelay $0x1  }
0x2b1: {  	v14 =	vadd.f32 v16, v23;
	v16 =	vperm.xlane v20, v3;
	v8 =	vadd.f32 v8, v19;
	_ =	sdelay $0x1  }
0x2b2: {  	v18 =	vmul.f32 $7.812500000e-03, v14;
	v14 =	vadd.f32 v16, v20;
	[tilespmem:s20+$0x4340] =	vst v8  }
0x2b3: {  	v8 =	vld [tilespmem:$0x18350]  }
0x2b4: {  	v6 =	vsub.f32 v6, v9;
	v14 =	vmul.f32 $7.812500000e-03, v14;
	v16 =	vmul.f32 v18, v18  }
0x2b5: {  	v19 =	vld [tilespmem:$0x183D0]  }
0x2b6: {  	v6 =	vmul.f32 v13, v6;
	v14 =	vsub.f32 v14, v16  }
0x2b7: {  	s23 =	simm.s32 $0x100  }
0x2b8: {  	v20 =	vld [tilespmem:s23+$0xC310];
	v14 =	vadd.f32 $9.999999960e-13, v14;
	v6 =	vmul.f32 v6, v8  }
0x2b9: {  	v23 =	vld [tilespmem:s23+$0xC320]  }
0x2ba: {  	v37 =	vld [tilespmem:s23+$0x14350];
	v8 =	vshra.s32 v14, $0x1;
	v14 =	vmul.f32 $5.000000000e-01, v14;
	v6 =	vadd.f32 v6, v19  }
0x2bb: {  	v16 =	vld [tilespmem:s23+$0xC300];
	v8 =	vsub.s32 $0x5F3759DF, v8  }
0x2bc: {  	v19 =	vld [tilespmem:s23+$0xC330];
	v38 =	vmul.f32 v8, v14;
	[tilespmem:s20+$0x4350] =	vst v6  }
0x2bd: {  	v6 =	vld [tilespmem:$0x18360]  }
0x2be: {  	v5 =	vsub.f32 v5, v9;
	v25 =	vmul.f32 v8, v38  }
0x2bf: {  	v39 =	vld [tilespmem:$0x183E0]  }
0x2c0: {  	v5 =	vmul.f32 v13, v5;
	v25 =	vsub.f32 $1.500000000e+00, v25;
	_ =	sdelay $0x1  }
0x2c1: {  	v40 =	vld [tilespmem:s23+$0xC340];
	v8 =	vmul.f32 v8, v25;
	v5 =	vmul.f32 v5, v6  }
0x2c2: {  	v41 =	vld [tilespmem:s23+$0xC350]  }
0x2c3: {  	v43 =	vld [tilespmem:s23+$0x4340];
	v42 =	vmul.f32 v8, v14;
	v5 =	vadd.f32 v5, v39  }
0x2c4: {  	v44 =	vld [tilespmem:s23+$0x14340]  }
0x2c5: {  	v6 =	vld [tilespmem:s23+$0x4350];
	v28 =	vmul.f32 v42, v8;
	[tilespmem:s20+$0x4360] =	vst v5  }
0x2c6: {  	v5 =	vld [tilespmem:$0x18370]  }
0x2c7: {  	v4 =	vsub.f32 v4, v9;
	v9 =	vsub.f32 $1.500000000e+00, v28  }
0x2c8: {  	v45 =	vld [tilespmem:$0x183F0]  }
0x2c9: {  	v4 =	vmul.f32 v13, v4;
	v8 =	vmul.f32 v9, v8;
	_ =	sdelay $0x1  }
0x2ca: {  	v9 =	vmul.f32 v8, v14;
	v4 =	vmul.f32 v5, v4;
	_ =	sdelay $0x1  }
0x2cb: {  	v13 =	vld [tilespmem:s23+$0xC360];
	v5 =	vmul.f32 v9, v8;
	v4 =	vadd.f32 v45, v4  }
0x2cc: {  	v14 =	vld [tilespmem:s23+$0x14360]  }
0x2cd: {  	v9 =	vld [tilespmem:s23+$0x4360];
	v5 =	vsub.f32 $1.500000000e+00, v5;
	[tilespmem:s20+$0x4370] =	vst v4  }
0x2ce: {  	v4 =	vld [tilespmem:$0x18300]  }
0x2cf: {  	v8 =	vmul.f32 v5, v8;
	v5 =	vsub.f32 v22, v18  }
0x2d0: {  	v22 =	vld [tilespmem:$0x18380]  }
0x2d1: {  	v5 =	vmul.f32 v8, v5;
	_ =	sdelay $0x1  }
0x2d2: {  	v4 =	vmul.f32 v5, v4;
	_ =	sdelay $0x1  }
0x2d3: {  	v46 =	vld [tilespmem:s23+$0x14370];
	v4 =	vadd.f32 v4, v22  }
0x2d4: {  	v47 =	vld [tilespmem:s23+$0x14310]  }
0x2d5: {  	v22 =	vld [tilespmem:s23+$0xC370];
	[tilespmem:s20+$0x4380] =	vst v4  }
0x2d6: {  	v4 =	vld [tilespmem:$0x18310]  }
0x2d7: {  	v5 =	vsub.f32 v21, v18;
	v48 =	vld [tilespmem:$0x18390]  }
0x2d8: {  	v21 =	vld [tilespmem:s23+$0x14330]  }
0x2d9: {  	v51 =	vsub.f32 v11, v18;
	v5 =	vmul.f32 v8, v5;
	v49 =	vld [tilespmem:s23+$0x4330]  }
0x2da: {  	v11 =	vadd.f32 v40, v43;
	v6 =	vadd.f32 v41, v6;
	v50 =	vld [tilespmem:s23+$0x14320]  }
0x2db: {  	v53 =	vsub.f32 v12, v18;
	v12 =	vsub.f32 v15, v18;
	v52 =	vld [tilespmem:s23+$0x4320];
	v15 =	vmul.f32 v5, v4  }
0x2dc: {  	v54 =	vld [tilespmem:s23+$0x4310];
	v5 =	vadd.f32 v44, v11;
	v4 =	vadd.f32 v37, v6  }
0x2dd: {  	v11 =	vld [tilespmem:s23+$0x4300];
	v6 =	vadd.f32 v13, v9;
	v9 =	vadd.f32 v15, v48  }
0x2de: {  	v13 =	vld [tilespmem:s23+$0x4370];
	v24 =	vadd.f32 v4, v5;
	v15 =	vadd.f32 v19, v49  }
0x2df: {  	v19 =	vld [tilespmem:s23+$0x14300];
	v26 =	vmul.f32 v5, v5;
	v6 =	vadd.f32 v14, v6;
	v55 =	vmul.f32 v4, v4;
	[tilespmem:s20+$0x4390] =	vst v9  }
0x2e0: {  	v9 =	vadd.f32 v23, v52;
	v14 =	vadd.f32 v21, v15;
	v21 =	vld [tilespmem:$0x18320]  }
0x2e1: {  	v23 =	vadd.f32 v55, v26;
	v56 =	vmul.f32 v6, v6;
	v15 =	vadd.f32 v20, v54  }
0x2e2: {  	v20 =	vld [tilespmem:$0x183A0];
	v57 =	vadd.f32 v16, v11;
	v16 =	vadd.f32 v50, v9;
	v58 =	vmul.f32 v14, v14  }
0x2e3: {  	v11 =	vadd.f32 v47, v15;
	v9 =	vadd.f32 v22, v13;
	v13 =	vmul.f32 v8, v51  }
0x2e4: {  	v15 =	vadd.f32 v19, v57;
	v19 =	vadd.f32 v14, v16;
	v22 =	vmul.f32 v16, v16  }
0x2e5: {  	v9 =	vadd.f32 v46, v9;
	v59 =	vmul.f32 v11, v11;
	v13 =	vmul.f32 v13, v21  }
0x2e6: {  	v60 =	vmul.f32 v15, v15;
	v21 =	vadd.f32 v11, v15;
	v22 =	vadd.f32 v58, v22  }
0x2e7: {  	v61 =	vadd.f32 v9, v6;
	v62 =	vmul.f32 v9, v9;
	v20 =	vadd.f32 v13, v20  }
0x2e8: {  	v19 =	vadd.f32 v19, v21;
	v21 =	vadd.f32 v59, v60  }
0x2e9: {  	v24 =	vadd.f32 v61, v24;
	v63 =	vadd.f32 v62, v56;
	[tilespmem:s20+$0x43A0] =	vst v20  }
0x2ea: {  	v10 =	vsub.f32 v10, v18;
	v21 =	vadd.f32 v22, v21;
	v20 =	vld [tilespmem:$0x18330]  }
0x2eb: {  	v19 =	vadd.f32 v24, v19;
	v23 =	vadd.f32 v63, v23  }
0x2ec: {  	v13 =	vsub.f32 v7, v18;
	v7 =	vsub.f32 v17, v18;
	v18 =	vld [tilespmem:$0x183B0]  }
0x2ed: {  	s13 =	simm.s32 $0x800;
	v17 =	vmul.f32 v8, v53;
	v22 =	vperm.xlane v19, v0;
	v21 =	vadd.f32 v23, v21  }
.LBB2_5:
0x2ee: {  	_ = 	snop  }
0x2ef: {  	p0 =	sne.s32 s13, $0xFC00;
	s9 =	smov.u32 s13;
	s13 =	sadd.s32 $0x400, s13;
	v19 =	vadd.f32 v19, v22;
	v22 =	vperm.xlane v21, v0;
	v17 =	vmul.f32 v17, v20  }
0x2f0: {  	_ = 	snop  }
0x2f1: {  	v20 =	vperm.xlane v19, v1;
	v21 =	vadd.f32 v22, v21;
	v17 =	vadd.f32 v17, v18;
	_ =	sdelay $0x1  }
0x2f2: {  	v18 =	vadd.f32 v19, v20;
	v19 =	vperm.xlane v21, v1;
	[tilespmem:s20+$0x43B0] =	vst v17  }
0x2f3: {  	v17 =	vld [tilespmem:$0x18340]  }
0x2f4: {  	v20 =	vperm.xlane v18, v2;
	v19 =	vadd.f32 v19, v21;
	v21 =	vld [tilespmem:$0x183C0];
	_ =	sdelay $0x1  }
0x2f5: {  	v12 =	vmul.f32 v8, v12;
	v18 =	vadd.f32 v18, v20;
	v20 =	vperm.xlane v19, v2;
	_ =	sdelay $0x1  }
0x2f6: {  	v22 =	vperm.xlane v18, v3;
	v19 =	vadd.f32 v20, v19;
	v12 =	vmul.f32 v12, v17;
	_ =	sdelay $0x1  }
0x2f7: {  	v17 =	vadd.f32 v18, v22;
	v18 =	vperm.xlane v19, v3;
	v12 =	vadd.f32 v12, v21;
	_ =	sdelay $0x1  }
0x2f8: {  	v17 =	vmul.f32 $7.812500000e-03, v17;
	v18 =	vadd.f32 v18, v19;
	[tilespmem:s20+$0x43C0] =	vst v12  }
0x2f9: {  	v19 =	vld [tilespmem:$0x18350]  }
0x2fa: {  	v18 =	vmul.f32 $7.812500000e-03, v18;
	v20 =	vmul.f32 v17, v17;
	v16 =	vsub.f32 v16, v17;
	v21 =	vld [tilespmem:$0x183D0]  }
0x2fb: {  	v14 =	vsub.f32 v14, v17;
	v12 =	vsub.f32 v5, v17  }
0x2fc: {  	v13 =	vmul.f32 v8, v13;
	v5 =	vsub.f32 v4, v17;
	v18 =	vsub.f32 v18, v20  }
0x2fd: {  	v4 =	vsub.f32 v6, v17;
	v6 =	vsub.f32 v9, v17  }
0x2fe: {  	v9 =	vadd.f32 $9.999999960e-13, v18;
	v13 =	vmul.f32 v13, v19;
	_ =	sdelay $0x1  }
0x2ff: {  	v18 =	vshra.s32 v9, $0x1;
	v9 =	vmul.f32 $5.000000000e-01, v9;
	v13 =	vadd.f32 v13, v21  }
0x300: {  	v18 =	vsub.s32 $0x5F3759DF, v18  }
0x301: {  	v19 =	vmul.f32 v18, v9;
	[tilespmem:s20+$0x43D0] =	vst v13  }
0x302: {  	v13 =	vld [tilespmem:$0x18360]  }
0x303: {  	v19 =	vmul.f32 v18, v19;
	v20 =	vld [tilespmem:$0x183E0];
	_ =	sdelay $0x1  }
0x304: {  	v10 =	vmul.f32 v8, v10;
	v19 =	vsub.f32 $1.500000000e+00, v19;
	_ =	sdelay $0x1  }
0x305: {  	v18 =	vmul.f32 v18, v19;
	v10 =	vmul.f32 v10, v13;
	_ =	sdelay $0x1  }
0x306: {  	v13 =	vmul.f32 v18, v9;
	v19 =	vld [tilespmem:s23+$0x143F0];
	v10 =	vadd.f32 v10, v20  }
0x307: {  	v20 =	vld [tilespmem:s23+$0xC3F0]  }
0x308: {  	v13 =	vmul.f32 v13, v18;
	v21 =	vld [tilespmem:s23+$0x14390];
	[tilespmem:s20+$0x43E0] =	vst v10  }
0x309: {  	v10 =	vld [tilespmem:$0x18370]  }
0x30a: {  	v13 =	vsub.f32 $1.500000000e+00, v13;
	v22 =	vld [tilespmem:$0x183F0]  }
0x30b: {  	v23 =	vld [tilespmem:s23+$0xC3E0]  }
0x30c: {  	v7 =	vmul.f32 v8, v7;
	v13 =	vmul.f32 v13, v18;
	v18 =	vld [tilespmem:s23+$0x143D0]  }
0x30d: {  	v24 =	vld [tilespmem:s23+$0xC3D0]  }
0x30e: {  	v8 =	vmul.f32 v13, v9;
	v9 =	vld [tilespmem:s23+$0x14380];
	v7 =	vmul.f32 v10, v7  }
0x30f: {  	v10 =	vld [tilespmem:s23+$0x143B0]  }
0x310: {  	v8 =	vmul.f32 v8, v13;
	v25 =	vld [tilespmem:s23+$0x143A0];
	v7 =	vadd.f32 v22, v7  }
0x311: {  	v22 =	vld [tilespmem:s23+$0xC3C0]  }
0x312: {  	v8 =	vsub.f32 $1.500000000e+00, v8;
	v26 =	vld [tilespmem:s23+$0xC3B0];
	[tilespmem:s20+$0x43F0] =	vst v7;
	s20 =	smov.u32 s23  }
0x313: {  	v7 =	vld [tilespmem:$0x18300]  }
0x314: {  	v8 =	vmul.f32 v8, v13;
	v13 =	vsub.f32 v15, v17;
	v15 =	vld [tilespmem:s20+$0xC380]  }
0x315: {  	v27 =	vld [tilespmem:$0x18380]  }
0x316: {  	v13 =	vmul.f32 v8, v13;
	v28 =	vld [tilespmem:s20+$0xC3A0]  }
0x317: {  	v29 =	vld [tilespmem:s20+$0xC390]  }
0x318: {  	v7 =	vmul.f32 v13, v7;
	v13 =	vld [tilespmem:s20+$0x4380]  }
0x319: {  	v30 =	vld [tilespmem:s20+$0x4390]  }
0x31a: {  	v7 =	vadd.f32 v7, v27;
	v27 =	vld [tilespmem:s20+$0x43A0]  }
0x31b: {  	v31 =	vld [tilespmem:s20+$0x43B0]  }
0x31c: {  	[tilespmem:s20+$0x4300] =	vst v7;
	v7 =	vld [tilespmem:s20+$0x43C0]  }
0x31d: {  	v32 =	vld [tilespmem:$0x18310];
	v13 =	vadd.f32 v15, v13  }
0x31e: {  	v11 =	vsub.f32 v11, v17;
	v15 =	vadd.f32 v29, v30;
	v17 =	vld [tilespmem:s20+$0x43D0]  }
0x31f: {  	v29 =	vld [tilespmem:$0x18390]  }
0x320: {  	v11 =	vmul.f32 v8, v11;
	v27 =	vadd.f32 v28, v27;
	v26 =	vadd.f32 v26, v31;
	v28 =	vld [tilespmem:s20+$0x43E0]  }
0x321: {  	v7 =	vadd.f32 v22, v7;
	v22 =	vld [tilespmem:s20+$0x43F0]  }
0x322: {  	v25 =	vadd.f32 v25, v27;
	v30 =	vmul.f32 v11, v32;
	v10 =	vadd.f32 v10, v26;
	v26 =	vld [tilespmem:s20+$0x143C0]  }
0x323: {  	v11 =	vadd.f32 v9, v13;
	v9 =	vadd.f32 v24, v17;
	v13 =	vld [tilespmem:s20+$0x143E0]  }
0x324: {  	v17 =	vadd.f32 v30, v29;
	v24 =	vadd.f32 v10, v25;
	v27 =	vmul.f32 v10, v10  }
0x325: {  	v18 =	vadd.f32 v18, v9;
	v23 =	vadd.f32 v23, v28;
	v28 =	vmul.f32 v25, v25  }
0x326: {  	v9 =	vadd.f32 v21, v15;
	[tilespmem:s20+$0x4310] =	vst v17;
	v15 =	vadd.f32 v20, v22  }
0x327: {  	v17 =	vld [tilespmem:$0x18320];
	v7 =	vadd.f32 v26, v7;
	v20 =	vmul.f32 v18, v18;
	v21 =	vadd.f32 v27, v28  }
0x328: {  	v22 =	vadd.f32 v13, v23;
	v19 =	vadd.f32 v19, v15;
	v13 =	vmul.f32 v11, v11  }
0x329: {  	v15 =	vmul.f32 v8, v16;
	v23 =	vadd.f32 v9, v11;
	v16 =	vld [tilespmem:$0x183A0];
	v26 =	vadd.f32 v18, v7  }
0x32a: {  	v27 =	vadd.f32 v19, v22;
	v28 =	vmul.f32 v22, v22;
	v29 =	vmul.f32 v19, v19  }
0x32b: {  	v30 =	vmul.f32 v7, v7;
	v23 =	vadd.f32 v24, v23;
	v24 =	vmul.f32 v9, v9  }
0x32c: {  	v15 =	vmul.f32 v15, v17;
	v17 =	vadd.f32 v27, v26;
	v26 =	vadd.f32 v29, v28  }
0x32d: {  	v20 =	vadd.f32 v20, v30;
	v13 =	vadd.f32 v24, v13  }
0x32e: {  	v15 =	vadd.f32 v15, v16;
	v16 =	vadd.f32 v17, v23  }
0x32f: {  	v13 =	vadd.f32 v21, v13;
	v17 =	vadd.f32 v26, v20  }
0x330: {  	[tilespmem:s20+$0x4320] =	vst v15;
	v15 =	vperm.xlane v16, v0  }
0x331: {  	v13 =	vadd.f32 v17, v13;
	v20 =	vld [tilespmem:$0x18330]  }
0x332: {  	v15 =	vadd.f32 v16, v15  }
0x333: {  	v17 =	vperm.xlane v13, v0;
	v16 =	vld [tilespmem:$0x183B0]  }
0x334: {  	v14 =	vmul.f32 v8, v14;
	v21 =	vperm.xlane v15, v1  }
0x335: {  	v13 =	vadd.f32 v17, v13  }
0x336: {  	v14 =	vmul.f32 v14, v20;
	v15 =	vadd.f32 v15, v21  }
0x337: {  	v17 =	vperm.xlane v13, v1  }
0x338: {  	v14 =	vadd.f32 v14, v16;
	v16 =	vperm.xlane v15, v2  }
0x339: {  	v13 =	vadd.f32 v17, v13  }
0x33a: {  	[tilespmem:s20+$0x4330] =	vst v14;
	v14 =	vadd.f32 v15, v16  }
0x33b: {  	v16 =	vperm.xlane v13, v2;
	v15 =	vld [tilespmem:$0x18340]  }
0x33c: {  	v17 =	vperm.xlane v14, v3  }
0x33d: {  	v13 =	vadd.f32 v16, v13;
	v20 =	vld [tilespmem:$0x183C0]  }
0x33e: {  	v12 =	vmul.f32 v8, v12;
	v14 =	vadd.f32 v14, v17  }
0x33f: {  	v16 =	vperm.xlane v13, v3  }
0x340: {  	v12 =	vmul.f32 v12, v15  }
0x341: {  	v14 =	vmul.f32 $7.812500000e-03, v14;
	v13 =	vadd.f32 v16, v13  }
0x342: {  	v12 =	vadd.f32 v12, v20  }
0x343: {  	v13 =	vmul.f32 $7.812500000e-03, v13;
	v16 =	vmul.f32 v14, v14;
	v15 =	vsub.f32 v25, v14  }
0x344: {  	v17 =	vsub.f32 v10, v14;
	[tilespmem:s20+$0x4340] =	vst v12;
	v12 =	vsub.f32 v7, v14  }
0x345: {  	v16 =	vsub.f32 v13, v16;
	v13 =	vsub.f32 v18, v14;
	v20 =	vld [tilespmem:$0x18350]  }
0x346: {  	v10 =	vsub.f32 v22, v14;
	v7 =	vsub.f32 v19, v14  }
0x347: {  	v19 =	vadd.f32 $9.999999960e-13, v16;
	v18 =	vld [tilespmem:$0x183D0]  }
0x348: {  	s23 =	sshra.s32 s9, $0x2;
	v5 =	vmul.f32 v8, v5  }
0x349: {  	v21 =	vshra.s32 v19, $0x1;
	v19 =	vmul.f32 $5.000000000e-01, v19;
	v16 =	vld [tilespmem:s23+$0xC300]  }
0x34a: {  	v22 =	vld [tilespmem:s23+$0xC310];
	v5 =	vmul.f32 v5, v20;
	v20 =	vsub.s32 $0x5F3759DF, v21  }
0x34b: {  	v21 =	vld [tilespmem:s23+$0xC320];
	v23 =	vmul.f32 v20, v19  }
0x34c: {  	v24 =	vld [tilespmem:s23+$0x14350];
	v5 =	vadd.f32 v5, v18  }
0x34d: {  	v18 =	vld [tilespmem:s23+$0xC330];
	v23 =	vmul.f32 v20, v23  }
0x34e: {  	[tilespmem:s20+$0x4350] =	vst v5  }
0x34f: {  	v5 =	vld [tilespmem:$0x18360];
	v23 =	vsub.f32 $1.500000000e+00, v23  }
0x350: {  	v25 =	vld [tilespmem:$0x183E0]  }
0x351: {  	v26 =	vld [tilespmem:s23+$0xC340];
	v20 =	vmul.f32 v20, v23  }
0x352: {  	v4 =	vmul.f32 v8, v4;
	v23 =	vld [tilespmem:s23+$0xC350]  }
0x353: {  	v27 =	vld [tilespmem:s23+$0x4350];
	v28 =	vmul.f32 v20, v19  }
0x354: {  	v29 =	vld [tilespmem:s23+$0x4340];
	v4 =	vmul.f32 v4, v5  }
0x355: {  	v5 =	vmul.f32 v28, v20  }
0x356: {  	v4 =	vadd.f32 v4, v25  }
0x357: {  	v25 =	vld [tilespmem:s23+$0x14340];
	v5 =	vsub.f32 $1.500000000e+00, v5  }
0x358: {  	v23 =	vadd.f32 v23, v27;
	[tilespmem:s20+$0x4360] =	vst v4  }
0x359: {  	v4 =	vadd.f32 v26, v29;
	v26 =	vld [tilespmem:$0x18370];
	v20 =	vmul.f32 v5, v20;
	_ =	sdelay $0x1  }
0x35a: {  	v27 =	vld [tilespmem:$0x183F0];
	v19 =	vmul.f32 v20, v19  }
0x35b: {  	v6 =	vmul.f32 v8, v6;
	v5 =	vadd.f32 v25, v4;
	v4 =	vadd.f32 v24, v23  }
0x35c: {  	v8 =	vmul.f32 v19, v20  }
0x35d: {  	v19 =	vadd.f32 v4, v5;
	v23 =	vmul.f32 v5, v5;
	v6 =	vmul.f32 v26, v6  }
0x35e: {  	v24 =	vmul.f32 v4, v4;
	v8 =	vsub.f32 $1.500000000e+00, v8  }
0x35f: {  	v25 =	vld [tilespmem:s23+$0xC360];
	v6 =	vadd.f32 v27, v6  }
0x360: {  	v23 =	vadd.f32 v24, v23;
	v26 =	vld [tilespmem:s23+$0x4360];
	v8 =	vmul.f32 v8, v20  }
0x361: {  	v20 =	vld [tilespmem:s23+$0x14360];
	[tilespmem:s20+$0x4370] =	vst v6  }
0x362: {  	v24 =	vld [tilespmem:$0x18300]  }
0x363: {  	v6 =	vsub.f32 v11, v14  }
0x364: {  	v11 =	vld [tilespmem:$0x18380]  }
0x365: {  	v25 =	vadd.f32 v25, v26;
	v26 =	vmul.f32 v8, v6;
	_ =	sdelay $0x1  }
0x366: {  	v6 =	vadd.f32 v20, v25;
	v20 =	vmul.f32 v26, v24;
	_ =	sdelay $0x1  }
0x367: {  	v24 =	vld [tilespmem:s23+$0x14370];
	v25 =	vmul.f32 v6, v6;
	v11 =	vadd.f32 v20, v11  }
0x368: {  	v20 =	vld [tilespmem:s23+$0xC370]  }
0x369: {  	v26 =	vld [tilespmem:s23+$0x14310];
	[tilespmem:s20+$0x4380] =	vst v11  }
0x36a: {  	v11 =	vld [tilespmem:$0x18310]  }
0x36b: {  	v9 =	vsub.f32 v9, v14;
	v14 =	vld [tilespmem:$0x18390]  }
0x36c: {  	v27 =	vld [tilespmem:s23+$0x14330]  }
0x36d: {  	v9 =	vmul.f32 v8, v9;
	v28 =	vld [tilespmem:s23+$0x4330]  }
0x36e: {  	v29 =	vld [tilespmem:s23+$0x14320]  }
0x36f: {  	v30 =	vld [tilespmem:s23+$0x4320];
	v9 =	vmul.f32 v9, v11  }
0x370: {  	v11 =	vld [tilespmem:s23+$0x4310]  }
0x371: {  	v31 =	vld [tilespmem:s23+$0x4300];
	v9 =	vadd.f32 v9, v14  }
0x372: {  	v14 =	vadd.f32 v18, v28;
	v18 =	vld [tilespmem:s23+$0x4370]  }
0x373: {  	v28 =	vld [tilespmem:s23+$0x14300];
	[tilespmem:s20+$0x4390] =	vst v9  }
0x374: {  	v9 =	vadd.f32 v21, v30;
	v14 =	vadd.f32 v27, v14;
	v21 =	vld [tilespmem:$0x18320]  }
0x375: {  	v11 =	vadd.f32 v22, v11;
	v22 =	vld [tilespmem:$0x183A0]  }
0x376: {  	v27 =	vadd.f32 v16, v31;
	v16 =	vadd.f32 v29, v9;
	v29 =	vmul.f32 v14, v14  }
0x377: {  	v11 =	vadd.f32 v26, v11;
	v9 =	vadd.f32 v20, v18;
	v18 =	vmul.f32 v8, v15  }
0x378: {  	v15 =	vadd.f32 v28, v27;
	v20 =	vadd.f32 v14, v16;
	v26 =	vmul.f32 v16, v16  }
0x379: {  	v9 =	vadd.f32 v24, v9;
	v24 =	vmul.f32 v11, v11;
	v18 =	vmul.f32 v18, v21  }
0x37a: {  	v21 =	vadd.f32 v11, v15;
	v27 =	vmul.f32 v15, v15;
	v26 =	vadd.f32 v29, v26  }
0x37b: {  	v28 =	vadd.f32 v9, v6;
	v29 =	vmul.f32 v9, v9;
	v18 =	vadd.f32 v18, v22  }
0x37c: {  	v21 =	vadd.f32 v20, v21;
	v20 =	vadd.f32 v24, v27  }
.Ltmp1:
0x37d: {  	v19 =	vadd.f32 v28, v19;
	v22 =	vadd.f32 v29, v25;
	[tilespmem:s20+$0x43A0] =	vst v18;
	(pc) =	sbr.rel @p0 .LBB2_5-.Ltmp1, $3  }
0x37e: {  	v24 =	vadd.f32 v26, v20;
	v20 =	vld [tilespmem:$0x18330]  }
0x37f: {  	v19 =	vadd.f32 v19, v21;
	v21 =	vadd.f32 v22, v23;
	v18 =	vld [tilespmem:$0x183B0];
	_ =	sdelay $0x1  }
0x380: {  	v17 =	vmul.f32 v8, v17;
	v22 =	vperm.xlane v19, v0;
	v21 =	vadd.f32 v21, v24  }
0x381: {  	_ = 	snop  }
0x382: {  	v17 =	vmul.f32 v17, v20  }
0x383: {  	v19 =	vadd.f32 v19, v22;
	v37 =	vperm.xlane v21, v0  }
0x384: {  	v17 =	vadd.f32 v17, v18  }
0x385: {  	v38 =	vperm.xlane v19, v1;
	v20 =	vadd.f32 v37, v21  }
0x386: {  	[tilespmem:s20+$0x43B0] =	vst v17  }
0x387: {  	v39 =	vadd.f32 v19, v38;
	v40 =	vperm.xlane v20, v1;
	v41 =	vld [tilespmem:$0x18340];
	_ =	sdelay $0x1  }
0x388: {  	v43 =	vld [tilespmem:$0x183C0];
	v42 =	vperm.xlane v39, v2;
	v18 =	vadd.f32 v40, v20  }
0x389: {  	v12 =	vmul.f32 v8, v12  }
0x38a: {  	v17 =	vadd.f32 v39, v42;
	v44 =	vperm.xlane v18, v2  }
0x38b: {  	v12 =	vmul.f32 v12, v41  }
0x38c: {  	v45 =	vperm.xlane v17, v3;
	v18 =	vadd.f32 v44, v18  }
0x38d: {  	v12 =	vadd.f32 v12, v43  }
0x38e: {  	v17 =	vadd.f32 v17, v45;
	v46 =	vperm.xlane v18, v3  }
0x38f: {  	[tilespmem:s20+$0x43C0] =	vst v12  }
0x390: {  	v12 =	vmul.f32 $7.812500000e-03, v17;
	v47 =	vadd.f32 v46, v18;
	v48 =	vld [tilespmem:$0x18350];
	_ =	sdelay $0x1  }
0x391: {  	v50 =	vld [tilespmem:$0x183D0];
	v17 =	vmul.f32 $7.812500000e-03, v47;
	v49 =	vmul.f32 v12, v12  }
0x392: {  	v13 =	vmul.f32 v8, v13  }
0x393: {  	v17 =	vsub.f32 v17, v49  }
0x394: {  	v13 =	vmul.f32 v13, v48  }
0x395: {  	v17 =	vadd.f32 $9.999999960e-13, v17  }
0x396: {  	v13 =	vadd.f32 v13, v50  }
0x397: {  	v51 =	vshra.s32 v17, $0x1;
	v17 =	vmul.f32 $5.000000000e-01, v17  }
0x398: {  	v18 =	vsub.s32 $0x5F3759DF, v51;
	[tilespmem:s20+$0x43D0] =	vst v13  }
0x399: {  	v52 =	vmul.f32 v18, v17;
	v53 =	vld [tilespmem:$0x18360];
	_ =	sdelay $0x1  }
0x39a: {  	v54 =	vld [tilespmem:$0x183E0];
	v13 =	vmul.f32 v18, v52  }
0x39b: {  	v10 =	vmul.f32 v8, v10  }
0x39c: {  	v13 =	vsub.f32 $1.500000000e+00, v13  }
0x39d: {  	v10 =	vmul.f32 v10, v53  }
0x39e: {  	v13 =	vmul.f32 v18, v13  }
0x39f: {  	v55 =	vld [tilespmem:s23+$0xC3F0];
	v10 =	vadd.f32 v10, v54  }
0x3a0: {  	v57 =	vld [tilespmem:s23+$0x14390];
	v56 =	vmul.f32 v13, v17  }
0x3a1: {  	v18 =	vld [tilespmem:s23+$0x143F0];
	[tilespmem:s20+$0x43E0] =	vst v10  }
0x3a2: {  	v58 =	vmul.f32 v56, v13;
	v59 =	vld [tilespmem:$0x18370]  }
0x3a3: {  	v60 =	vld [tilespmem:$0x183F0]  }
0x3a4: {  	v23 =	vld [tilespmem:s23+$0xC3E0];
	v10 =	vsub.f32 $1.500000000e+00, v58  }
0x3a5: {  	v7 =	vmul.f32 v8, v7;
	v24 =	vld [tilespmem:s23+$0x143D0]  }
0x3a6: {  	v61 =	vld [tilespmem:s23+$0xC3D0];
	v10 =	vmul.f32 v10, v13  }
0x3a7: {  	v25 =	vld [tilespmem:s23+$0x14380];
	v7 =	vmul.f32 v59, v7  }
0x3a8: {  	v62 =	vld [tilespmem:s23+$0x143B0];
	v13 =	vmul.f32 v10, v17  }
0x3a9: {  	v63 =	vld [tilespmem:s23+$0x143A0];
	v7 =	vadd.f32 v60, v7  }
0x3aa: {  	v36 =	vld [tilespmem:s23+$0xC3C0];
	v13 =	vmul.f32 v13, v10  }
0x3ab: {  	v26 =	vld [tilespmem:s23+$0xC3B0];
	[tilespmem:s20+$0x43F0] =	vst v7  }
0x3ac: {  	v13 =	vsub.f32 $1.500000000e+00, v13;
	v7 =	vld [tilespmem:$0x18300]  }
0x3ad: {  	v38 =	vld [tilespmem:s23+$0xC380]  }
0x3ae: {  	v37 =	vsub.f32 v15, v12;
	v27 =	vld [tilespmem:$0x18380];
	v13 =	vmul.f32 v13, v10  }
0x3af: {  	v28 =	vld [tilespmem:s23+$0xC3A0]  }
0x3b0: {  	v29 =	vld [tilespmem:s23+$0xC390];
	v10 =	vmul.f32 v13, v37  }
0x3b1: {  	v39 =	vld [tilespmem:s23+$0x4380]  }
0x3b2: {  	v30 =	vld [tilespmem:s23+$0x4390];
	v7 =	vmul.f32 v10, v7  }
0x3b3: {  	v40 =	vld [tilespmem:s23+$0x43A0]  }
0x3b4: {  	v31 =	vld [tilespmem:s23+$0x43B0];
	v7 =	vadd.f32 v7, v27  }
0x3b5: {  	v33 =	vld [tilespmem:s23+$0x43D0]  }
0x3b6: {  	v34 =	vld [tilespmem:s23+$0x43C0];
	[tilespmem:s23+$0x4300] =	vst v7  }
0x3b7: {  	v7 =	vld [tilespmem:$0x18310]  }
0x3b8: {  	v11 =	vsub.f32 v11, v12;
	v42 =	vld [tilespmem:s23+$0x43E0]  }
0x3b9: {  	v32 =	vld [tilespmem:$0x18390]  }
0x3ba: {  	v45 =	vld [tilespmem:s23+$0x43F0];
	v11 =	vmul.f32 v13, v11  }
0x3bb: {  	v16 =	vsub.f32 v16, v12;
	v10 =	vadd.f32 v38, v39  }
0x3bc: {  	v46 =	vld [tilespmem:s23+$0x143C0];
	v41 =	vadd.f32 v28, v40;
	v43 =	vadd.f32 v29, v30;
	v7 =	vmul.f32 v11, v7  }
0x3bd: {  	v47 =	vld [tilespmem:s23+$0x143E0];
	v44 =	vadd.f32 v26, v31;
	v8 =	vadd.f32 v61, v33  }
0x3be: {  	v22 =	vadd.f32 v36, v34;
	v7 =	vadd.f32 v7, v32  }
0x3bf: {  	v51 =	vadd.f32 v23, v42;
	v19 =	vadd.f32 v55, v45  }
0x3c0: {  	v15 =	vadd.f32 v63, v41;
	v25 =	vadd.f32 v25, v10;
	[tilespmem:s23+$0x4310] =	vst v7  }
0x3c1: {  	v8 =	vadd.f32 v24, v8;
	v21 =	vadd.f32 v57, v43;
	v50 =	vld [tilespmem:$0x18320]  }
0x3c2: {  	v16 =	vmul.f32 v13, v16;
	v20 =	vadd.f32 v46, v22;
	v10 =	vadd.f32 v47, v51  }
0x3c3: {  	v52 =	vmul.f32 v15, v15;
	v53 =	vmul.f32 v8, v8;
	v11 =	vadd.f32 v62, v44;
	v54 =	vld [tilespmem:$0x183A0]  }
0x3c4: {  	v56 =	vmul.f32 v25, v25;
	v57 =	vadd.f32 v21, v25;
	v63 =	vmul.f32 v20, v20  }
0x3c5: {  	v58 =	vadd.f32 v8, v20;
	v60 =	vmul.f32 v10, v10;
	v49 =	vmul.f32 v11, v11  }
0x3c6: {  	v22 =	vadd.f32 v53, v63;
	v7 =	vadd.f32 v18, v19;
	v16 =	vmul.f32 v16, v50  }
0x3c7: {  	v62 =	vmul.f32 v21, v21;
	v48 =	vadd.f32 v11, v15;
	v55 =	vadd.f32 v49, v52  }
0x3c8: {  	v59 =	vadd.f32 v7, v10;
	v61 =	vmul.f32 v7, v7;
	v16 =	vadd.f32 v16, v54  }
0x3c9: {  	v19 =	vadd.f32 v48, v57;
	v18 =	vadd.f32 v62, v56  }
0x3ca: {  	v23 =	vadd.f32 v59, v58;
	v24 =	vadd.f32 v61, v60;
	[tilespmem:s23+$0x4320] =	vst v16  }
0x3cb: {  	v14 =	vsub.f32 v14, v12;
	v17 =	vadd.f32 v55, v18;
	v30 =	vld [tilespmem:$0x18330]  }
0x3cc: {  	v29 =	vadd.f32 v23, v19;
	v31 =	vadd.f32 v24, v22  }
0x3cd: {  	v32 =	vld [tilespmem:$0x183B0]  }
0x3ce: {  	v14 =	vmul.f32 v13, v14;
	v23 =	vperm.xlane v29, v0;
	v17 =	vadd.f32 v31, v17;
	_ =	sdelay $0x1  }
0x3cf: {  	v16 =	vadd.f32 v29, v23;
	v18 =	vperm.xlane v17, v0;
	v14 =	vmul.f32 v14, v30;
	_ =	sdelay $0x1  }
0x3d0: {  	v33 =	vperm.xlane v16, v1;
	v17 =	vadd.f32 v18, v17;
	v14 =	vadd.f32 v14, v32;
	_ =	sdelay $0x1  }
0x3d1: {  	v16 =	vadd.f32 v16, v33;
	v18 =	vperm.xlane v17, v1;
	[tilespmem:s23+$0x4330] =	vst v14  }
0x3d2: {  	v14 =	vld [tilespmem:$0x18340]  }
0x3d3: {  	v5 =	vsub.f32 v5, v12;
	v19 =	vperm.xlane v16, v2;
	v17 =	vadd.f32 v18, v17  }
0x3d4: {  	v34 =	vld [tilespmem:$0x183C0]  }
0x3d5: {  	v5 =	vmul.f32 v13, v5;
	v16 =	vadd.f32 v16, v19;
	v35 =	vperm.xlane v17, v2;
	_ =	sdelay $0x1  }
0x3d6: {  	v36 =	vperm.xlane v16, v3;
	v17 =	vadd.f32 v35, v17;
	v5 =	vmul.f32 v5, v14;
	_ =	sdelay $0x1  }
0x3d7: {  	v37 =	vadd.f32 v16, v36;
	v38 =	vperm.xlane v17, v3;
	v5 =	vadd.f32 v5, v34;
	_ =	sdelay $0x1  }
0x3d8: {  	v16 =	vadd.f32 v38, v17;
	v14 =	vmul.f32 $7.812500000e-03, v37;
	[tilespmem:s23+$0x4340] =	vst v5  }
0x3d9: {  	v5 =	vld [tilespmem:$0x18350]  }
0x3da: {  	v4 =	vsub.f32 v4, v12;
	v16 =	vmul.f32 $7.812500000e-03, v16;
	v39 =	vmul.f32 v14, v14  }
0x3db: {  	v40 =	vld [tilespmem:$0x183D0]  }
0x3dc: {  	v4 =	vmul.f32 v13, v4;
	v16 =	vsub.f32 v16, v39;
	_ =	sdelay $0x1  }
0x3dd: {  	v16 =	vadd.f32 $9.999999960e-13, v16;
	v4 =	vmul.f32 v4, v5;
	_ =	sdelay $0x1  }
0x3de: {  	v5 =	vshra.s32 v16, $0x1;
	v16 =	vmul.f32 $5.000000000e-01, v16;
	v4 =	vadd.f32 v4, v40  }
0x3df: {  	v5 =	vsub.s32 $0x5F3759DF, v5  }
0x3e0: {  	v41 =	vmul.f32 v5, v16;
	[tilespmem:s23+$0x4350] =	vst v4  }
0x3e1: {  	v4 =	vld [tilespmem:$0x18360]  }
0x3e2: {  	v6 =	vsub.f32 v6, v12;
	v17 =	vmul.f32 v5, v41  }
0x3e3: {  	v42 =	vld [tilespmem:$0x183E0]  }
0x3e4: {  	v6 =	vmul.f32 v13, v6;
	v17 =	vsub.f32 $1.500000000e+00, v17;
	_ =	sdelay $0x1  }
0x3e5: {  	v5 =	vmul.f32 v5, v17;
	v4 =	vmul.f32 v6, v4;
	_ =	sdelay $0x1  }
0x3e6: {  	v43 =	vmul.f32 v5, v16;
	v4 =	vadd.f32 v4, v42;
	_ =	sdelay $0x1  }
0x3e7: {  	v6 =	vmul.f32 v43, v5;
	[tilespmem:s23+$0x4360] =	vst v4  }
0x3e8: {  	v4 =	vld [tilespmem:$0x18370]  }
0x3e9: {  	v9 =	vsub.f32 v9, v12;
	v6 =	vsub.f32 $1.500000000e+00, v6  }
0x3ea: {  	v44 =	vld [tilespmem:$0x183F0]  }
0x3eb: {  	v45 =	vmul.f32 v13, v9;
	v5 =	vmul.f32 v6, v5;
	_ =	sdelay $0x1  }
0x3ec: {  	v46 =	vmul.f32 v5, v16;
	v4 =	vmul.f32 v4, v45;
	_ =	sdelay $0x1  }
0x3ed: {  	v47 =	vmul.f32 v46, v5;
	v4 =	vadd.f32 v44, v4;
	_ =	sdelay $0x1  }
0x3ee: {  	v6 =	vsub.f32 $1.500000000e+00, v47;
	[tilespmem:s23+$0x4370] =	vst v4  }
0x3ef: {  	v4 =	vld [tilespmem:$0x18300]  }
0x3f0: {  	v48 =	vsub.f32 v25, v14;
	v5 =	vmul.f32 v6, v5  }
0x3f1: {  	v49 =	vld [tilespmem:$0x18380]  }
0x3f2: {  	v6 =	vmul.f32 v5, v48;
	_ =	sdelay $0x1  }
0x3f3: {  	v4 =	vmul.f32 v6, v4;
	_ =	sdelay $0x1  }
0x3f4: {  	v4 =	vadd.f32 v4, v49;
	_ =	sdelay $0x1  }
0x3f5: {  	[tilespmem:s23+$0x4380] =	vst v4  }
0x3f6: {  	v4 =	vld [tilespmem:$0x18310]  }
0x3f7: {  	v50 =	vsub.f32 v21, v14  }
0x3f8: {  	v51 =	vld [tilespmem:$0x18390]  }
0x3f9: {  	v6 =	vmul.f32 v5, v50;
	_ =	sdelay $0x1  }
0x3fa: {  	v4 =	vmul.f32 v6, v4;
	_ =	sdelay $0x1  }
0x3fb: {  	v4 =	vadd.f32 v4, v51;
	_ =	sdelay $0x1  }
0x3fc: {  	[tilespmem:s23+$0x4390] =	vst v4  }
0x3fd: {  	v4 =	vld [tilespmem:$0x18320]  }
0x3fe: {  	v52 =	vsub.f32 v15, v14  }
0x3ff: {  	v53 =	vld [tilespmem:$0x183A0]  }
0x400: {  	v6 =	vmul.f32 v5, v52;
	_ =	sdelay $0x1  }
0x401: {  	v4 =	vmul.f32 v6, v4;
	_ =	sdelay $0x1  }
0x402: {  	v4 =	vadd.f32 v4, v53;
	_ =	sdelay $0x1  }
0x403: {  	[tilespmem:s23+$0x43A0] =	vst v4  }
0x404: {  	v4 =	vld [tilespmem:$0x18330]  }
0x405: {  	v54 =	vsub.f32 v11, v14  }
0x406: {  	v55 =	vld [tilespmem:$0x183B0]  }
0x407: {  	v6 =	vmul.f32 v5, v54;
	_ =	sdelay $0x1  }
0x408: {  	v4 =	vmul.f32 v6, v4;
	_ =	sdelay $0x1  }
0x409: {  	v4 =	vadd.f32 v4, v55;
	_ =	sdelay $0x1  }
0x40a: {  	[tilespmem:s23+$0x43B0] =	vst v4  }
0x40b: {  	v4 =	vld [tilespmem:$0x18340]  }
0x40c: {  	v56 =	vsub.f32 v20, v14  }
0x40d: {  	v57 =	vld [tilespmem:$0x183C0]  }
0x40e: {  	v6 =	vmul.f32 v5, v56;
	_ =	sdelay $0x1  }
0x40f: {  	v4 =	vmul.f32 v6, v4;
	_ =	sdelay $0x1  }
0x410: {  	v4 =	vadd.f32 v4, v57;
	_ =	sdelay $0x1  }
0x411: {  	[tilespmem:s23+$0x43C0] =	vst v4  }
0x412: {  	v4 =	vld [tilespmem:$0x18350]  }
0x413: {  	v58 =	vsub.f32 v8, v14  }
0x414: {  	v59 =	vld [tilespmem:$0x183D0]  }
0x415: {  	v6 =	vmul.f32 v5, v58;
	_ =	sdelay $0x1  }
0x416: {  	v4 =	vmul.f32 v6, v4;
	_ =	sdelay $0x1  }
0x417: {  	v4 =	vadd.f32 v4, v59;
	_ =	sdelay $0x1  }
0x418: {  	[tilespmem:s23+$0x43D0] =	vst v4  }
0x419: {  	v4 =	vld [tilespmem:$0x18360]  }
0x41a: {  	v60 =	vsub.f32 v10, v14  }
0x41b: {  	v61 =	vld [tilespmem:$0x183E0]  }
0x41c: {  	v6 =	vmul.f32 v5, v60;
	_ =	sdelay $0x1  }
0x41d: {  	v4 =	vmul.f32 v6, v4;
	_ =	sdelay $0x1  }
0x41e: {  	v4 =	vadd.f32 v4, v61;
	_ =	sdelay $0x1  }
0x41f: {  	[tilespmem:s23+$0x43E0] =	vst v4  }
0x420: {  	v4 =	vld [tilespmem:$0x18370]  }
0x421: {  	v62 =	vsub.f32 v7, v14  }
0x422: {  	v63 =	vld [tilespmem:$0x183F0]  }
0x423: {  	v5 =	vmul.f32 v5, v62  }
0x424: {  	s14 =	sadd.s32 $0x1, s14  }
0x425: {  	p0 =	sne.s32 s14, $0x64;
	v4 =	vmul.f32 v4, v5  }
.Ltmp2:
0x426: {  	s9 =	sshll.u32 s18, $0xE;
	(pc) =	sbr.rel @p0 .LBB2_2-.Ltmp2, $4  }
0x427: {  	s9 =	sadd.s32 s15, s9;
	v4 =	vadd.f32 v63, v4  }
0x428: {  	s9 =	sshrl.u32 s9, $0x3  }
0x429: {  	s9 =	sadd.s32 s10, s9;
	[tilespmem:s23+$0x43F0] =	vst v4  }
0x42a: {  	[hbm4b:s9+s11] =	stream.linear.scatter [tilespmem:s7], [sflag:$0x8], $0x4000, $0x38;
	[tilespmem:$0x18400] =	vst v63  }
0x42b: {  	s13 =	simm.s32 $0x8  }
0x42c: {  	_ =	swait.ge [sflag:s13], $0x4000  }
0x42d: {  	s14 =	rddreg [dreg:$0xe]  }
0x42e: {  	s9 =	rddreg [dreg:$0xd];
	s14 =	sadd.s32 $0x1, s14  }
0x42f: {  	p0 =	sne.s32 s14, s9  }
.Ltmp3:
0x430: {  	_ = 	snop;
	(pc) =	sbr.rel @p0 .LBB2_1-.Ltmp3, $3  }
0x431: {  	_ =	sdelay $0x1  }
0x432: {  	[sflag:s13] =	ssyncset.done $0x0  }
0x433: {  	[sflag:s13] =	ssyncadd.s32 $0xFFFFC000  }
0x434: {  	_ =	sfence.sel $0x180000  }
0x435: {  	[bflag:$0x0] =	sbarrier.arrive $0xFFFF  }
0x436: {  	_ =	strace $0x90000047  }
0x437: {  	s0 =	stileid.u32;
	[bflag:$0x2] =	sbarrier.arrive $0xFFFF  }
0x438: {  	p0 =	sne.s32 s0, $0x0;
	s0 =	rddreg [dreg:$0x9]  }
0x439: {  	s0 =	sadd.s32 @!p0 $0x100000, s0  }
0x43a: {  	[sflag:s0] =	ssyncadd.tile.s32 @!p0 $0x1;
	_ =	shalt  }
.Lfunc_end2:
_tile_overlayer_lowered:
.L_overlay_start_2:
0x43b: {  	(tag) =	ssettag $0x2  }
0x43c: {  	s0 =	rddreg [dreg:$0x0];
	s2 =	stileid.u32  }
0x43d: {  	s1 =	rddreg [dreg:$0x1];
	p0 =	sne.s32 s2, $0x0  }
0x43e: {  	s3 =	rddreg [dreg:$0x2];
	[bflag:$0x3] =	sbarrier.arrive $0xFFFF;
	s2 =	simm.s32 @!p0 $0x1C09  }
0x43f: {  	[timem:s3], [sflag:s2] =	dma.local @!p0 [hbm:s0], s1  }
0x440: {  	s0 =	simm.s32 @!p0 $0x9  }
0x441: {  	_ =	swait.ge @!p0 [sflag:s0], s1  }
0x442: {  	s1 =	ssub.s32 @!p0 $0x0, s1;
	[sflag:s0] =	ssyncset.done @!p0 $0x0  }
0x443: {  	[sflag:s0] =	ssyncadd.s32 @!p0 s1  }
0x444: {  	[bflag:$0x3] =	sbarrier.arrive $0xFFFF  }
0x445: {  	_ =	shalt  }

</sc_bundles>
